<compile_context>
chip_gen: v7x
topology: tpu7x:2x2x1
jax: 0.10.2.dev20260603
libtpu: 0.0.44.dev20260713+nightly
codegen_flags: <defaults>
</compile_context>

<pallas_src>
import functools

import jax
import jax.numpy as jnp
from jax import lax
from jax.experimental import pallas as pl
from jax.experimental.pallas import tpu as pltpu
from jax.experimental.pallas import tpu_sc as plsc

f32 = jnp.float32
i32 = jnp.int32

N_NODES = 10000
D = 128
N_PAD = 10240
N_SUBCORES = 16
N_CORES = 2
ROWS_PER_TILE = N_PAD // N_SUBCORES
CH = 128
E_PAD = 163840
NCHUNKS = E_PAD // CH
CH_A = NCHUNKS // N_SUBCORES
CH_C = NCHUNKS // (N_SUBCORES * N_CORES)
TCB = 2048
GRID = N_PAD // TCB

_mesh = plsc.VectorSubcoreMesh(core_axis_name="c", subcore_axis_name="s")


@functools.partial(
    pl.kernel,
    mesh=_mesh,
    out_type=(jax.ShapeDtypeStruct((N_PAD,), f32),
              jax.ShapeDtypeStruct((N_PAD,), f32)),
    scratch_types=[
        pltpu.VMEM_SHARED((N_PAD,), f32),
        pltpu.VMEM_SHARED((N_PAD,), f32),
        pltpu.VMEM((CH_A, CH), i32),
        pltpu.VMEM((CH_A, CH), i32),
        pltpu.VMEM((CH,), f32),
        pltpu.VMEM((2, CH), f32),
        pltpu.VMEM((ROWS_PER_TILE,), f32),
        pltpu.SemaphoreType.DMA,
        pltpu.SemaphoreType.DMA,
        pltpu.SemaphoreType.DMA,
        pltpu.SemaphoreType.DMA,
    ],
)
def _precompute(src2d_hbm, dst2d_hbm, deg_out, s_out,
                deg_sp, s_sp, src2d_v, dst2d_v, ones_v, vals_v, tmp_v,
                m0, m1, m2, m3):
    hsem = [m0, m1, m2, m3]
    c0 = lax.axis_index("c")
    t = lax.axis_index("s")
    r0 = t * ROWS_PER_TILE
    pltpu.sync_copy(src2d_hbm.at[pl.ds(t * CH_A, CH_A)], src2d_v)
    pltpu.sync_copy(dst2d_hbm.at[pl.ds(t * CH_A, CH_A)], dst2d_v)
    for k in range(CH // 16):
        ones_v[pl.ds(k * 16, 16)] = jnp.full((16,), 1.0, f32)

    def _zb(i, c):
        tmp_v[pl.ds(i * 16, 16)] = jnp.zeros((16,), f32)
        return c
    lax.fori_loop(0, ROWS_PER_TILE // 16, _zb, 0)
    pltpu.sync_copy(tmp_v, deg_sp.at[pl.ds(r0, ROWS_PER_TILE)])
    pltpu.sync_copy(tmp_v, s_sp.at[pl.ds(r0, ROWS_PER_TILE)])
    plsc.subcore_barrier()

    def _hist(gi, c):
        for b in range(4):
            pltpu.async_copy(ones_v, deg_sp.at[src2d_v.at[gi * 4 + b]],
                             hsem[b], add=True)
        for b in range(4):
            pltpu.make_async_copy(ones_v, deg_sp.at[src2d_v.at[gi * 4 + b]],
                                  hsem[b]).wait()
        return c
    lax.fori_loop(0, CH_A // 4, _hist, 0)
    plsc.subcore_barrier()

    @pl.when(c0 == 0)
    def _write_deg():
        pltpu.sync_copy(deg_sp.at[pl.ds(r0, ROWS_PER_TILE)],
                        deg_out.at[pl.ds(r0, ROWS_PER_TILE)])
    pltpu.sync_copy(deg_sp.at[pl.ds(r0, ROWS_PER_TILE)], tmp_v)

    def _inv(i, c):
        tmp_v[pl.ds(i * 16, 16)] = 1.0 / tmp_v[pl.ds(i * 16, 16)]
        return c
    lax.fori_loop(0, ROWS_PER_TILE // 16, _inv, 0)
    pltpu.sync_copy(tmp_v, deg_sp.at[pl.ds(r0, ROWS_PER_TILE)])
    plsc.subcore_barrier()

    for b in range(2):
        pltpu.async_copy(deg_sp.at[src2d_v.at[b]], vals_v.at[b], hsem[b])

    def _sacc(gi, c):
        for b in range(2):
            ci = gi * 2 + b
            pltpu.make_async_copy(
                deg_sp.at[src2d_v.at[ci]], vals_v.at[b], hsem[b]).wait()
            pltpu.async_copy(
                vals_v.at[b], s_sp.at[dst2d_v.at[ci]], hsem[2 + b], add=True)
        for b in range(2):
            ci = gi * 2 + b
            pltpu.make_async_copy(
                vals_v.at[b], s_sp.at[dst2d_v.at[ci]], hsem[2 + b]).wait()

            @pl.when(ci + 2 < CH_A)
            def _regather():
                pltpu.async_copy(deg_sp.at[src2d_v.at[ci + 2]],
                                 vals_v.at[b], hsem[b])
        return c
    lax.fori_loop(0, CH_A // 2, _sacc, 0)
    plsc.subcore_barrier()

    @pl.when(c0 == 0)
    def _write_s():
        pltpu.sync_copy(s_sp.at[pl.ds(r0, ROWS_PER_TILE)],
                        s_out.at[pl.ds(r0, ROWS_PER_TILE)])


@functools.partial(
    pl.kernel,
    mesh=_mesh,
    out_type=jax.ShapeDtypeStruct((N_CORES, N_PAD, D), f32),
    scratch_types=[
        pltpu.VMEM_SHARED((N_PAD, D), f32),
        pltpu.VMEM((CH_C, CH), i32),
        pltpu.VMEM((CH_C, CH), i32),
        pltpu.VMEM((2, CH, D), f32),
        pltpu.SemaphoreType.DMA,
        pltpu.SemaphoreType.DMA,
        pltpu.SemaphoreType.DMA,
        pltpu.SemaphoreType.DMA,
    ],
)
def _propagate(g_hbm, src2d_hbm, dst2d_hbm, zrows_hbm, out_hbm,
               acc_sp, src_v, dst_v, rows_v,
               g0, g1, s0_, s1_):
    gsem = [g0, g1]
    ssem = [s0_, s1_]
    c0 = lax.axis_index("c")
    s0 = lax.axis_index("s")
    wid = c0 * N_SUBCORES + s0
    r0 = s0 * ROWS_PER_TILE
    pltpu.sync_copy(src2d_hbm.at[pl.ds(wid * CH_C, CH_C)], src_v)
    pltpu.sync_copy(dst2d_hbm.at[pl.ds(wid * CH_C, CH_C)], dst_v)
    pltpu.sync_copy(zrows_hbm, acc_sp.at[pl.ds(r0, ROWS_PER_TILE)])
    plsc.subcore_barrier()

    for b in range(2):
        pltpu.async_copy(g_hbm.at[src_v.at[b]], rows_v.at[b], gsem[b])

    def _edge_grp(gi, c):
        for b in range(2):
            ci = gi * 2 + b
            pltpu.make_async_copy(
                g_hbm.at[src_v.at[ci]], rows_v.at[b], gsem[b]).wait()
            pltpu.async_copy(
                rows_v.at[b], acc_sp.at[dst_v.at[ci]], ssem[b], add=True)
        for b in range(2):
            ci = gi * 2 + b
            pltpu.make_async_copy(
                rows_v.at[b], acc_sp.at[dst_v.at[ci]], ssem[b]).wait()

            @pl.when(ci + 2 < CH_C)
            def _regather():
                pltpu.async_copy(
                    g_hbm.at[src_v.at[ci + 2]], rows_v.at[b], gsem[b])
        return c
    lax.fori_loop(0, CH_C // 2, _edge_grp, 0)
    plsc.subcore_barrier()

    pltpu.sync_copy(acc_sp.at[pl.ds(r0, ROWS_PER_TILE)],
                    out_hbm.at[c0, pl.ds(r0, ROWS_PER_TILE)])


def _b1_body(feat_ref, deg_ref, s_ref, w_ref, g_ref, a_ref):
    dsp = deg_ref[...] * s_ref[...]
    a = jnp.where(dsp > 0, lax.rsqrt(dsp), 0.0)
    rs = jnp.sum(feat_ref[...], axis=1, keepdims=True)
    x0 = jnp.where(rs != 0, feat_ref[...] / rs, 0.0)
    g_ref[...] = a * jnp.dot(x0, w_ref[...], preferred_element_type=f32)
    a_ref[...] = a


_b1 = pl.pallas_call(
    _b1_body,
    grid=(GRID,),
    in_specs=[pl.BlockSpec((TCB, D), lambda i: (i, 0)),
              pl.BlockSpec((TCB, 1), lambda i: (i, 0)),
              pl.BlockSpec((TCB, 1), lambda i: (i, 0)),
              pl.BlockSpec((D, D), lambda i: (0, 0))],
    out_specs=[pl.BlockSpec((TCB, D), lambda i: (i, 0)),
               pl.BlockSpec((TCB, 1), lambda i: (i, 0))],
    out_shape=[jax.ShapeDtypeStruct((N_PAD, D), f32),
               jax.ShapeDtypeStruct((N_PAD, 1), f32)],
)


def _mid_body(p_ref, a_ref, b_ref, w_ref, g_ref):
    agg = p_ref[0] + p_ref[1]
    out = a_ref[...] * agg + b_ref[...]
    out = jnp.where(out >= 0, out, 0.01 * out)
    g_ref[...] = a_ref[...] * jnp.dot(out, w_ref[...],
                                      preferred_element_type=f32)


_mid = pl.pallas_call(
    _mid_body,
    grid=(GRID,),
    in_specs=[pl.BlockSpec((N_CORES, TCB, D), lambda i: (0, i, 0)),
              pl.BlockSpec((TCB, 1), lambda i: (i, 0)),
              pl.BlockSpec((1, D), lambda i: (0, 0)),
              pl.BlockSpec((D, D), lambda i: (0, 0))],
    out_specs=pl.BlockSpec((TCB, D), lambda i: (i, 0)),
    out_shape=jax.ShapeDtypeStruct((N_PAD, D), f32),
)


def _fin_body(p_ref, a_ref, b_ref, o_ref):
    o_ref[...] = a_ref[...] * (p_ref[0] + p_ref[1]) + b_ref[...]


_fin = pl.pallas_call(
    _fin_body,
    grid=(GRID,),
    in_specs=[pl.BlockSpec((N_CORES, TCB, D), lambda i: (0, i, 0)),
              pl.BlockSpec((TCB, 1), lambda i: (i, 0)),
              pl.BlockSpec((1, D), lambda i: (0, 0))],
    out_specs=pl.BlockSpec((TCB, D), lambda i: (i, 0)),
    out_shape=jax.ShapeDtypeStruct((N_PAD, D), f32),
)


def kernel(feat, edge_index, W1, b1, W2, b2, W3, b3):
    src = edge_index[0].astype(i32)
    dst = edge_index[1].astype(i32)
    e = src.shape[0]
    padv = N_NODES + (jnp.arange(E_PAD - e, dtype=i32) % (N_PAD - N_NODES))
    src_p = jnp.concatenate([src, padv])
    dst_p = jnp.concatenate([dst, padv])
    src2d = src_p.reshape(NCHUNKS, CH)
    dst2d = dst_p.reshape(NCHUNKS, CH)
    feat_p = jnp.concatenate(
        [feat, jnp.zeros((N_PAD - N_NODES, D), f32)], axis=0)
    zrows = jnp.zeros((ROWS_PER_TILE, D), f32)

    deg, s = _precompute(src2d, dst2d)
    g, a = _b1(feat_p, deg.reshape(N_PAD, 1), s.reshape(N_PAD, 1), W1)
    p = _propagate(g, src2d, dst2d, zrows)
    g = _mid(p, a, b1.reshape(1, D), W2)
    p = _propagate(g, src2d, dst2d, zrows)
    g = _mid(p, a, b2.reshape(1, D), W3)
    p = _propagate(g, src2d, dst2d, zrows)
    out = _fin(p, a, b3.reshape(1, D))
    return out[:N_NODES]

# --- scband reference (transcript-rebuilt; emitter-appended) ---
"""Pipeline reference for scband-gcn-19705309954252 (READ-ONLY COPY).

The authoritative reference and input builder live on the scoring server;
editing this copy changes nothing except your own understanding.
"""

import jax, jax.numpy as jnp
import numpy as np

N_NODES = 10000
N_EDGES = 160000
D_FEAT = 128
DIM_LIST = [128, 128, 128]


def setup_inputs(seed: int = 0) -> dict:
    key = jax.random.key(seed)
    k1, k2, k3, k4 = jax.random.split(key, 4)
    # Build edge list: a ring (guarantees every node has out-degree >= 1, so the
    # row-sum degree matrix D is invertible, matching the dense-adjacency assumption
    # of the original module) plus random extra edges.
    ring_src = jnp.arange(N_NODES, dtype=jnp.int64)
    ring_dst = (ring_src + 1) % N_NODES
    n_rand = N_EDGES - N_NODES
    rand_src = jax.random.randint(k1, (n_rand,), 0, N_NODES, dtype=jnp.int64)
    rand_dst = jax.random.randint(k2, (n_rand,), 0, N_NODES, dtype=jnp.int64)
    edge_index = jnp.stack([jnp.concatenate([ring_src, rand_src]),
                            jnp.concatenate([ring_dst, rand_dst])], axis=0)
    feat = jax.random.uniform(k3, (N_NODES, D_FEAT), dtype=jnp.float32) + 1e-3
    # Learned parameters (GCNConv linear weights + biases) for 3 layers 128->128->128->128
    wkeys = jax.random.split(k4, 6)
    params = {}
    dims = [D_FEAT] + DIM_LIST
    for i in range(3):
        params[f'W{i+1}'] = jax.random.normal(wkeys[2 * i], (dims[i], dims[i + 1]), dtype=jnp.float32) * 0.05
        params[f'b{i+1}'] = jax.random.normal(wkeys[2 * i + 1], (dims[i + 1],), dtype=jnp.float32) * 0.05
    return {'feat': feat, 'edge_index': edge_index, **params}


def _gcn_forward(feat, edge_index, layer_params):
    src = edge_index[0]
    dst = edge_index[1]
    N = feat.shape[0]
    E = src.shape[0]
    # A_hat = D_inv @ A @ D_inv with A binary, D = diag(rowsum(A)):
    # per-edge weight w_e = 1 / (d_row[src] * d_row[dst])
    ones = jnp.ones((E,), dtype=feat.dtype)
    deg_row = jax.ops.segment_sum(ones, src, num_segments=N)
    w = 1.0 / (deg_row[src] * deg_row[dst])
    # GCNConv gcn_norm (normalize=True, add_self_loops=False):
    # deg_j = sum of edge weights into j (col); norm = deg^{-1/2}[src] * w * deg^{-1/2}[dst]
    deg2 = jax.ops.segment_sum(w, dst, num_segments=N)
    dinv = jnp.where(deg2 > 0, 1.0 / jnp.sqrt(deg2), 0.0)
    norm = dinv[src] * w * dinv[dst]
    # GCN.forward: feat = feat / feat.sum(dim=1, keepdim=True)
    x = feat / jnp.sum(feat, axis=1, keepdims=True)
    n_layers = len(layer_params)
    for i, (W, b) in enumerate(layer_params):
        h = x @ W                                  # GCNConv linear (no bias)
        msg = norm[:, None] * h[src]               # gather + scale (message)
        out = jax.ops.segment_sum(msg, dst, num_segments=N)  # scatter-add aggregate
        out = out + b                              # GCNConv bias
        if i < n_layers - 1:
            out = jax.nn.leaky_relu(out, negative_slope=0.01)  # LeakyReLU on all but last
        x = out
    return x


def reference(feat, edge_index, W1, b1, W2, b2, W3, b3):
    layer_params = [(W1, b1), (W2, b2), (W3, b3)]
    return _gcn_forward(feat, edge_index, layer_params)

if __name__ == "__main__":
    import jax
    _d = setup_inputs()
    print(jax.jit(kernel)(*tuple(_d.values())))

</pallas_src>

<mosaic_0001>
#map = affine_map<(d0, d1) -> (0, 0)>
#map1 = affine_map<(d0, d1) -> (0)>
module attributes {stable_mosaic.version = 14 : i64} {
  func.func @_precompute(%arg0: i32, %arg1: i32, %arg2: memref<1280x128xi32, #tpu.memory_space<hbm>>, %arg3: memref<1280x128xi32, #tpu.memory_space<hbm>>, %arg4: memref<10240xf32, #tpu.memory_space<hbm>>, %arg5: memref<10240xf32, #tpu.memory_space<hbm>>, %arg6: memref<10240xf32, #tpu.memory_space<vmem_shared>>, %arg7: memref<10240xf32, #tpu.memory_space<vmem_shared>>, %arg8: memref<80x128xi32, #tpu.memory_space<vmem>>, %arg9: memref<80x128xi32, #tpu.memory_space<vmem>>, %arg10: memref<128xf32, #tpu.memory_space<vmem>>, %arg11: memref<2x128xf32, #tpu.memory_space<vmem>>, %arg12: memref<640xf32, #tpu.memory_space<vmem>>, %arg13: memref<!tpu.dma_semaphore, #tpu.memory_space<semaphore_mem>>, %arg14: memref<!tpu.dma_semaphore, #tpu.memory_space<semaphore_mem>>, %arg15: memref<!tpu.dma_semaphore, #tpu.memory_space<semaphore_mem>>, %arg16: memref<!tpu.dma_semaphore, #tpu.memory_space<semaphore_mem>>) attributes {dimension_semantics = [#tpu.dimension_semantics<core_parallel>, #tpu.dimension_semantics<subcore_parallel>], iteration_bounds = array<i64: 2, 16>, scalar_prefetch = 0 : i64, scratch_operands = 11 : i64, tpu.core_type = #tpu.core_type<sc_vector_subcore>, window_params = [{transform_indices = #map}, {transform_indices = #map}, {transform_indices = #map1}, {transform_indices = #map1}]} {
    %mul3A = arith.constant 640 : i32
    %mul3A_0 = arith.muli %arg1, %mul3A : i32
    %mul3A_1 = arith.constant 80 : i32
    %mul3A_2 = arith.muli %arg1, %mul3A_1 : i32
    "tpu.region"() ({
      %run_scoped3A = tpu.sem_alloc : memref<!tpu.dma_semaphore, #tpu.memory_space<semaphore_mem>>
      %dma_start3A_103 = arith.constant 0 : i32
      %dma_start3A_104 = tpu.memref_slice %arg2[%mul3A_2, %dma_start3A_103] : memref<1280x128xi32, #tpu.memory_space<hbm>> -> memref<80x128xi32, #tpu.memory_space<hbm>>
      %dma_start3A_105 = arith.constant 0 : i32
      %dma_start3A_106 = tpu.memref_slice %arg2[%mul3A_2, %dma_start3A_105] : memref<1280x128xi32, #tpu.memory_space<hbm>> -> memref<80x128xi32, #tpu.memory_space<hbm>>
      tpu.enqueue_dma source(%dma_start3A_106 : memref<80x128xi32, #tpu.memory_space<hbm>>) target(%arg8 : memref<80x128xi32, #tpu.memory_space<vmem>>) target_semaphore(%run_scoped3A : memref<!tpu.dma_semaphore, #tpu.memory_space<semaphore_mem>>)
      %dma_wait3A = arith.constant 0 : i32
      %dma_wait3A_107 = tpu.memref_slice %arg2[%mul3A_2, %dma_wait3A] : memref<1280x128xi32, #tpu.memory_space<hbm>> -> memref<80x128xi32, #tpu.memory_space<hbm>>
      %dma_wait3A_108 = arith.constant 0 : i32
      %dma_wait3A_109 = tpu.memref_slice %arg2[%mul3A_2, %dma_wait3A_108] : memref<1280x128xi32, #tpu.memory_space<hbm>> -> memref<80x128xi32, #tpu.memory_space<hbm>>
      tpu.wait_dma2 semaphore(%run_scoped3A : memref<!tpu.dma_semaphore, #tpu.memory_space<semaphore_mem>>) src(%dma_wait3A_109 : memref<80x128xi32, #tpu.memory_space<hbm>>) dst(%arg8 : memref<80x128xi32, #tpu.memory_space<vmem>>)
      tpu.yield
    }) : () -> ()
    %mul3A_3 = arith.constant 80 : i32
    %mul3A_4 = arith.muli %arg1, %mul3A_3 : i32
    "tpu.region"() ({
      %run_scoped3A = tpu.sem_alloc : memref<!tpu.dma_semaphore, #tpu.memory_space<semaphore_mem>>
      %dma_start3A_103 = arith.constant 0 : i32
      %dma_start3A_104 = tpu.memref_slice %arg3[%mul3A_4, %dma_start3A_103] : memref<1280x128xi32, #tpu.memory_space<hbm>> -> memref<80x128xi32, #tpu.memory_space<hbm>>
      %dma_start3A_105 = arith.constant 0 : i32
      %dma_start3A_106 = tpu.memref_slice %arg3[%mul3A_4, %dma_start3A_105] : memref<1280x128xi32, #tpu.memory_space<hbm>> -> memref<80x128xi32, #tpu.memory_space<hbm>>
      tpu.enqueue_dma source(%dma_start3A_106 : memref<80x128xi32, #tpu.memory_space<hbm>>) target(%arg9 : memref<80x128xi32, #tpu.memory_space<vmem>>) target_semaphore(%run_scoped3A : memref<!tpu.dma_semaphore, #tpu.memory_space<semaphore_mem>>)
      %dma_wait3A = arith.constant 0 : i32
      %dma_wait3A_107 = tpu.memref_slice %arg3[%mul3A_4, %dma_wait3A] : memref<1280x128xi32, #tpu.memory_space<hbm>> -> memref<80x128xi32, #tpu.memory_space<hbm>>
      %dma_wait3A_108 = arith.constant 0 : i32
      %dma_wait3A_109 = tpu.memref_slice %arg3[%mul3A_4, %dma_wait3A_108] : memref<1280x128xi32, #tpu.memory_space<hbm>> -> memref<80x128xi32, #tpu.memory_space<hbm>>
      tpu.wait_dma2 semaphore(%run_scoped3A : memref<!tpu.dma_semaphore, #tpu.memory_space<semaphore_mem>>) src(%dma_wait3A_109 : memref<80x128xi32, #tpu.memory_space<hbm>>) dst(%arg9 : memref<80x128xi32, #tpu.memory_space<vmem>>)
      tpu.yield
    }) : () -> ()
    %broadcast_in_dim3A = arith.constant 1.000000e+00 : f32
    %broadcast_in_dim3A_5 = vector.broadcast %broadcast_in_dim3A : f32 to vector<16xf32>
    %swap3A = arith.constant 0 : index
    %swap3A_6 = tpu.vector_load %arg10[%swap3A] {strides = array<i32>} : memref<128xf32, #tpu.memory_space<vmem>>, vector<16xf32>,
    %swap3A_7 = vector.shape_cast %swap3A_6 : vector<16xf32> to vector<16xf32>
    %swap3A_8 = vector.shape_cast %broadcast_in_dim3A_5 : vector<16xf32> to vector<16xf32>
    tpu.vector_store %arg10[%swap3A], %swap3A_8 {strides = array<i32>} : memref<128xf32, #tpu.memory_space<vmem>>, vector<16xf32>,
    %broadcast_in_dim3A_9 = arith.constant 1.000000e+00 : f32
    %broadcast_in_dim3A_10 = vector.broadcast %broadcast_in_dim3A_9 : f32 to vector<16xf32>
    %swap3A_11 = arith.constant 16 : index
    %swap3A_12 = tpu.vector_load %arg10[%swap3A_11] {strides = array<i32>} : memref<128xf32, #tpu.memory_space<vmem>>, vector<16xf32>,
    %swap3A_13 = vector.shape_cast %swap3A_12 : vector<16xf32> to vector<16xf32>
    %swap3A_14 = vector.shape_cast %broadcast_in_dim3A_10 : vector<16xf32> to vector<16xf32>
    tpu.vector_store %arg10[%swap3A_11], %swap3A_14 {strides = array<i32>} : memref<128xf32, #tpu.memory_space<vmem>>, vector<16xf32>,
    %broadcast_in_dim3A_15 = arith.constant 1.000000e+00 : f32
    %broadcast_in_dim3A_16 = vector.broadcast %broadcast_in_dim3A_15 : f32 to vector<16xf32>
    %swap3A_17 = arith.constant 32 : index
    %swap3A_18 = tpu.vector_load %arg10[%swap3A_17] {strides = array<i32>} : memref<128xf32, #tpu.memory_space<vmem>>, vector<16xf32>,
    %swap3A_19 = vector.shape_cast %swap3A_18 : vector<16xf32> to vector<16xf32>
    %swap3A_20 = vector.shape_cast %broadcast_in_dim3A_16 : vector<16xf32> to vector<16xf32>
    tpu.vector_store %arg10[%swap3A_17], %swap3A_20 {strides = array<i32>} : memref<128xf32, #tpu.memory_space<vmem>>, vector<16xf32>,
    %broadcast_in_dim3A_21 = arith.constant 1.000000e+00 : f32
    %broadcast_in_dim3A_22 = vector.broadcast %broadcast_in_dim3A_21 : f32 to vector<16xf32>
    %swap3A_23 = arith.constant 48 : index
    %swap3A_24 = tpu.vector_load %arg10[%swap3A_23] {strides = array<i32>} : memref<128xf32, #tpu.memory_space<vmem>>, vector<16xf32>,
    %swap3A_25 = vector.shape_cast %swap3A_24 : vector<16xf32> to vector<16xf32>
    %swap3A_26 = vector.shape_cast %broadcast_in_dim3A_22 : vector<16xf32> to vector<16xf32>
    tpu.vector_store %arg10[%swap3A_23], %swap3A_26 {strides = array<i32>} : memref<128xf32, #tpu.memory_space<vmem>>, vector<16xf32>,
    %broadcast_in_dim3A_27 = arith.constant 1.000000e+00 : f32
    %broadcast_in_dim3A_28 = vector.broadcast %broadcast_in_dim3A_27 : f32 to vector<16xf32>
    %swap3A_29 = arith.constant 64 : index
    %swap3A_30 = tpu.vector_load %arg10[%swap3A_29] {strides = array<i32>} : memref<128xf32, #tpu.memory_space<vmem>>, vector<16xf32>,
    %swap3A_31 = vector.shape_cast %swap3A_30 : vector<16xf32> to vector<16xf32>
    %swap3A_32 = vector.shape_cast %broadcast_in_dim3A_28 : vector<16xf32> to vector<16xf32>
    tpu.vector_store %arg10[%swap3A_29], %swap3A_32 {strides = array<i32>} : memref<128xf32, #tpu.memory_space<vmem>>, vector<16xf32>,
    %broadcast_in_dim3A_33 = arith.constant 1.000000e+00 : f32
    %broadcast_in_dim3A_34 = vector.broadcast %broadcast_in_dim3A_33 : f32 to vector<16xf32>
    %swap3A_35 = arith.constant 80 : index
    %swap3A_36 = tpu.vector_load %arg10[%swap3A_35] {strides = array<i32>} : memref<128xf32, #tpu.memory_space<vmem>>, vector<16xf32>,
    %swap3A_37 = vector.shape_cast %swap3A_36 : vector<16xf32> to vector<16xf32>
    %swap3A_38 = vector.shape_cast %broadcast_in_dim3A_34 : vector<16xf32> to vector<16xf32>
    tpu.vector_store %arg10[%swap3A_35], %swap3A_38 {strides = array<i32>} : memref<128xf32, #tpu.memory_space<vmem>>, vector<16xf32>,
    %broadcast_in_dim3A_39 = arith.constant 1.000000e+00 : f32
    %broadcast_in_dim3A_40 = vector.broadcast %broadcast_in_dim3A_39 : f32 to vector<16xf32>
    %swap3A_41 = arith.constant 96 : index
    %swap3A_42 = tpu.vector_load %arg10[%swap3A_41] {strides = array<i32>} : memref<128xf32, #tpu.memory_space<vmem>>, vector<16xf32>,
    %swap3A_43 = vector.shape_cast %swap3A_42 : vector<16xf32> to vector<16xf32>
    %swap3A_44 = vector.shape_cast %broadcast_in_dim3A_40 : vector<16xf32> to vector<16xf32>
    tpu.vector_store %arg10[%swap3A_41], %swap3A_44 {strides = array<i32>} : memref<128xf32, #tpu.memory_space<vmem>>, vector<16xf32>,
    %broadcast_in_dim3A_45 = arith.constant 1.000000e+00 : f32
    %broadcast_in_dim3A_46 = vector.broadcast %broadcast_in_dim3A_45 : f32 to vector<16xf32>
    %swap3A_47 = arith.constant 112 : index
    %swap3A_48 = tpu.vector_load %arg10[%swap3A_47] {strides = array<i32>} : memref<128xf32, #tpu.memory_space<vmem>>, vector<16xf32>,
    %swap3A_49 = vector.shape_cast %swap3A_48 : vector<16xf32> to vector<16xf32>
    %swap3A_50 = vector.shape_cast %broadcast_in_dim3A_46 : vector<16xf32> to vector<16xf32>
    tpu.vector_store %arg10[%swap3A_47], %swap3A_50 {strides = array<i32>} : memref<128xf32, #tpu.memory_space<vmem>>, vector<16xf32>,
    %scan3A = arith.constant 0 : i32
    %scan3A_51 = arith.constant 0 : i32
    %scan3A_52 = arith.constant 40 : i32
    %scan3A_53 = arith.addi %scan3A_51, %scan3A_52 : i32
    %scan3A_54 = arith.constant 1 : i32
    scf.for %scan3A_103 = %scan3A_51 to %scan3A_53 step %scan3A_54  : i32 {
      %broadcast_in_dim3A_104 = arith.constant 0.000000e+00 : f32
      %broadcast_in_dim3A_105 = vector.broadcast %broadcast_in_dim3A_104 : f32 to vector<16xf32>
      %mul3A_106 = arith.constant 16 : i32
      %mul3A_107 = arith.muli %scan3A_103, %mul3A_106 : i32
      %swap3A_108 = arith.index_cast %mul3A_107 : i32 to index
      %swap3A_109 = tpu.vector_load %arg12[%swap3A_108] {strides = array<i32>} : memref<640xf32, #tpu.memory_space<vmem>>, vector<16xf32>,
      %swap3A_110 = vector.shape_cast %swap3A_109 : vector<16xf32> to vector<16xf32>
      %swap3A_111 = vector.shape_cast %broadcast_in_dim3A_105 : vector<16xf32> to vector<16xf32>
      tpu.vector_store %arg12[%swap3A_108], %swap3A_111 {strides = array<i32>} : memref<640xf32, #tpu.memory_space<vmem>>, vector<16xf32>,
    }
    %scan3A_55 = arith.constant 40 : i32
    "tpu.region"() ({
      %run_scoped3A = tpu.sem_alloc : memref<!tpu.dma_semaphore, #tpu.memory_space<semaphore_mem>>
      %dma_start3A_103 = tpu.memref_slice %arg6[%mul3A_0] : memref<10240xf32, #tpu.memory_space<vmem_shared>> -> memref<640xf32, #tpu.memory_space<vmem_shared>>
      %dma_start3A_104 = tpu.memref_slice %arg6[%mul3A_0] : memref<10240xf32, #tpu.memory_space<vmem_shared>> -> memref<640xf32, #tpu.memory_space<vmem_shared>>
      tpu.enqueue_dma source(%arg12 : memref<640xf32, #tpu.memory_space<vmem>>) target(%dma_start3A_104 : memref<640xf32, #tpu.memory_space<vmem_shared>>) target_semaphore(%run_scoped3A : memref<!tpu.dma_semaphore, #tpu.memory_space<semaphore_mem>>)
      %dma_wait3A = tpu.memref_slice %arg6[%mul3A_0] : memref<10240xf32, #tpu.memory_space<vmem_shared>> -> memref<640xf32, #tpu.memory_space<vmem_shared>>
      %dma_wait3A_105 = tpu.memref_slice %arg6[%mul3A_0] : memref<10240xf32, #tpu.memory_space<vmem_shared>> -> memref<640xf32, #tpu.memory_space<vmem_shared>>
      tpu.wait_dma2 semaphore(%run_scoped3A : memref<!tpu.dma_semaphore, #tpu.memory_space<semaphore_mem>>) src(%arg12 : memref<640xf32, #tpu.memory_space<vmem>>) dst(%dma_wait3A_105 : memref<640xf32, #tpu.memory_space<vmem_shared>>)
      tpu.yield
    }) : () -> ()
    "tpu.region"() ({
      %run_scoped3A = tpu.sem_alloc : memref<!tpu.dma_semaphore, #tpu.memory_space<semaphore_mem>>
      %dma_start3A_103 = tpu.memref_slice %arg7[%mul3A_0] : memref<10240xf32, #tpu.memory_space<vmem_shared>> -> memref<640xf32, #tpu.memory_space<vmem_shared>>
      %dma_start3A_104 = tpu.memref_slice %arg7[%mul3A_0] : memref<10240xf32, #tpu.memory_space<vmem_shared>> -> memref<640xf32, #tpu.memory_space<vmem_shared>>
      tpu.enqueue_dma source(%arg12 : memref<640xf32, #tpu.memory_space<vmem>>) target(%dma_start3A_104 : memref<640xf32, #tpu.memory_space<vmem_shared>>) target_semaphore(%run_scoped3A : memref<!tpu.dma_semaphore, #tpu.memory_space<semaphore_mem>>)
      %dma_wait3A = tpu.memref_slice %arg7[%mul3A_0] : memref<10240xf32, #tpu.memory_space<vmem_shared>> -> memref<640xf32, #tpu.memory_space<vmem_shared>>
      %dma_wait3A_105 = tpu.memref_slice %arg7[%mul3A_0] : memref<10240xf32, #tpu.memory_space<vmem_shared>> -> memref<640xf32, #tpu.memory_space<vmem_shared>>
      tpu.wait_dma2 semaphore(%run_scoped3A : memref<!tpu.dma_semaphore, #tpu.memory_space<semaphore_mem>>) src(%arg12 : memref<640xf32, #tpu.memory_space<vmem>>) dst(%dma_wait3A_105 : memref<640xf32, #tpu.memory_space<vmem_shared>>)
      tpu.yield
    }) : () -> ()
    %barrier3A = arith.constant 0 : index
    tpu.barrier barrier_id(%barrier3A)
    %scan3A_56 = arith.constant 0 : i32
    %scan3A_57 = arith.constant 0 : i32
    %scan3A_58 = arith.constant 20 : i32
    %scan3A_59 = arith.addi %scan3A_57, %scan3A_58 : i32
    %scan3A_60 = arith.constant 1 : i32
    scf.for %scan3A_103 = %scan3A_57 to %scan3A_59 step %scan3A_60  : i32 {
      %mul3A_104 = arith.constant 4 : i32
      %mul3A_105 = arith.muli %scan3A_103, %mul3A_104 : i32
      %add3A = arith.constant 0 : i32
      %add3A_106 = arith.addi %mul3A_105, %add3A : i32
      %dma_start3A_107 = arith.constant 0 : i32
      %dma_start3A_108 = tpu.memref_slice %arg8[%add3A_106, %dma_start3A_107] : memref<80x128xi32, #tpu.memory_space<vmem>> -> memref<1x128xi32, #tpu.memory_space<vmem>>
      %dma_start3A_109 = tpu.memref_squeeze %dma_start3A_108 : memref<1x128xi32, #tpu.memory_space<vmem>> -> memref<128xi32, #tpu.memory_space<vmem>>
      %dma_start3A_110 = arith.constant 0 : i32
      %dma_start3A_111 = tpu.memref_slice %arg6[%dma_start3A_110] : memref<10240xf32, #tpu.memory_space<vmem_shared>> -> memref<10240xf32, #tpu.memory_space<vmem_shared>>
      tpu.enqueue_indirect_dma source(%arg10 : memref<128xf32, #tpu.memory_space<vmem>>) target(%dma_start3A_111 : memref<10240xf32, #tpu.memory_space<vmem_shared>>) offsets(%dma_start3A_109 : memref<128xi32, #tpu.memory_space<vmem>>) semaphore(%arg13 : memref<!tpu.dma_semaphore, #tpu.memory_space<semaphore_mem>>) {add = true}
      %mul3A_112 = arith.constant 4 : i32
      %mul3A_113 = arith.muli %scan3A_103, %mul3A_112 : i32
      %add3A_114 = arith.constant 1 : i32
      %add3A_115 = arith.addi %mul3A_113, %add3A_114 : i32
      %dma_start3A_116 = arith.constant 0 : i32
      %dma_start3A_117 = tpu.memref_slice %arg8[%add3A_115, %dma_start3A_116] : memref<80x128xi32, #tpu.memory_space<vmem>> -> memref<1x128xi32, #tpu.memory_space<vmem>>
      %dma_start3A_118 = tpu.memref_squeeze %dma_start3A_117 : memref<1x128xi32, #tpu.memory_space<vmem>> -> memref<128xi32, #tpu.memory_space<vmem>>
      %dma_start3A_119 = arith.constant 0 : i32
      %dma_start3A_120 = tpu.memref_slice %arg6[%dma_start3A_119] : memref<10240xf32, #tpu.memory_space<vmem_shared>> -> memref<10240xf32, #tpu.memory_space<vmem_shared>>
      tpu.enqueue_indirect_dma source(%arg10 : memref<128xf32, #tpu.memory_space<vmem>>) target(%dma_start3A_120 : memref<10240xf32, #tpu.memory_space<vmem_shared>>) offsets(%dma_start3A_118 : memref<128xi32, #tpu.memory_space<vmem>>) semaphore(%arg14 : memref<!tpu.dma_semaphore, #tpu.memory_space<semaphore_mem>>) {add = true}
      %mul3A_121 = arith.constant 4 : i32
      %mul3A_122 = arith.muli %scan3A_103, %mul3A_121 : i32
      %add3A_123 = arith.constant 2 : i32
      %add3A_124 = arith.addi %mul3A_122, %add3A_123 : i32
      %dma_start3A_125 = arith.constant 0 : i32
      %dma_start3A_126 = tpu.memref_slice %arg8[%add3A_124, %dma_start3A_125] : memref<80x128xi32, #tpu.memory_space<vmem>> -> memref<1x128xi32, #tpu.memory_space<vmem>>
      %dma_start3A_127 = tpu.memref_squeeze %dma_start3A_126 : memref<1x128xi32, #tpu.memory_space<vmem>> -> memref<128xi32, #tpu.memory_space<vmem>>
      %dma_start3A_128 = arith.constant 0 : i32
      %dma_start3A_129 = tpu.memref_slice %arg6[%dma_start3A_128] : memref<10240xf32, #tpu.memory_space<vmem_shared>> -> memref<10240xf32, #tpu.memory_space<vmem_shared>>
      tpu.enqueue_indirect_dma source(%arg10 : memref<128xf32, #tpu.memory_space<vmem>>) target(%dma_start3A_129 : memref<10240xf32, #tpu.memory_space<vmem_shared>>) offsets(%dma_start3A_127 : memref<128xi32, #tpu.memory_space<vmem>>) semaphore(%arg15 : memref<!tpu.dma_semaphore, #tpu.memory_space<semaphore_mem>>) {add = true}
      %mul3A_130 = arith.constant 4 : i32
      %mul3A_131 = arith.muli %scan3A_103, %mul3A_130 : i32
      %add3A_132 = arith.constant 3 : i32
      %add3A_133 = arith.addi %mul3A_131, %add3A_132 : i32
      %dma_start3A_134 = arith.constant 0 : i32
      %dma_start3A_135 = tpu.memref_slice %arg8[%add3A_133, %dma_start3A_134] : memref<80x128xi32, #tpu.memory_space<vmem>> -> memref<1x128xi32, #tpu.memory_space<vmem>>
      %dma_start3A_136 = tpu.memref_squeeze %dma_start3A_135 : memref<1x128xi32, #tpu.memory_space<vmem>> -> memref<128xi32, #tpu.memory_space<vmem>>
      %dma_start3A_137 = arith.constant 0 : i32
      %dma_start3A_138 = tpu.memref_slice %arg6[%dma_start3A_137] : memref<10240xf32, #tpu.memory_space<vmem_shared>> -> memref<10240xf32, #tpu.memory_space<vmem_shared>>
      tpu.enqueue_indirect_dma source(%arg10 : memref<128xf32, #tpu.memory_space<vmem>>) target(%dma_start3A_138 : memref<10240xf32, #tpu.memory_space<vmem_shared>>) offsets(%dma_start3A_136 : memref<128xi32, #tpu.memory_space<vmem>>) semaphore(%arg16 : memref<!tpu.dma_semaphore, #tpu.memory_space<semaphore_mem>>) {add = true}
      %mul3A_139 = arith.constant 4 : i32
      %mul3A_140 = arith.muli %scan3A_103, %mul3A_139 : i32
      %add3A_141 = arith.constant 0 : i32
      %add3A_142 = arith.addi %mul3A_140, %add3A_141 : i32
      %dma_wait3A = arith.constant 0 : i32
      %dma_wait3A_143 = tpu.memref_slice %arg8[%add3A_142, %dma_wait3A] : memref<80x128xi32, #tpu.memory_space<vmem>> -> memref<1x128xi32, #tpu.memory_space<vmem>>
      %dma_wait3A_144 = tpu.memref_squeeze %dma_wait3A_143 : memref<1x128xi32, #tpu.memory_space<vmem>> -> memref<128xi32, #tpu.memory_space<vmem>>
      %dma_wait3A_145 = arith.constant 0 : i32
      %dma_wait3A_146 = tpu.memref_slice %arg6[%dma_wait3A_145] : memref<10240xf32, #tpu.memory_space<vmem_shared>> -> memref<10240xf32, #tpu.memory_space<vmem_shared>>
      tpu.wait_indirect_dma semaphore(%arg13 : memref<!tpu.dma_semaphore, #tpu.memory_space<semaphore_mem>>) src(%arg10 : memref<128xf32, #tpu.memory_space<vmem>>) dst(%dma_wait3A_146 : memref<10240xf32, #tpu.memory_space<vmem_shared>>)
      %mul3A_147 = arith.constant 4 : i32
      %mul3A_148 = arith.muli %scan3A_103, %mul3A_147 : i32
      %add3A_149 = arith.constant 1 : i32
      %add3A_150 = arith.addi %mul3A_148, %add3A_149 : i32
      %dma_wait3A_151 = arith.constant 0 : i32
      %dma_wait3A_152 = tpu.memref_slice %arg8[%add3A_150, %dma_wait3A_151] : memref<80x128xi32, #tpu.memory_space<vmem>> -> memref<1x128xi32, #tpu.memory_space<vmem>>
      %dma_wait3A_153 = tpu.memref_squeeze %dma_wait3A_152 : memref<1x128xi32, #tpu.memory_space<vmem>> -> memref<128xi32, #tpu.memory_space<vmem>>
      %dma_wait3A_154 = arith.constant 0 : i32
      %dma_wait3A_155 = tpu.memref_slice %arg6[%dma_wait3A_154] : memref<10240xf32, #tpu.memory_space<vmem_shared>> -> memref<10240xf32, #tpu.memory_space<vmem_shared>>
      tpu.wait_indirect_dma semaphore(%arg14 : memref<!tpu.dma_semaphore, #tpu.memory_space<semaphore_mem>>) src(%arg10 : memref<128xf32, #tpu.memory_space<vmem>>) dst(%dma_wait3A_155 : memref<10240xf32, #tpu.memory_space<vmem_shared>>)
      %mul3A_156 = arith.constant 4 : i32
      %mul3A_157 = arith.muli %scan3A_103, %mul3A_156 : i32
      %add3A_158 = arith.constant 2 : i32
      %add3A_159 = arith.addi %mul3A_157, %add3A_158 : i32
      %dma_wait3A_160 = arith.constant 0 : i32
      %dma_wait3A_161 = tpu.memref_slice %arg8[%add3A_159, %dma_wait3A_160] : memref<80x128xi32, #tpu.memory_space<vmem>> -> memref<1x128xi32, #tpu.memory_space<vmem>>
      %dma_wait3A_162 = tpu.memref_squeeze %dma_wait3A_161 : memref<1x128xi32, #tpu.memory_space<vmem>> -> memref<128xi32, #tpu.memory_space<vmem>>
      %dma_wait3A_163 = arith.constant 0 : i32
      %dma_wait3A_164 = tpu.memref_slice %arg6[%dma_wait3A_163] : memref<10240xf32, #tpu.memory_space<vmem_shared>> -> memref<10240xf32, #tpu.memory_space<vmem_shared>>
      tpu.wait_indirect_dma semaphore(%arg15 : memref<!tpu.dma_semaphore, #tpu.memory_space<semaphore_mem>>) src(%arg10 : memref<128xf32, #tpu.memory_space<vmem>>) dst(%dma_wait3A_164 : memref<10240xf32, #tpu.memory_space<vmem_shared>>)
      %mul3A_165 = arith.constant 4 : i32
      %mul3A_166 = arith.muli %scan3A_103, %mul3A_165 : i32
      %add3A_167 = arith.constant 3 : i32
      %add3A_168 = arith.addi %mul3A_166, %add3A_167 : i32
      %dma_wait3A_169 = arith.constant 0 : i32
      %dma_wait3A_170 = tpu.memref_slice %arg8[%add3A_168, %dma_wait3A_169] : memref<80x128xi32, #tpu.memory_space<vmem>> -> memref<1x128xi32, #tpu.memory_space<vmem>>
      %dma_wait3A_171 = tpu.memref_squeeze %dma_wait3A_170 : memref<1x128xi32, #tpu.memory_space<vmem>> -> memref<128xi32, #tpu.memory_space<vmem>>
      %dma_wait3A_172 = arith.constant 0 : i32
      %dma_wait3A_173 = tpu.memref_slice %arg6[%dma_wait3A_172] : memref<10240xf32, #tpu.memory_space<vmem_shared>> -> memref<10240xf32, #tpu.memory_space<vmem_shared>>
      tpu.wait_indirect_dma semaphore(%arg16 : memref<!tpu.dma_semaphore, #tpu.memory_space<semaphore_mem>>) src(%arg10 : memref<128xf32, #tpu.memory_space<vmem>>) dst(%dma_wait3A_173 : memref<10240xf32, #tpu.memory_space<vmem_shared>>)
    }
    %scan3A_61 = arith.constant 20 : i32
    %barrier3A_62 = arith.constant 0 : index
    tpu.barrier barrier_id(%barrier3A_62)
    %eq3A = arith.constant 0 : i32
    %eq3A_63 = arith.cmpi eq, %arg0, %eq3A : i32
    %convert_element_type3A = arith.extui %eq3A_63 : i1 to i32
    %cond3A = arith.constant 0 : i32
    %cond3A_64 = arith.cmpi ne, %convert_element_type3A, %cond3A : i32
    scf.if %cond3A_64 {
      "tpu.region"() ({
        %run_scoped3A = tpu.sem_alloc : memref<!tpu.dma_semaphore, #tpu.memory_space<semaphore_mem>>
        %dma_start3A_103 = tpu.memref_slice %arg4[%mul3A_0] : memref<10240xf32, #tpu.memory_space<hbm>> -> memref<640xf32, #tpu.memory_space<hbm>>
        %dma_start3A_104 = tpu.memref_slice %arg6[%mul3A_0] : memref<10240xf32, #tpu.memory_space<vmem_shared>> -> memref<640xf32, #tpu.memory_space<vmem_shared>>
        tpu.enqueue_dma source(%dma_start3A_104 : memref<640xf32, #tpu.memory_space<vmem_shared>>) target(%dma_start3A_103 : memref<640xf32, #tpu.memory_space<hbm>>) target_semaphore(%run_scoped3A : memref<!tpu.dma_semaphore, #tpu.memory_space<semaphore_mem>>)
        %dma_wait3A = tpu.memref_slice %arg4[%mul3A_0] : memref<10240xf32, #tpu.memory_space<hbm>> -> memref<640xf32, #tpu.memory_space<hbm>>
        %dma_wait3A_105 = tpu.memref_slice %arg6[%mul3A_0] : memref<10240xf32, #tpu.memory_space<vmem_shared>> -> memref<640xf32, #tpu.memory_space<vmem_shared>>
        tpu.wait_dma2 semaphore(%run_scoped3A : memref<!tpu.dma_semaphore, #tpu.memory_space<semaphore_mem>>) src(%dma_wait3A_105 : memref<640xf32, #tpu.memory_space<vmem_shared>>) dst(%dma_wait3A : memref<640xf32, #tpu.memory_space<hbm>>)
        tpu.yield
      }) : () -> ()
    } else {
    }
    "tpu.region"() ({
      %run_scoped3A = tpu.sem_alloc : memref<!tpu.dma_semaphore, #tpu.memory_space<semaphore_mem>>
      %dma_start3A_103 = tpu.memref_slice %arg6[%mul3A_0] : memref<10240xf32, #tpu.memory_space<vmem_shared>> -> memref<640xf32, #tpu.memory_space<vmem_shared>>
      %dma_start3A_104 = tpu.memref_slice %arg6[%mul3A_0] : memref<10240xf32, #tpu.memory_space<vmem_shared>> -> memref<640xf32, #tpu.memory_space<vmem_shared>>
      tpu.enqueue_dma source(%dma_start3A_104 : memref<640xf32, #tpu.memory_space<vmem_shared>>) target(%arg12 : memref<640xf32, #tpu.memory_space<vmem>>) target_semaphore(%run_scoped3A : memref<!tpu.dma_semaphore, #tpu.memory_space<semaphore_mem>>)
      %dma_wait3A = tpu.memref_slice %arg6[%mul3A_0] : memref<10240xf32, #tpu.memory_space<vmem_shared>> -> memref<640xf32, #tpu.memory_space<vmem_shared>>
      %dma_wait3A_105 = tpu.memref_slice %arg6[%mul3A_0] : memref<10240xf32, #tpu.memory_space<vmem_shared>> -> memref<640xf32, #tpu.memory_space<vmem_shared>>
      tpu.wait_dma2 semaphore(%run_scoped3A : memref<!tpu.dma_semaphore, #tpu.memory_space<semaphore_mem>>) src(%dma_wait3A_105 : memref<640xf32, #tpu.memory_space<vmem_shared>>) dst(%arg12 : memref<640xf32, #tpu.memory_space<vmem>>)
      tpu.yield
    }) : () -> ()
    %scan3A_65 = arith.constant 0 : i32
    %scan3A_66 = arith.constant 0 : i32
    %scan3A_67 = arith.constant 40 : i32
    %scan3A_68 = arith.addi %scan3A_66, %scan3A_67 : i32
    %scan3A_69 = arith.constant 1 : i32
    scf.for %scan3A_103 = %scan3A_66 to %scan3A_68 step %scan3A_69  : i32 {
      %mul3A_104 = arith.constant 16 : i32
      %mul3A_105 = arith.muli %scan3A_103, %mul3A_104 : i32
      %get3A = arith.index_cast %mul3A_105 : i32 to index
      %get3A_106 = tpu.vector_load %arg12[%get3A] {strides = array<i32>} : memref<640xf32, #tpu.memory_space<vmem>>, vector<16xf32>,
      %get3A_107 = vector.shape_cast %get3A_106 : vector<16xf32> to vector<16xf32>
      %div3A = arith.constant 1.000000e+00 : f32
      %div3A_108 = vector.broadcast %div3A : f32 to vector<16xf32>
      %div3A_109 = arith.divf %div3A_108, %get3A_107 : vector<16xf32>
      %mul3A_110 = arith.constant 16 : i32
      %mul3A_111 = arith.muli %scan3A_103, %mul3A_110 : i32
      %swap3A_112 = arith.index_cast %mul3A_111 : i32 to index
      %swap3A_113 = tpu.vector_load %arg12[%swap3A_112] {strides = array<i32>} : memref<640xf32, #tpu.memory_space<vmem>>, vector<16xf32>,
      %swap3A_114 = vector.shape_cast %swap3A_113 : vector<16xf32> to vector<16xf32>
      %swap3A_115 = vector.shape_cast %div3A_109 : vector<16xf32> to vector<16xf32>
      tpu.vector_store %arg12[%swap3A_112], %swap3A_115 {strides = array<i32>} : memref<640xf32, #tpu.memory_space<vmem>>, vector<16xf32>,
    }
    %scan3A_70 = arith.constant 40 : i32
    "tpu.region"() ({
      %run_scoped3A = tpu.sem_alloc : memref<!tpu.dma_semaphore, #tpu.memory_space<semaphore_mem>>
      %dma_start3A_103 = tpu.memref_slice %arg6[%mul3A_0] : memref<10240xf32, #tpu.memory_space<vmem_shared>> -> memref<640xf32, #tpu.memory_space<vmem_shared>>
      %dma_start3A_104 = tpu.memref_slice %arg6[%mul3A_0] : memref<10240xf32, #tpu.memory_space<vmem_shared>> -> memref<640xf32, #tpu.memory_space<vmem_shared>>
      tpu.enqueue_dma source(%arg12 : memref<640xf32, #tpu.memory_space<vmem>>) target(%dma_start3A_104 : memref<640xf32, #tpu.memory_space<vmem_shared>>) target_semaphore(%run_scoped3A : memref<!tpu.dma_semaphore, #tpu.memory_space<semaphore_mem>>)
      %dma_wait3A = tpu.memref_slice %arg6[%mul3A_0] : memref<10240xf32, #tpu.memory_space<vmem_shared>> -> memref<640xf32, #tpu.memory_space<vmem_shared>>
      %dma_wait3A_105 = tpu.memref_slice %arg6[%mul3A_0] : memref<10240xf32, #tpu.memory_space<vmem_shared>> -> memref<640xf32, #tpu.memory_space<vmem_shared>>
      tpu.wait_dma2 semaphore(%run_scoped3A : memref<!tpu.dma_semaphore, #tpu.memory_space<semaphore_mem>>) src(%arg12 : memref<640xf32, #tpu.memory_space<vmem>>) dst(%dma_wait3A_105 : memref<640xf32, #tpu.memory_space<vmem_shared>>)
      tpu.yield
    }) : () -> ()
    %barrier3A_71 = arith.constant 0 : index
    tpu.barrier barrier_id(%barrier3A_71)
    %dma_start3A = arith.constant 0 : i32
    %dma_start3A_72 = arith.constant 0 : i32
    %dma_start3A_73 = arith.constant 0 : i32
    %dma_start3A_74 = tpu.memref_slice %arg11[%dma_start3A_72, %dma_start3A_73] : memref<2x128xf32, #tpu.memory_space<vmem>> -> memref<1x128xf32, #tpu.memory_space<vmem>>
    %dma_start3A_75 = tpu.memref_squeeze %dma_start3A_74 : memref<1x128xf32, #tpu.memory_space<vmem>> -> memref<128xf32, #tpu.memory_space<vmem>>
    %dma_start3A_76 = arith.constant 0 : i32
    %dma_start3A_77 = tpu.memref_slice %arg8[%dma_start3A, %dma_start3A_76] : memref<80x128xi32, #tpu.memory_space<vmem>> -> memref<1x128xi32, #tpu.memory_space<vmem>>
    %dma_start3A_78 = tpu.memref_squeeze %dma_start3A_77 : memref<1x128xi32, #tpu.memory_space<vmem>> -> memref<128xi32, #tpu.memory_space<vmem>>
    %dma_start3A_79 = arith.constant 0 : i32
    %dma_start3A_80 = tpu.memref_slice %arg6[%dma_start3A_79] : memref<10240xf32, #tpu.memory_space<vmem_shared>> -> memref<10240xf32, #tpu.memory_space<vmem_shared>>
    tpu.enqueue_indirect_dma source(%dma_start3A_80 : memref<10240xf32, #tpu.memory_space<vmem_shared>>) target(%dma_start3A_75 : memref<128xf32, #tpu.memory_space<vmem>>) offsets(%dma_start3A_78 : memref<128xi32, #tpu.memory_space<vmem>>) semaphore(%arg13 : memref<!tpu.dma_semaphore, #tpu.memory_space<semaphore_mem>>)
    %dma_start3A_81 = arith.constant 1 : i32
    %dma_start3A_82 = arith.constant 1 : i32
    %dma_start3A_83 = arith.constant 0 : i32
    %dma_start3A_84 = tpu.memref_slice %arg11[%dma_start3A_82, %dma_start3A_83] : memref<2x128xf32, #tpu.memory_space<vmem>> -> memref<1x128xf32, #tpu.memory_space<vmem>>
    %dma_start3A_85 = tpu.memref_squeeze %dma_start3A_84 : memref<1x128xf32, #tpu.memory_space<vmem>> -> memref<128xf32, #tpu.memory_space<vmem>>
    %dma_start3A_86 = arith.constant 0 : i32
    %dma_start3A_87 = tpu.memref_slice %arg8[%dma_start3A_81, %dma_start3A_86] : memref<80x128xi32, #tpu.memory_space<vmem>> -> memref<1x128xi32, #tpu.memory_space<vmem>>
    %dma_start3A_88 = tpu.memref_squeeze %dma_start3A_87 : memref<1x128xi32, #tpu.memory_space<vmem>> -> memref<128xi32, #tpu.memory_space<vmem>>
    %dma_start3A_89 = arith.constant 0 : i32
    %dma_start3A_90 = tpu.memref_slice %arg6[%dma_start3A_89] : memref<10240xf32, #tpu.memory_space<vmem_shared>> -> memref<10240xf32, #tpu.memory_space<vmem_shared>>
    tpu.enqueue_indirect_dma source(%dma_start3A_90 : memref<10240xf32, #tpu.memory_space<vmem_shared>>) target(%dma_start3A_85 : memref<128xf32, #tpu.memory_space<vmem>>) offsets(%dma_start3A_88 : memref<128xi32, #tpu.memory_space<vmem>>) semaphore(%arg14 : memref<!tpu.dma_semaphore, #tpu.memory_space<semaphore_mem>>)
    %scan3A_91 = arith.constant 0 : i32
    %scan3A_92 = arith.constant 0 : i32
    %scan3A_93 = arith.constant 40 : i32
    %scan3A_94 = arith.addi %scan3A_92, %scan3A_93 : i32
    %scan3A_95 = arith.constant 1 : i32
    scf.for %scan3A_103 = %scan3A_92 to %scan3A_94 step %scan3A_95  : i32 {
      %mul3A_104 = arith.constant 2 : i32
      %mul3A_105 = arith.muli %scan3A_103, %mul3A_104 : i32
      %add3A = arith.constant 0 : i32
      %add3A_106 = arith.addi %mul3A_105, %add3A : i32
      %dma_wait3A = arith.constant 0 : i32
      %dma_wait3A_107 = arith.constant 0 : i32
      %dma_wait3A_108 = tpu.memref_slice %arg11[%dma_wait3A, %dma_wait3A_107] : memref<2x128xf32, #tpu.memory_space<vmem>> -> memref<1x128xf32, #tpu.memory_space<vmem>>
      %dma_wait3A_109 = tpu.memref_squeeze %dma_wait3A_108 : memref<1x128xf32, #tpu.memory_space<vmem>> -> memref<128xf32, #tpu.memory_space<vmem>>
      %dma_wait3A_110 = arith.constant 0 : i32
      %dma_wait3A_111 = tpu.memref_slice %arg8[%add3A_106, %dma_wait3A_110] : memref<80x128xi32, #tpu.memory_space<vmem>> -> memref<1x128xi32, #tpu.memory_space<vmem>>
      %dma_wait3A_112 = tpu.memref_squeeze %dma_wait3A_111 : memref<1x128xi32, #tpu.memory_space<vmem>> -> memref<128xi32, #tpu.memory_space<vmem>>
      %dma_wait3A_113 = arith.constant 0 : i32
      %dma_wait3A_114 = tpu.memref_slice %arg6[%dma_wait3A_113] : memref<10240xf32, #tpu.memory_space<vmem_shared>> -> memref<10240xf32, #tpu.memory_space<vmem_shared>>
      tpu.wait_indirect_dma semaphore(%arg13 : memref<!tpu.dma_semaphore, #tpu.memory_space<semaphore_mem>>) src(%dma_wait3A_114 : memref<10240xf32, #tpu.memory_space<vmem_shared>>) dst(%dma_wait3A_109 : memref<128xf32, #tpu.memory_space<vmem>>)
      %dma_start3A_115 = arith.constant 0 : i32
      %dma_start3A_116 = arith.constant 0 : i32
      %dma_start3A_117 = tpu.memref_slice %arg11[%dma_start3A_115, %dma_start3A_116] : memref<2x128xf32, #tpu.memory_space<vmem>> -> memref<1x128xf32, #tpu.memory_space<vmem>>
      %dma_start3A_118 = tpu.memref_squeeze %dma_start3A_117 : memref<1x128xf32, #tpu.memory_space<vmem>> -> memref<128xf32, #tpu.memory_space<vmem>>
      %dma_start3A_119 = arith.constant 0 : i32
      %dma_start3A_120 = tpu.memref_slice %arg9[%add3A_106, %dma_start3A_119] : memref<80x128xi32, #tpu.memory_space<vmem>> -> memref<1x128xi32, #tpu.memory_space<vmem>>
      %dma_start3A_121 = tpu.memref_squeeze %dma_start3A_120 : memref<1x128xi32, #tpu.memory_space<vmem>> -> memref<128xi32, #tpu.memory_space<vmem>>
      %dma_start3A_122 = arith.constant 0 : i32
      %dma_start3A_123 = tpu.memref_slice %arg7[%dma_start3A_122] : memref<10240xf32, #tpu.memory_space<vmem_shared>> -> memref<10240xf32, #tpu.memory_space<vmem_shared>>
      tpu.enqueue_indirect_dma source(%dma_start3A_118 : memref<128xf32, #tpu.memory_space<vmem>>) target(%dma_start3A_123 : memref<10240xf32, #tpu.memory_space<vmem_shared>>) offsets(%dma_start3A_121 : memref<128xi32, #tpu.memory_space<vmem>>) semaphore(%arg15 : memref<!tpu.dma_semaphore, #tpu.memory_space<semaphore_mem>>) {add = true}
      %mul3A_124 = arith.constant 2 : i32
      %mul3A_125 = arith.muli %scan3A_103, %mul3A_124 : i32
      %add3A_126 = arith.constant 1 : i32
      %add3A_127 = arith.addi %mul3A_125, %add3A_126 : i32
      %dma_wait3A_128 = arith.constant 1 : i32
      %dma_wait3A_129 = arith.constant 0 : i32
      %dma_wait3A_130 = tpu.memref_slice %arg11[%dma_wait3A_128, %dma_wait3A_129] : memref<2x128xf32, #tpu.memory_space<vmem>> -> memref<1x128xf32, #tpu.memory_space<vmem>>
      %dma_wait3A_131 = tpu.memref_squeeze %dma_wait3A_130 : memref<1x128xf32, #tpu.memory_space<vmem>> -> memref<128xf32, #tpu.memory_space<vmem>>
      %dma_wait3A_132 = arith.constant 0 : i32
      %dma_wait3A_133 = tpu.memref_slice %arg8[%add3A_127, %dma_wait3A_132] : memref<80x128xi32, #tpu.memory_space<vmem>> -> memref<1x128xi32, #tpu.memory_space<vmem>>
      %dma_wait3A_134 = tpu.memref_squeeze %dma_wait3A_133 : memref<1x128xi32, #tpu.memory_space<vmem>> -> memref<128xi32, #tpu.memory_space<vmem>>
      %dma_wait3A_135 = arith.constant 0 : i32
      %dma_wait3A_136 = tpu.memref_slice %arg6[%dma_wait3A_135] : memref<10240xf32, #tpu.memory_space<vmem_shared>> -> memref<10240xf32, #tpu.memory_space<vmem_shared>>
      tpu.wait_indirect_dma semaphore(%arg14 : memref<!tpu.dma_semaphore, #tpu.memory_space<semaphore_mem>>) src(%dma_wait3A_136 : memref<10240xf32, #tpu.memory_space<vmem_shared>>) dst(%dma_wait3A_131 : memref<128xf32, #tpu.memory_space<vmem>>)
      %dma_start3A_137 = arith.constant 1 : i32
      %dma_start3A_138 = arith.constant 0 : i32
      %dma_start3A_139 = tpu.memref_slice %arg11[%dma_start3A_137, %dma_start3A_138] : memref<2x128xf32, #tpu.memory_space<vmem>> -> memref<1x128xf32, #tpu.memory_space<vmem>>
      %dma_start3A_140 = tpu.memref_squeeze %dma_start3A_139 : memref<1x128xf32, #tpu.memory_space<vmem>> -> memref<128xf32, #tpu.memory_space<vmem>>
      %dma_start3A_141 = arith.constant 0 : i32
      %dma_start3A_142 = tpu.memref_slice %arg9[%add3A_127, %dma_start3A_141] : memref<80x128xi32, #tpu.memory_space<vmem>> -> memref<1x128xi32, #tpu.memory_space<vmem>>
      %dma_start3A_143 = tpu.memref_squeeze %dma_start3A_142 : memref<1x128xi32, #tpu.memory_space<vmem>> -> memref<128xi32, #tpu.memory_space<vmem>>
      %dma_start3A_144 = arith.constant 0 : i32
      %dma_start3A_145 = tpu.memref_slice %arg7[%dma_start3A_144] : memref<10240xf32, #tpu.memory_space<vmem_shared>> -> memref<10240xf32, #tpu.memory_space<vmem_shared>>
      tpu.enqueue_indirect_dma source(%dma_start3A_140 : memref<128xf32, #tpu.memory_space<vmem>>) target(%dma_start3A_145 : memref<10240xf32, #tpu.memory_space<vmem_shared>>) offsets(%dma_start3A_143 : memref<128xi32, #tpu.memory_space<vmem>>) semaphore(%arg16 : memref<!tpu.dma_semaphore, #tpu.memory_space<semaphore_mem>>) {add = true}
      %mul3A_146 = arith.constant 2 : i32
      %mul3A_147 = arith.muli %scan3A_103, %mul3A_146 : i32
      %add3A_148 = arith.constant 0 : i32
      %add3A_149 = arith.addi %mul3A_147, %add3A_148 : i32
      %dma_wait3A_150 = arith.constant 0 : i32
      %dma_wait3A_151 = arith.constant 0 : i32
      %dma_wait3A_152 = tpu.memref_slice %arg11[%dma_wait3A_150, %dma_wait3A_151] : memref<2x128xf32, #tpu.memory_space<vmem>> -> memref<1x128xf32, #tpu.memory_space<vmem>>
      %dma_wait3A_153 = tpu.memref_squeeze %dma_wait3A_152 : memref<1x128xf32, #tpu.memory_space<vmem>> -> memref<128xf32, #tpu.memory_space<vmem>>
      %dma_wait3A_154 = arith.constant 0 : i32
      %dma_wait3A_155 = tpu.memref_slice %arg9[%add3A_149, %dma_wait3A_154] : memref<80x128xi32, #tpu.memory_space<vmem>> -> memref<1x128xi32, #tpu.memory_space<vmem>>
      %dma_wait3A_156 = tpu.memref_squeeze %dma_wait3A_155 : memref<1x128xi32, #tpu.memory_space<vmem>> -> memref<128xi32, #tpu.memory_space<vmem>>
      %dma_wait3A_157 = arith.constant 0 : i32
      %dma_wait3A_158 = tpu.memref_slice %arg7[%dma_wait3A_157] : memref<10240xf32, #tpu.memory_space<vmem_shared>> -> memref<10240xf32, #tpu.memory_space<vmem_shared>>
      tpu.wait_indirect_dma semaphore(%arg15 : memref<!tpu.dma_semaphore, #tpu.memory_space<semaphore_mem>>) src(%dma_wait3A_153 : memref<128xf32, #tpu.memory_space<vmem>>) dst(%dma_wait3A_158 : memref<10240xf32, #tpu.memory_space<vmem_shared>>)
      %add3A_159 = arith.constant 2 : i32
      %add3A_160 = arith.addi %add3A_149, %add3A_159 : i32
      %lt3A = arith.constant 80 : i32
      %lt3A_161 = arith.cmpi slt, %add3A_160, %lt3A : i32
      %convert_element_type3A_162 = arith.extui %lt3A_161 : i1 to i32
      %cond3A_163 = arith.constant 0 : i32
      %cond3A_164 = arith.cmpi ne, %convert_element_type3A_162, %cond3A_163 : i32
      scf.if %cond3A_164 {
        %add3A_185 = arith.constant 2 : i32
        %add3A_186 = arith.addi %add3A_149, %add3A_185 : i32
        %dma_start3A_187 = arith.constant 0 : i32
        %dma_start3A_188 = arith.constant 0 : i32
        %dma_start3A_189 = tpu.memref_slice %arg11[%dma_start3A_187, %dma_start3A_188] : memref<2x128xf32, #tpu.memory_space<vmem>> -> memref<1x128xf32, #tpu.memory_space<vmem>>
        %dma_start3A_190 = tpu.memref_squeeze %dma_start3A_189 : memref<1x128xf32, #tpu.memory_space<vmem>> -> memref<128xf32, #tpu.memory_space<vmem>>
        %dma_start3A_191 = arith.constant 0 : i32
        %dma_start3A_192 = tpu.memref_slice %arg8[%add3A_186, %dma_start3A_191] : memref<80x128xi32, #tpu.memory_space<vmem>> -> memref<1x128xi32, #tpu.memory_space<vmem>>
        %dma_start3A_193 = tpu.memref_squeeze %dma_start3A_192 : memref<1x128xi32, #tpu.memory_space<vmem>> -> memref<128xi32, #tpu.memory_space<vmem>>
        %dma_start3A_194 = arith.constant 0 : i32
        %dma_start3A_195 = tpu.memref_slice %arg6[%dma_start3A_194] : memref<10240xf32, #tpu.memory_space<vmem_shared>> -> memref<10240xf32, #tpu.memory_space<vmem_shared>>
        tpu.enqueue_indirect_dma source(%dma_start3A_195 : memref<10240xf32, #tpu.memory_space<vmem_shared>>) target(%dma_start3A_190 : memref<128xf32, #tpu.memory_space<vmem>>) offsets(%dma_start3A_193 : memref<128xi32, #tpu.memory_space<vmem>>) semaphore(%arg13 : memref<!tpu.dma_semaphore, #tpu.memory_space<semaphore_mem>>)
      } else {
      }
      %mul3A_165 = arith.constant 2 : i32
      %mul3A_166 = arith.muli %scan3A_103, %mul3A_165 : i32
      %add3A_167 = arith.constant 1 : i32
      %add3A_168 = arith.addi %mul3A_166, %add3A_167 : i32
      %dma_wait3A_169 = arith.constant 1 : i32
      %dma_wait3A_170 = arith.constant 0 : i32
      %dma_wait3A_171 = tpu.memref_slice %arg11[%dma_wait3A_169, %dma_wait3A_170] : memref<2x128xf32, #tpu.memory_space<vmem>> -> memref<1x128xf32, #tpu.memory_space<vmem>>
      %dma_wait3A_172 = tpu.memref_squeeze %dma_wait3A_171 : memref<1x128xf32, #tpu.memory_space<vmem>> -> memref<128xf32, #tpu.memory_space<vmem>>
      %dma_wait3A_173 = arith.constant 0 : i32
      %dma_wait3A_174 = tpu.memref_slice %arg9[%add3A_168, %dma_wait3A_173] : memref<80x128xi32, #tpu.memory_space<vmem>> -> memref<1x128xi32, #tpu.memory_space<vmem>>
      %dma_wait3A_175 = tpu.memref_squeeze %dma_wait3A_174 : memref<1x128xi32, #tpu.memory_space<vmem>> -> memref<128xi32, #tpu.memory_space<vmem>>
      %dma_wait3A_176 = arith.constant 0 : i32
      %dma_wait3A_177 = tpu.memref_slice %arg7[%dma_wait3A_176] : memref<10240xf32, #tpu.memory_space<vmem_shared>> -> memref<10240xf32, #tpu.memory_space<vmem_shared>>
      tpu.wait_indirect_dma semaphore(%arg16 : memref<!tpu.dma_semaphore, #tpu.memory_space<semaphore_mem>>) src(%dma_wait3A_172 : memref<128xf32, #tpu.memory_space<vmem>>) dst(%dma_wait3A_177 : memref<10240xf32, #tpu.memory_space<vmem_shared>>)
      %add3A_178 = arith.constant 2 : i32
      %add3A_179 = arith.addi %add3A_168, %add3A_178 : i32
      %lt3A_180 = arith.constant 80 : i32
      %lt3A_181 = arith.cmpi slt, %add3A_179, %lt3A_180 : i32
      %convert_element_type3A_182 = arith.extui %lt3A_181 : i1 to i32
      %cond3A_183 = arith.constant 0 : i32
      %cond3A_184 = arith.cmpi ne, %convert_element_type3A_182, %cond3A_183 : i32
      scf.if %cond3A_184 {
        %add3A_185 = arith.constant 2 : i32
        %add3A_186 = arith.addi %add3A_168, %add3A_185 : i32
        %dma_start3A_187 = arith.constant 1 : i32
        %dma_start3A_188 = arith.constant 0 : i32
        %dma_start3A_189 = tpu.memref_slice %arg11[%dma_start3A_187, %dma_start3A_188] : memref<2x128xf32, #tpu.memory_space<vmem>> -> memref<1x128xf32, #tpu.memory_space<vmem>>
        %dma_start3A_190 = tpu.memref_squeeze %dma_start3A_189 : memref<1x128xf32, #tpu.memory_space<vmem>> -> memref<128xf32, #tpu.memory_space<vmem>>
        %dma_start3A_191 = arith.constant 0 : i32
        %dma_start3A_192 = tpu.memref_slice %arg8[%add3A_186, %dma_start3A_191] : memref<80x128xi32, #tpu.memory_space<vmem>> -> memref<1x128xi32, #tpu.memory_space<vmem>>
        %dma_start3A_193 = tpu.memref_squeeze %dma_start3A_192 : memref<1x128xi32, #tpu.memory_space<vmem>> -> memref<128xi32, #tpu.memory_space<vmem>>
        %dma_start3A_194 = arith.constant 0 : i32
        %dma_start3A_195 = tpu.memref_slice %arg6[%dma_start3A_194] : memref<10240xf32, #tpu.memory_space<vmem_shared>> -> memref<10240xf32, #tpu.memory_space<vmem_shared>>
        tpu.enqueue_indirect_dma source(%dma_start3A_195 : memref<10240xf32, #tpu.memory_space<vmem_shared>>) target(%dma_start3A_190 : memref<128xf32, #tpu.memory_space<vmem>>) offsets(%dma_start3A_193 : memref<128xi32, #tpu.memory_space<vmem>>) semaphore(%arg14 : memref<!tpu.dma_semaphore, #tpu.memory_space<semaphore_mem>>)
      } else {
      }
    }
    %scan3A_96 = arith.constant 40 : i32
    %barrier3A_97 = arith.constant 0 : index
    tpu.barrier barrier_id(%barrier3A_97)
    %eq3A_98 = arith.constant 0 : i32
    %eq3A_99 = arith.cmpi eq, %arg0, %eq3A_98 : i32
    %convert_element_type3A_100 = arith.extui %eq3A_99 : i1 to i32
    %cond3A_101 = arith.constant 0 : i32
    %cond3A_102 = arith.cmpi ne, %convert_element_type3A_100, %cond3A_101 : i32
    scf.if %cond3A_102 {
      "tpu.region"() ({
        %run_scoped3A = tpu.sem_alloc : memref<!tpu.dma_semaphore, #tpu.memory_space<semaphore_mem>>
        %dma_start3A_103 = tpu.memref_slice %arg5[%mul3A_0] : memref<10240xf32, #tpu.memory_space<hbm>> -> memref<640xf32, #tpu.memory_space<hbm>>
        %dma_start3A_104 = tpu.memref_slice %arg7[%mul3A_0] : memref<10240xf32, #tpu.memory_space<vmem_shared>> -> memref<640xf32, #tpu.memory_space<vmem_shared>>
        tpu.enqueue_dma source(%dma_start3A_104 : memref<640xf32, #tpu.memory_space<vmem_shared>>) target(%dma_start3A_103 : memref<640xf32, #tpu.memory_space<hbm>>) target_semaphore(%run_scoped3A : memref<!tpu.dma_semaphore, #tpu.memory_space<semaphore_mem>>)
        %dma_wait3A = tpu.memref_slice %arg5[%mul3A_0] : memref<10240xf32, #tpu.memory_space<hbm>> -> memref<640xf32, #tpu.memory_space<hbm>>
        %dma_wait3A_105 = tpu.memref_slice %arg7[%mul3A_0] : memref<10240xf32, #tpu.memory_space<vmem_shared>> -> memref<640xf32, #tpu.memory_space<vmem_shared>>
        tpu.wait_dma2 semaphore(%run_scoped3A : memref<!tpu.dma_semaphore, #tpu.memory_space<semaphore_mem>>) src(%dma_wait3A_105 : memref<640xf32, #tpu.memory_space<vmem_shared>>) dst(%dma_wait3A : memref<640xf32, #tpu.memory_space<hbm>>)
        tpu.yield
      }) : () -> ()
    } else {
    }
    return
  }
}

#map = affine_map<(d0, d1) -> (0, 0)>
#map1 = affine_map<(d0, d1) -> (0, 0, 0)>
module attributes {stable_mosaic.version = 14 : i64} {
  func.func @_propagate(%arg0: i32, %arg1: i32, %arg2: memref<10240x128xf32, #tpu.memory_space<hbm>>, %arg3: memref<1280x128xi32, #tpu.memory_space<hbm>>, %arg4: memref<1280x128xi32, #tpu.memory_space<hbm>>, %arg5: memref<640x128xf32, #tpu.memory_space<hbm>>, %arg6: memref<2x10240x128xf32, #tpu.memory_space<hbm>>, %arg7: memref<10240x128xf32, #tpu.memory_space<vmem_shared>>, %arg8: memref<40x128xi32, #tpu.memory_space<vmem>>, %arg9: memref<40x128xi32, #tpu.memory_space<vmem>>, %arg10: memref<2x128x128xf32, #tpu.memory_space<vmem>>, %arg11: memref<!tpu.dma_semaphore, #tpu.memory_space<semaphore_mem>>, %arg12: memref<!tpu.dma_semaphore, #tpu.memory_space<semaphore_mem>>, %arg13: memref<!tpu.dma_semaphore, #tpu.memory_space<semaphore_mem>>, %arg14: memref<!tpu.dma_semaphore, #tpu.memory_space<semaphore_mem>>) attributes {dimension_semantics = [#tpu.dimension_semantics<core_parallel>, #tpu.dimension_semantics<subcore_parallel>], iteration_bounds = array<i64: 2, 16>, scalar_prefetch = 0 : i64, scratch_operands = 8 : i64, tpu.core_type = #tpu.core_type<sc_vector_subcore>, window_params = [{transform_indices = #map}, {transform_indices = #map}, {transform_indices = #map}, {transform_indices = #map}, {transform_indices = #map1}]} {
    %mul3A = arith.constant 16 : i32
    %mul3A_0 = arith.muli %arg0, %mul3A : i32
    %add3A = arith.addi %mul3A_0, %arg1 : i32
    %mul3A_1 = arith.constant 640 : i32
    %mul3A_2 = arith.muli %arg1, %mul3A_1 : i32
    %mul3A_3 = arith.constant 40 : i32
    %mul3A_4 = arith.muli %add3A, %mul3A_3 : i32
    "tpu.region"() ({
      %run_scoped3A = tpu.sem_alloc : memref<!tpu.dma_semaphore, #tpu.memory_space<semaphore_mem>>
      %dma_start3A_36 = arith.constant 0 : i32
      %dma_start3A_37 = tpu.memref_slice %arg3[%mul3A_4, %dma_start3A_36] : memref<1280x128xi32, #tpu.memory_space<hbm>> -> memref<40x128xi32, #tpu.memory_space<hbm>>
      %dma_start3A_38 = arith.constant 0 : i32
      %dma_start3A_39 = tpu.memref_slice %arg3[%mul3A_4, %dma_start3A_38] : memref<1280x128xi32, #tpu.memory_space<hbm>> -> memref<40x128xi32, #tpu.memory_space<hbm>>
      tpu.enqueue_dma source(%dma_start3A_39 : memref<40x128xi32, #tpu.memory_space<hbm>>) target(%arg8 : memref<40x128xi32, #tpu.memory_space<vmem>>) target_semaphore(%run_scoped3A : memref<!tpu.dma_semaphore, #tpu.memory_space<semaphore_mem>>)
      %dma_wait3A = arith.constant 0 : i32
      %dma_wait3A_40 = tpu.memref_slice %arg3[%mul3A_4, %dma_wait3A] : memref<1280x128xi32, #tpu.memory_space<hbm>> -> memref<40x128xi32, #tpu.memory_space<hbm>>
      %dma_wait3A_41 = arith.constant 0 : i32
      %dma_wait3A_42 = tpu.memref_slice %arg3[%mul3A_4, %dma_wait3A_41] : memref<1280x128xi32, #tpu.memory_space<hbm>> -> memref<40x128xi32, #tpu.memory_space<hbm>>
      tpu.wait_dma2 semaphore(%run_scoped3A : memref<!tpu.dma_semaphore, #tpu.memory_space<semaphore_mem>>) src(%dma_wait3A_42 : memref<40x128xi32, #tpu.memory_space<hbm>>) dst(%arg8 : memref<40x128xi32, #tpu.memory_space<vmem>>)
      tpu.yield
    }) : () -> ()
    %mul3A_5 = arith.constant 40 : i32
    %mul3A_6 = arith.muli %add3A, %mul3A_5 : i32
    "tpu.region"() ({
      %run_scoped3A = tpu.sem_alloc : memref<!tpu.dma_semaphore, #tpu.memory_space<semaphore_mem>>
      %dma_start3A_36 = arith.constant 0 : i32
      %dma_start3A_37 = tpu.memref_slice %arg4[%mul3A_6, %dma_start3A_36] : memref<1280x128xi32, #tpu.memory_space<hbm>> -> memref<40x128xi32, #tpu.memory_space<hbm>>
      %dma_start3A_38 = arith.constant 0 : i32
      %dma_start3A_39 = tpu.memref_slice %arg4[%mul3A_6, %dma_start3A_38] : memref<1280x128xi32, #tpu.memory_space<hbm>> -> memref<40x128xi32, #tpu.memory_space<hbm>>
      tpu.enqueue_dma source(%dma_start3A_39 : memref<40x128xi32, #tpu.memory_space<hbm>>) target(%arg9 : memref<40x128xi32, #tpu.memory_space<vmem>>) target_semaphore(%run_scoped3A : memref<!tpu.dma_semaphore, #tpu.memory_space<semaphore_mem>>)
      %dma_wait3A = arith.constant 0 : i32
      %dma_wait3A_40 = tpu.memref_slice %arg4[%mul3A_6, %dma_wait3A] : memref<1280x128xi32, #tpu.memory_space<hbm>> -> memref<40x128xi32, #tpu.memory_space<hbm>>
      %dma_wait3A_41 = arith.constant 0 : i32
      %dma_wait3A_42 = tpu.memref_slice %arg4[%mul3A_6, %dma_wait3A_41] : memref<1280x128xi32, #tpu.memory_space<hbm>> -> memref<40x128xi32, #tpu.memory_space<hbm>>
      tpu.wait_dma2 semaphore(%run_scoped3A : memref<!tpu.dma_semaphore, #tpu.memory_space<semaphore_mem>>) src(%dma_wait3A_42 : memref<40x128xi32, #tpu.memory_space<hbm>>) dst(%arg9 : memref<40x128xi32, #tpu.memory_space<vmem>>)
      tpu.yield
    }) : () -> ()
    "tpu.region"() ({
      %run_scoped3A = tpu.sem_alloc : memref<!tpu.dma_semaphore, #tpu.memory_space<semaphore_mem>>
      %dma_start3A_36 = arith.constant 0 : i32
      %dma_start3A_37 = tpu.memref_slice %arg7[%mul3A_2, %dma_start3A_36] : memref<10240x128xf32, #tpu.memory_space<vmem_shared>> -> memref<640x128xf32, #tpu.memory_space<vmem_shared>>
      tpu.enqueue_dma source(%arg5 : memref<640x128xf32, #tpu.memory_space<hbm>>) target(%dma_start3A_37 : memref<640x128xf32, #tpu.memory_space<vmem_shared>>) target_semaphore(%run_scoped3A : memref<!tpu.dma_semaphore, #tpu.memory_space<semaphore_mem>>)
      %dma_wait3A = arith.constant 0 : i32
      %dma_wait3A_38 = tpu.memref_slice %arg7[%mul3A_2, %dma_wait3A] : memref<10240x128xf32, #tpu.memory_space<vmem_shared>> -> memref<640x128xf32, #tpu.memory_space<vmem_shared>>
      tpu.wait_dma2 semaphore(%run_scoped3A : memref<!tpu.dma_semaphore, #tpu.memory_space<semaphore_mem>>) src(%arg5 : memref<640x128xf32, #tpu.memory_space<hbm>>) dst(%dma_wait3A_38 : memref<640x128xf32, #tpu.memory_space<vmem_shared>>)
      tpu.yield
    }) : () -> ()
    %barrier3A = arith.constant 0 : index
    tpu.barrier barrier_id(%barrier3A)
    %dma_start3A = arith.constant 0 : i32
    %dma_start3A_7 = arith.constant 0 : i32
    %dma_start3A_8 = arith.constant 0 : i32
    %dma_start3A_9 = arith.constant 0 : i32
    %dma_start3A_10 = tpu.memref_slice %arg10[%dma_start3A_7, %dma_start3A_8, %dma_start3A_9] : memref<2x128x128xf32, #tpu.memory_space<vmem>> -> memref<1x128x128xf32, #tpu.memory_space<vmem>>
    %dma_start3A_11 = tpu.memref_squeeze %dma_start3A_10 : memref<1x128x128xf32, #tpu.memory_space<vmem>> -> memref<128x128xf32, #tpu.memory_space<vmem>>
    %dma_start3A_12 = arith.constant 0 : i32
    %dma_start3A_13 = tpu.memref_slice %arg8[%dma_start3A, %dma_start3A_12] : memref<40x128xi32, #tpu.memory_space<vmem>> -> memref<1x128xi32, #tpu.memory_space<vmem>>
    %dma_start3A_14 = tpu.memref_squeeze %dma_start3A_13 : memref<1x128xi32, #tpu.memory_space<vmem>> -> memref<128xi32, #tpu.memory_space<vmem>>
    %dma_start3A_15 = arith.constant 0 : i32
    %dma_start3A_16 = arith.constant 0 : i32
    %dma_start3A_17 = tpu.memref_slice %arg2[%dma_start3A_15, %dma_start3A_16] : memref<10240x128xf32, #tpu.memory_space<hbm>> -> memref<10240x128xf32, #tpu.memory_space<hbm>>
    tpu.enqueue_indirect_dma source(%dma_start3A_17 : memref<10240x128xf32, #tpu.memory_space<hbm>>) target(%dma_start3A_11 : memref<128x128xf32, #tpu.memory_space<vmem>>) offsets(%dma_start3A_14 : memref<128xi32, #tpu.memory_space<vmem>>) semaphore(%arg11 : memref<!tpu.dma_semaphore, #tpu.memory_space<semaphore_mem>>)
    %dma_start3A_18 = arith.constant 1 : i32
    %dma_start3A_19 = arith.constant 1 : i32
    %dma_start3A_20 = arith.constant 0 : i32
    %dma_start3A_21 = arith.constant 0 : i32
    %dma_start3A_22 = tpu.memref_slice %arg10[%dma_start3A_19, %dma_start3A_20, %dma_start3A_21] : memref<2x128x128xf32, #tpu.memory_space<vmem>> -> memref<1x128x128xf32, #tpu.memory_space<vmem>>
    %dma_start3A_23 = tpu.memref_squeeze %dma_start3A_22 : memref<1x128x128xf32, #tpu.memory_space<vmem>> -> memref<128x128xf32, #tpu.memory_space<vmem>>
    %dma_start3A_24 = arith.constant 0 : i32
    %dma_start3A_25 = tpu.memref_slice %arg8[%dma_start3A_18, %dma_start3A_24] : memref<40x128xi32, #tpu.memory_space<vmem>> -> memref<1x128xi32, #tpu.memory_space<vmem>>
    %dma_start3A_26 = tpu.memref_squeeze %dma_start3A_25 : memref<1x128xi32, #tpu.memory_space<vmem>> -> memref<128xi32, #tpu.memory_space<vmem>>
    %dma_start3A_27 = arith.constant 0 : i32
    %dma_start3A_28 = arith.constant 0 : i32
    %dma_start3A_29 = tpu.memref_slice %arg2[%dma_start3A_27, %dma_start3A_28] : memref<10240x128xf32, #tpu.memory_space<hbm>> -> memref<10240x128xf32, #tpu.memory_space<hbm>>
    tpu.enqueue_indirect_dma source(%dma_start3A_29 : memref<10240x128xf32, #tpu.memory_space<hbm>>) target(%dma_start3A_23 : memref<128x128xf32, #tpu.memory_space<vmem>>) offsets(%dma_start3A_26 : memref<128xi32, #tpu.memory_space<vmem>>) semaphore(%arg12 : memref<!tpu.dma_semaphore, #tpu.memory_space<semaphore_mem>>)
    %scan3A = arith.constant 0 : i32
    %scan3A_30 = arith.constant 0 : i32
    %scan3A_31 = arith.constant 20 : i32
    %scan3A_32 = arith.addi %scan3A_30, %scan3A_31 : i32
    %scan3A_33 = arith.constant 1 : i32
    scf.for %scan3A_36 = %scan3A_30 to %scan3A_32 step %scan3A_33  : i32 {
      %mul3A_37 = arith.constant 2 : i32
      %mul3A_38 = arith.muli %scan3A_36, %mul3A_37 : i32
      %add3A_39 = arith.constant 0 : i32
      %add3A_40 = arith.addi %mul3A_38, %add3A_39 : i32
      %dma_wait3A = arith.constant 0 : i32
      %dma_wait3A_41 = arith.constant 0 : i32
      %dma_wait3A_42 = arith.constant 0 : i32
      %dma_wait3A_43 = tpu.memref_slice %arg10[%dma_wait3A, %dma_wait3A_41, %dma_wait3A_42] : memref<2x128x128xf32, #tpu.memory_space<vmem>> -> memref<1x128x128xf32, #tpu.memory_space<vmem>>
      %dma_wait3A_44 = tpu.memref_squeeze %dma_wait3A_43 : memref<1x128x128xf32, #tpu.memory_space<vmem>> -> memref<128x128xf32, #tpu.memory_space<vmem>>
      %dma_wait3A_45 = arith.constant 0 : i32
      %dma_wait3A_46 = tpu.memref_slice %arg8[%add3A_40, %dma_wait3A_45] : memref<40x128xi32, #tpu.memory_space<vmem>> -> memref<1x128xi32, #tpu.memory_space<vmem>>
      %dma_wait3A_47 = tpu.memref_squeeze %dma_wait3A_46 : memref<1x128xi32, #tpu.memory_space<vmem>> -> memref<128xi32, #tpu.memory_space<vmem>>
      %dma_wait3A_48 = arith.constant 0 : i32
      %dma_wait3A_49 = arith.constant 0 : i32
      %dma_wait3A_50 = tpu.memref_slice %arg2[%dma_wait3A_48, %dma_wait3A_49] : memref<10240x128xf32, #tpu.memory_space<hbm>> -> memref<10240x128xf32, #tpu.memory_space<hbm>>
      tpu.wait_indirect_dma semaphore(%arg11 : memref<!tpu.dma_semaphore, #tpu.memory_space<semaphore_mem>>) src(%dma_wait3A_50 : memref<10240x128xf32, #tpu.memory_space<hbm>>) dst(%dma_wait3A_44 : memref<128x128xf32, #tpu.memory_space<vmem>>)
      %dma_start3A_51 = arith.constant 0 : i32
      %dma_start3A_52 = arith.constant 0 : i32
      %dma_start3A_53 = arith.constant 0 : i32
      %dma_start3A_54 = tpu.memref_slice %arg10[%dma_start3A_51, %dma_start3A_52, %dma_start3A_53] : memref<2x128x128xf32, #tpu.memory_space<vmem>> -> memref<1x128x128xf32, #tpu.memory_space<vmem>>
      %dma_start3A_55 = tpu.memref_squeeze %dma_start3A_54 : memref<1x128x128xf32, #tpu.memory_space<vmem>> -> memref<128x128xf32, #tpu.memory_space<vmem>>
      %dma_start3A_56 = arith.constant 0 : i32
      %dma_start3A_57 = tpu.memref_slice %arg9[%add3A_40, %dma_start3A_56] : memref<40x128xi32, #tpu.memory_space<vmem>> -> memref<1x128xi32, #tpu.memory_space<vmem>>
      %dma_start3A_58 = tpu.memref_squeeze %dma_start3A_57 : memref<1x128xi32, #tpu.memory_space<vmem>> -> memref<128xi32, #tpu.memory_space<vmem>>
      %dma_start3A_59 = arith.constant 0 : i32
      %dma_start3A_60 = arith.constant 0 : i32
      %dma_start3A_61 = tpu.memref_slice %arg7[%dma_start3A_59, %dma_start3A_60] : memref<10240x128xf32, #tpu.memory_space<vmem_shared>> -> memref<10240x128xf32, #tpu.memory_space<vmem_shared>>
      tpu.enqueue_indirect_dma source(%dma_start3A_55 : memref<128x128xf32, #tpu.memory_space<vmem>>) target(%dma_start3A_61 : memref<10240x128xf32, #tpu.memory_space<vmem_shared>>) offsets(%dma_start3A_58 : memref<128xi32, #tpu.memory_space<vmem>>) semaphore(%arg13 : memref<!tpu.dma_semaphore, #tpu.memory_space<semaphore_mem>>) {add = true}
      %mul3A_62 = arith.constant 2 : i32
      %mul3A_63 = arith.muli %scan3A_36, %mul3A_62 : i32
      %add3A_64 = arith.constant 1 : i32
      %add3A_65 = arith.addi %mul3A_63, %add3A_64 : i32
      %dma_wait3A_66 = arith.constant 1 : i32
      %dma_wait3A_67 = arith.constant 0 : i32
      %dma_wait3A_68 = arith.constant 0 : i32
      %dma_wait3A_69 = tpu.memref_slice %arg10[%dma_wait3A_66, %dma_wait3A_67, %dma_wait3A_68] : memref<2x128x128xf32, #tpu.memory_space<vmem>> -> memref<1x128x128xf32, #tpu.memory_space<vmem>>
      %dma_wait3A_70 = tpu.memref_squeeze %dma_wait3A_69 : memref<1x128x128xf32, #tpu.memory_space<vmem>> -> memref<128x128xf32, #tpu.memory_space<vmem>>
      %dma_wait3A_71 = arith.constant 0 : i32
      %dma_wait3A_72 = tpu.memref_slice %arg8[%add3A_65, %dma_wait3A_71] : memref<40x128xi32, #tpu.memory_space<vmem>> -> memref<1x128xi32, #tpu.memory_space<vmem>>
      %dma_wait3A_73 = tpu.memref_squeeze %dma_wait3A_72 : memref<1x128xi32, #tpu.memory_space<vmem>> -> memref<128xi32, #tpu.memory_space<vmem>>
      %dma_wait3A_74 = arith.constant 0 : i32
      %dma_wait3A_75 = arith.constant 0 : i32
      %dma_wait3A_76 = tpu.memref_slice %arg2[%dma_wait3A_74, %dma_wait3A_75] : memref<10240x128xf32, #tpu.memory_space<hbm>> -> memref<10240x128xf32, #tpu.memory_space<hbm>>
      tpu.wait_indirect_dma semaphore(%arg12 : memref<!tpu.dma_semaphore, #tpu.memory_space<semaphore_mem>>) src(%dma_wait3A_76 : memref<10240x128xf32, #tpu.memory_space<hbm>>) dst(%dma_wait3A_70 : memref<128x128xf32, #tpu.memory_space<vmem>>)
      %dma_start3A_77 = arith.constant 1 : i32
      %dma_start3A_78 = arith.constant 0 : i32
      %dma_start3A_79 = arith.constant 0 : i32
      %dma_start3A_80 = tpu.memref_slice %arg10[%dma_start3A_77, %dma_start3A_78, %dma_start3A_79] : memref<2x128x128xf32, #tpu.memory_space<vmem>> -> memref<1x128x128xf32, #tpu.memory_space<vmem>>
      %dma_start3A_81 = tpu.memref_squeeze %dma_start3A_80 : memref<1x128x128xf32, #tpu.memory_space<vmem>> -> memref<128x128xf32, #tpu.memory_space<vmem>>
      %dma_start3A_82 = arith.constant 0 : i32
      %dma_start3A_83 = tpu.memref_slice %arg9[%add3A_65, %dma_start3A_82] : memref<40x128xi32, #tpu.memory_space<vmem>> -> memref<1x128xi32, #tpu.memory_space<vmem>>
      %dma_start3A_84 = tpu.memref_squeeze %dma_start3A_83 : memref<1x128xi32, #tpu.memory_space<vmem>> -> memref<128xi32, #tpu.memory_space<vmem>>
      %dma_start3A_85 = arith.constant 0 : i32
      %dma_start3A_86 = arith.constant 0 : i32
      %dma_start3A_87 = tpu.memref_slice %arg7[%dma_start3A_85, %dma_start3A_86] : memref<10240x128xf32, #tpu.memory_space<vmem_shared>> -> memref<10240x128xf32, #tpu.memory_space<vmem_shared>>
      tpu.enqueue_indirect_dma source(%dma_start3A_81 : memref<128x128xf32, #tpu.memory_space<vmem>>) target(%dma_start3A_87 : memref<10240x128xf32, #tpu.memory_space<vmem_shared>>) offsets(%dma_start3A_84 : memref<128xi32, #tpu.memory_space<vmem>>) semaphore(%arg14 : memref<!tpu.dma_semaphore, #tpu.memory_space<semaphore_mem>>) {add = true}
      %mul3A_88 = arith.constant 2 : i32
      %mul3A_89 = arith.muli %scan3A_36, %mul3A_88 : i32
      %add3A_90 = arith.constant 0 : i32
      %add3A_91 = arith.addi %mul3A_89, %add3A_90 : i32
      %dma_wait3A_92 = arith.constant 0 : i32
      %dma_wait3A_93 = arith.constant 0 : i32
      %dma_wait3A_94 = arith.constant 0 : i32
      %dma_wait3A_95 = tpu.memref_slice %arg10[%dma_wait3A_92, %dma_wait3A_93, %dma_wait3A_94] : memref<2x128x128xf32, #tpu.memory_space<vmem>> -> memref<1x128x128xf32, #tpu.memory_space<vmem>>
      %dma_wait3A_96 = tpu.memref_squeeze %dma_wait3A_95 : memref<1x128x128xf32, #tpu.memory_space<vmem>> -> memref<128x128xf32, #tpu.memory_space<vmem>>
      %dma_wait3A_97 = arith.constant 0 : i32
      %dma_wait3A_98 = tpu.memref_slice %arg9[%add3A_91, %dma_wait3A_97] : memref<40x128xi32, #tpu.memory_space<vmem>> -> memref<1x128xi32, #tpu.memory_space<vmem>>
      %dma_wait3A_99 = tpu.memref_squeeze %dma_wait3A_98 : memref<1x128xi32, #tpu.memory_space<vmem>> -> memref<128xi32, #tpu.memory_space<vmem>>
      %dma_wait3A_100 = arith.constant 0 : i32
      %dma_wait3A_101 = arith.constant 0 : i32
      %dma_wait3A_102 = tpu.memref_slice %arg7[%dma_wait3A_100, %dma_wait3A_101] : memref<10240x128xf32, #tpu.memory_space<vmem_shared>> -> memref<10240x128xf32, #tpu.memory_space<vmem_shared>>
      tpu.wait_indirect_dma semaphore(%arg13 : memref<!tpu.dma_semaphore, #tpu.memory_space<semaphore_mem>>) src(%dma_wait3A_96 : memref<128x128xf32, #tpu.memory_space<vmem>>) dst(%dma_wait3A_102 : memref<10240x128xf32, #tpu.memory_space<vmem_shared>>)
      %add3A_103 = arith.constant 2 : i32
      %add3A_104 = arith.addi %add3A_91, %add3A_103 : i32
      %lt3A = arith.constant 40 : i32
      %lt3A_105 = arith.cmpi slt, %add3A_104, %lt3A : i32
      %convert_element_type3A = arith.extui %lt3A_105 : i1 to i32
      %cond3A = arith.constant 0 : i32
      %cond3A_106 = arith.cmpi ne, %convert_element_type3A, %cond3A : i32
      scf.if %cond3A_106 {
        %add3A_129 = arith.constant 2 : i32
        %add3A_130 = arith.addi %add3A_91, %add3A_129 : i32
        %dma_start3A_131 = arith.constant 0 : i32
        %dma_start3A_132 = arith.constant 0 : i32
        %dma_start3A_133 = arith.constant 0 : i32
        %dma_start3A_134 = tpu.memref_slice %arg10[%dma_start3A_131, %dma_start3A_132, %dma_start3A_133] : memref<2x128x128xf32, #tpu.memory_space<vmem>> -> memref<1x128x128xf32, #tpu.memory_space<vmem>>
        %dma_start3A_135 = tpu.memref_squeeze %dma_start3A_134 : memref<1x128x128xf32, #tpu.memory_space<vmem>> -> memref<128x128xf32, #tpu.memory_space<vmem>>
        %dma_start3A_136 = arith.constant 0 : i32
        %dma_start3A_137 = tpu.memref_slice %arg8[%add3A_130, %dma_start3A_136] : memref<40x128xi32, #tpu.memory_space<vmem>> -> memref<1x128xi32, #tpu.memory_space<vmem>>
        %dma_start3A_138 = tpu.memref_squeeze %dma_start3A_137 : memref<1x128xi32, #tpu.memory_space<vmem>> -> memref<128xi32, #tpu.memory_space<vmem>>
        %dma_start3A_139 = arith.constant 0 : i32
        %dma_start3A_140 = arith.constant 0 : i32
        %dma_start3A_141 = tpu.memref_slice %arg2[%dma_start3A_139, %dma_start3A_140] : memref<10240x128xf32, #tpu.memory_space<hbm>> -> memref<10240x128xf32, #tpu.memory_space<hbm>>
        tpu.enqueue_indirect_dma source(%dma_start3A_141 : memref<10240x128xf32, #tpu.memory_space<hbm>>) target(%dma_start3A_135 : memref<128x128xf32, #tpu.memory_space<vmem>>) offsets(%dma_start3A_138 : memref<128xi32, #tpu.memory_space<vmem>>) semaphore(%arg11 : memref<!tpu.dma_semaphore, #tpu.memory_space<semaphore_mem>>)
      } else {
      }
      %mul3A_107 = arith.constant 2 : i32
      %mul3A_108 = arith.muli %scan3A_36, %mul3A_107 : i32
      %add3A_109 = arith.constant 1 : i32
      %add3A_110 = arith.addi %mul3A_108, %add3A_109 : i32
      %dma_wait3A_111 = arith.constant 1 : i32
      %dma_wait3A_112 = arith.constant 0 : i32
      %dma_wait3A_113 = arith.constant 0 : i32
      %dma_wait3A_114 = tpu.memref_slice %arg10[%dma_wait3A_111, %dma_wait3A_112, %dma_wait3A_113] : memref<2x128x128xf32, #tpu.memory_space<vmem>> -> memref<1x128x128xf32, #tpu.memory_space<vmem>>
      %dma_wait3A_115 = tpu.memref_squeeze %dma_wait3A_114 : memref<1x128x128xf32, #tpu.memory_space<vmem>> -> memref<128x128xf32, #tpu.memory_space<vmem>>
      %dma_wait3A_116 = arith.constant 0 : i32
      %dma_wait3A_117 = tpu.memref_slice %arg9[%add3A_110, %dma_wait3A_116] : memref<40x128xi32, #tpu.memory_space<vmem>> -> memref<1x128xi32, #tpu.memory_space<vmem>>
      %dma_wait3A_118 = tpu.memref_squeeze %dma_wait3A_117 : memref<1x128xi32, #tpu.memory_space<vmem>> -> memref<128xi32, #tpu.memory_space<vmem>>
      %dma_wait3A_119 = arith.constant 0 : i32
      %dma_wait3A_120 = arith.constant 0 : i32
      %dma_wait3A_121 = tpu.memref_slice %arg7[%dma_wait3A_119, %dma_wait3A_120] : memref<10240x128xf32, #tpu.memory_space<vmem_shared>> -> memref<10240x128xf32, #tpu.memory_space<vmem_shared>>
      tpu.wait_indirect_dma semaphore(%arg14 : memref<!tpu.dma_semaphore, #tpu.memory_space<semaphore_mem>>) src(%dma_wait3A_115 : memref<128x128xf32, #tpu.memory_space<vmem>>) dst(%dma_wait3A_121 : memref<10240x128xf32, #tpu.memory_space<vmem_shared>>)
      %add3A_122 = arith.constant 2 : i32
      %add3A_123 = arith.addi %add3A_110, %add3A_122 : i32
      %lt3A_124 = arith.constant 40 : i32
      %lt3A_125 = arith.cmpi slt, %add3A_123, %lt3A_124 : i32
      %convert_element_type3A_126 = arith.extui %lt3A_125 : i1 to i32
      %cond3A_127 = arith.constant 0 : i32
      %cond3A_128 = arith.cmpi ne, %convert_element_type3A_126, %cond3A_127 : i32
      scf.if %cond3A_128 {
        %add3A_129 = arith.constant 2 : i32
        %add3A_130 = arith.addi %add3A_110, %add3A_129 : i32
        %dma_start3A_131 = arith.constant 1 : i32
        %dma_start3A_132 = arith.constant 0 : i32
        %dma_start3A_133 = arith.constant 0 : i32
        %dma_start3A_134 = tpu.memref_slice %arg10[%dma_start3A_131, %dma_start3A_132, %dma_start3A_133] : memref<2x128x128xf32, #tpu.memory_space<vmem>> -> memref<1x128x128xf32, #tpu.memory_space<vmem>>
        %dma_start3A_135 = tpu.memref_squeeze %dma_start3A_134 : memref<1x128x128xf32, #tpu.memory_space<vmem>> -> memref<128x128xf32, #tpu.memory_space<vmem>>
        %dma_start3A_136 = arith.constant 0 : i32
        %dma_start3A_137 = tpu.memref_slice %arg8[%add3A_130, %dma_start3A_136] : memref<40x128xi32, #tpu.memory_space<vmem>> -> memref<1x128xi32, #tpu.memory_space<vmem>>
        %dma_start3A_138 = tpu.memref_squeeze %dma_start3A_137 : memref<1x128xi32, #tpu.memory_space<vmem>> -> memref<128xi32, #tpu.memory_space<vmem>>
        %dma_start3A_139 = arith.constant 0 : i32
        %dma_start3A_140 = arith.constant 0 : i32
        %dma_start3A_141 = tpu.memref_slice %arg2[%dma_start3A_139, %dma_start3A_140] : memref<10240x128xf32, #tpu.memory_space<hbm>> -> memref<10240x128xf32, #tpu.memory_space<hbm>>
        tpu.enqueue_indirect_dma source(%dma_start3A_141 : memref<10240x128xf32, #tpu.memory_space<hbm>>) target(%dma_start3A_135 : memref<128x128xf32, #tpu.memory_space<vmem>>) offsets(%dma_start3A_138 : memref<128xi32, #tpu.memory_space<vmem>>) semaphore(%arg12 : memref<!tpu.dma_semaphore, #tpu.memory_space<semaphore_mem>>)
      } else {
      }
    }
    %scan3A_34 = arith.constant 20 : i32
    %barrier3A_35 = arith.constant 0 : index
    tpu.barrier barrier_id(%barrier3A_35)
    "tpu.region"() ({
      %run_scoped3A = tpu.sem_alloc : memref<!tpu.dma_semaphore, #tpu.memory_space<semaphore_mem>>
      %dma_start3A_36 = arith.constant 0 : i32
      %dma_start3A_37 = tpu.memref_slice %arg6[%arg0, %mul3A_2, %dma_start3A_36] : memref<2x10240x128xf32, #tpu.memory_space<hbm>> -> memref<1x640x128xf32, #tpu.memory_space<hbm>>
      %dma_start3A_38 = tpu.memref_squeeze %dma_start3A_37 : memref<1x640x128xf32, #tpu.memory_space<hbm>> -> memref<640x128xf32, #tpu.memory_space<hbm>>
      %dma_start3A_39 = arith.constant 0 : i32
      %dma_start3A_40 = tpu.memref_slice %arg7[%mul3A_2, %dma_start3A_39] : memref<10240x128xf32, #tpu.memory_space<vmem_shared>> -> memref<640x128xf32, #tpu.memory_space<vmem_shared>>
      tpu.enqueue_dma source(%dma_start3A_40 : memref<640x128xf32, #tpu.memory_space<vmem_shared>>) target(%dma_start3A_38 : memref<640x128xf32, #tpu.memory_space<hbm>>) target_semaphore(%run_scoped3A : memref<!tpu.dma_semaphore, #tpu.memory_space<semaphore_mem>>)
      %dma_wait3A = arith.constant 0 : i32
      %dma_wait3A_41 = tpu.memref_slice %arg6[%arg0, %mul3A_2, %dma_wait3A] : memref<2x10240x128xf32, #tpu.memory_space<hbm>> -> memref<1x640x128xf32, #tpu.memory_space<hbm>>
      %dma_wait3A_42 = tpu.memref_squeeze %dma_wait3A_41 : memref<1x640x128xf32, #tpu.memory_space<hbm>> -> memref<640x128xf32, #tpu.memory_space<hbm>>
      %dma_wait3A_43 = arith.constant 0 : i32
      %dma_wait3A_44 = tpu.memref_slice %arg7[%mul3A_2, %dma_wait3A_43] : memref<10240x128xf32, #tpu.memory_space<vmem_shared>> -> memref<640x128xf32, #tpu.memory_space<vmem_shared>>
      tpu.wait_dma2 semaphore(%run_scoped3A : memref<!tpu.dma_semaphore, #tpu.memory_space<semaphore_mem>>) src(%dma_wait3A_44 : memref<640x128xf32, #tpu.memory_space<vmem_shared>>) dst(%dma_wait3A_42 : memref<640x128xf32, #tpu.memory_space<hbm>>)
      tpu.yield
    }) : () -> ()
    return
  }
}

#map = affine_map<(d0, d1) -> (0, 0)>
#map1 = affine_map<(d0, d1) -> (0, 0, 0)>
module attributes {stable_mosaic.version = 14 : i64} {
  func.func @_propagate(%arg0: i32, %arg1: i32, %arg2: memref<10240x128xf32, #tpu.memory_space<hbm>>, %arg3: memref<1280x128xi32, #tpu.memory_space<hbm>>, %arg4: memref<1280x128xi32, #tpu.memory_space<hbm>>, %arg5: memref<640x128xf32, #tpu.memory_space<hbm>>, %arg6: memref<2x10240x128xf32, #tpu.memory_space<hbm>>, %arg7: memref<10240x128xf32, #tpu.memory_space<vmem_shared>>, %arg8: memref<40x128xi32, #tpu.memory_space<vmem>>, %arg9: memref<40x128xi32, #tpu.memory_space<vmem>>, %arg10: memref<2x128x128xf32, #tpu.memory_space<vmem>>, %arg11: memref<!tpu.dma_semaphore, #tpu.memory_space<semaphore_mem>>, %arg12: memref<!tpu.dma_semaphore, #tpu.memory_space<semaphore_mem>>, %arg13: memref<!tpu.dma_semaphore, #tpu.memory_space<semaphore_mem>>, %arg14: memref<!tpu.dma_semaphore, #tpu.memory_space<semaphore_mem>>) attributes {dimension_semantics = [#tpu.dimension_semantics<core_parallel>, #tpu.dimension_semantics<subcore_parallel>], iteration_bounds = array<i64: 2, 16>, scalar_prefetch = 0 : i64, scratch_operands = 8 : i64, tpu.core_type = #tpu.core_type<sc_vector_subcore>, window_params = [{transform_indices = #map}, {transform_indices = #map}, {transform_indices = #map}, {transform_indices = #map}, {transform_indices = #map1}]} {
    %mul3A = arith.constant 16 : i32
    %mul3A_0 = arith.muli %arg0, %mul3A : i32
    %add3A = arith.addi %mul3A_0, %arg1 : i32
    %mul3A_1 = arith.constant 640 : i32
    %mul3A_2 = arith.muli %arg1, %mul3A_1 : i32
    %mul3A_3 = arith.constant 40 : i32
    %mul3A_4 = arith.muli %add3A, %mul3A_3 : i32
    "tpu.region"() ({
      %run_scoped3A = tpu.sem_alloc : memref<!tpu.dma_semaphore, #tpu.memory_space<semaphore_mem>>
      %dma_start3A_36 = arith.constant 0 : i32
      %dma_start3A_37 = tpu.memref_slice %arg3[%mul3A_4, %dma_start3A_36] : memref<1280x128xi32, #tpu.memory_space<hbm>> -> memref<40x128xi32, #tpu.memory_space<hbm>>
      %dma_start3A_38 = arith.constant 0 : i32
      %dma_start3A_39 = tpu.memref_slice %arg3[%mul3A_4, %dma_start3A_38] : memref<1280x128xi32, #tpu.memory_space<hbm>> -> memref<40x128xi32, #tpu.memory_space<hbm>>
      tpu.enqueue_dma source(%dma_start3A_39 : memref<40x128xi32, #tpu.memory_space<hbm>>) target(%arg8 : memref<40x128xi32, #tpu.memory_space<vmem>>) target_semaphore(%run_scoped3A : memref<!tpu.dma_semaphore, #tpu.memory_space<semaphore_mem>>)
      %dma_wait3A = arith.constant 0 : i32
      %dma_wait3A_40 = tpu.memref_slice %arg3[%mul3A_4, %dma_wait3A] : memref<1280x128xi32, #tpu.memory_space<hbm>> -> memref<40x128xi32, #tpu.memory_space<hbm>>
      %dma_wait3A_41 = arith.constant 0 : i32
      %dma_wait3A_42 = tpu.memref_slice %arg3[%mul3A_4, %dma_wait3A_41] : memref<1280x128xi32, #tpu.memory_space<hbm>> -> memref<40x128xi32, #tpu.memory_space<hbm>>
      tpu.wait_dma2 semaphore(%run_scoped3A : memref<!tpu.dma_semaphore, #tpu.memory_space<semaphore_mem>>) src(%dma_wait3A_42 : memref<40x128xi32, #tpu.memory_space<hbm>>) dst(%arg8 : memref<40x128xi32, #tpu.memory_space<vmem>>)
      tpu.yield
    }) : () -> ()
    %mul3A_5 = arith.constant 40 : i32
    %mul3A_6 = arith.muli %add3A, %mul3A_5 : i32
    "tpu.region"() ({
      %run_scoped3A = tpu.sem_alloc : memref<!tpu.dma_semaphore, #tpu.memory_space<semaphore_mem>>
      %dma_start3A_36 = arith.constant 0 : i32
      %dma_start3A_37 = tpu.memref_slice %arg4[%mul3A_6, %dma_start3A_36] : memref<1280x128xi32, #tpu.memory_space<hbm>> -> memref<40x128xi32, #tpu.memory_space<hbm>>
      %dma_start3A_38 = arith.constant 0 : i32
      %dma_start3A_39 = tpu.memref_slice %arg4[%mul3A_6, %dma_start3A_38] : memref<1280x128xi32, #tpu.memory_space<hbm>> -> memref<40x128xi32, #tpu.memory_space<hbm>>
      tpu.enqueue_dma source(%dma_start3A_39 : memref<40x128xi32, #tpu.memory_space<hbm>>) target(%arg9 : memref<40x128xi32, #tpu.memory_space<vmem>>) target_semaphore(%run_scoped3A : memref<!tpu.dma_semaphore, #tpu.memory_space<semaphore_mem>>)
      %dma_wait3A = arith.constant 0 : i32
      %dma_wait3A_40 = tpu.memref_slice %arg4[%mul3A_6, %dma_wait3A] : memref<1280x128xi32, #tpu.memory_space<hbm>> -> memref<40x128xi32, #tpu.memory_space<hbm>>
      %dma_wait3A_41 = arith.constant 0 : i32
      %dma_wait3A_42 = tpu.memref_slice %arg4[%mul3A_6, %dma_wait3A_41] : memref<1280x128xi32, #tpu.memory_space<hbm>> -> memref<40x128xi32, #tpu.memory_space<hbm>>
      tpu.wait_dma2 semaphore(%run_scoped3A : memref<!tpu.dma_semaphore, #tpu.memory_space<semaphore_mem>>) src(%dma_wait3A_42 : memref<40x128xi32, #tpu.memory_space<hbm>>) dst(%arg9 : memref<40x128xi32, #tpu.memory_space<vmem>>)
      tpu.yield
    }) : () -> ()
    "tpu.region"() ({
      %run_scoped3A = tpu.sem_alloc : memref<!tpu.dma_semaphore, #tpu.memory_space<semaphore_mem>>
      %dma_start3A_36 = arith.constant 0 : i32
      %dma_start3A_37 = tpu.memref_slice %arg7[%mul3A_2, %dma_start3A_36] : memref<10240x128xf32, #tpu.memory_space<vmem_shared>> -> memref<640x128xf32, #tpu.memory_space<vmem_shared>>
      tpu.enqueue_dma source(%arg5 : memref<640x128xf32, #tpu.memory_space<hbm>>) target(%dma_start3A_37 : memref<640x128xf32, #tpu.memory_space<vmem_shared>>) target_semaphore(%run_scoped3A : memref<!tpu.dma_semaphore, #tpu.memory_space<semaphore_mem>>)
      %dma_wait3A = arith.constant 0 : i32
      %dma_wait3A_38 = tpu.memref_slice %arg7[%mul3A_2, %dma_wait3A] : memref<10240x128xf32, #tpu.memory_space<vmem_shared>> -> memref<640x128xf32, #tpu.memory_space<vmem_shared>>
      tpu.wait_dma2 semaphore(%run_scoped3A : memref<!tpu.dma_semaphore, #tpu.memory_space<semaphore_mem>>) src(%arg5 : memref<640x128xf32, #tpu.memory_space<hbm>>) dst(%dma_wait3A_38 : memref<640x128xf32, #tpu.memory_space<vmem_shared>>)
      tpu.yield
    }) : () -> ()
    %barrier3A = arith.constant 0 : index
    tpu.barrier barrier_id(%barrier3A)
    %dma_start3A = arith.constant 0 : i32
    %dma_start3A_7 = arith.constant 0 : i32
    %dma_start3A_8 = arith.constant 0 : i32
    %dma_start3A_9 = arith.constant 0 : i32
    %dma_start3A_10 = tpu.memref_slice %arg10[%dma_start3A_7, %dma_start3A_8, %dma_start3A_9] : memref<2x128x128xf32, #tpu.memory_space<vmem>> -> memref<1x128x128xf32, #tpu.memory_space<vmem>>
    %dma_start3A_11 = tpu.memref_squeeze %dma_start3A_10 : memref<1x128x128xf32, #tpu.memory_space<vmem>> -> memref<128x128xf32, #tpu.memory_space<vmem>>
    %dma_start3A_12 = arith.constant 0 : i32
    %dma_start3A_13 = tpu.memref_slice %arg8[%dma_start3A, %dma_start3A_12] : memref<40x128xi32, #tpu.memory_space<vmem>> -> memref<1x128xi32, #tpu.memory_space<vmem>>
    %dma_start3A_14 = tpu.memref_squeeze %dma_start3A_13 : memref<1x128xi32, #tpu.memory_space<vmem>> -> memref<128xi32, #tpu.memory_space<vmem>>
    %dma_start3A_15 = arith.constant 0 : i32
    %dma_start3A_16 = arith.constant 0 : i32
    %dma_start3A_17 = tpu.memref_slice %arg2[%dma_start3A_15, %dma_start3A_16] : memref<10240x128xf32, #tpu.memory_space<hbm>> -> memref<10240x128xf32, #tpu.memory_space<hbm>>
    tpu.enqueue_indirect_dma source(%dma_start3A_17 : memref<10240x128xf32, #tpu.memory_space<hbm>>) target(%dma_start3A_11 : memref<128x128xf32, #tpu.memory_space<vmem>>) offsets(%dma_start3A_14 : memref<128xi32, #tpu.memory_space<vmem>>) semaphore(%arg11 : memref<!tpu.dma_semaphore, #tpu.memory_space<semaphore_mem>>)
    %dma_start3A_18 = arith.constant 1 : i32
    %dma_start3A_19 = arith.constant 1 : i32
    %dma_start3A_20 = arith.constant 0 : i32
    %dma_start3A_21 = arith.constant 0 : i32
    %dma_start3A_22 = tpu.memref_slice %arg10[%dma_start3A_19, %dma_start3A_20, %dma_start3A_21] : memref<2x128x128xf32, #tpu.memory_space<vmem>> -> memref<1x128x128xf32, #tpu.memory_space<vmem>>
    %dma_start3A_23 = tpu.memref_squeeze %dma_start3A_22 : memref<1x128x128xf32, #tpu.memory_space<vmem>> -> memref<128x128xf32, #tpu.memory_space<vmem>>
    %dma_start3A_24 = arith.constant 0 : i32
    %dma_start3A_25 = tpu.memref_slice %arg8[%dma_start3A_18, %dma_start3A_24] : memref<40x128xi32, #tpu.memory_space<vmem>> -> memref<1x128xi32, #tpu.memory_space<vmem>>
    %dma_start3A_26 = tpu.memref_squeeze %dma_start3A_25 : memref<1x128xi32, #tpu.memory_space<vmem>> -> memref<128xi32, #tpu.memory_space<vmem>>
    %dma_start3A_27 = arith.constant 0 : i32
    %dma_start3A_28 = arith.constant 0 : i32
    %dma_start3A_29 = tpu.memref_slice %arg2[%dma_start3A_27, %dma_start3A_28] : memref<10240x128xf32, #tpu.memory_space<hbm>> -> memref<10240x128xf32, #tpu.memory_space<hbm>>
    tpu.enqueue_indirect_dma source(%dma_start3A_29 : memref<10240x128xf32, #tpu.memory_space<hbm>>) target(%dma_start3A_23 : memref<128x128xf32, #tpu.memory_space<vmem>>) offsets(%dma_start3A_26 : memref<128xi32, #tpu.memory_space<vmem>>) semaphore(%arg12 : memref<!tpu.dma_semaphore, #tpu.memory_space<semaphore_mem>>)
    %scan3A = arith.constant 0 : i32
    %scan3A_30 = arith.constant 0 : i32
    %scan3A_31 = arith.constant 20 : i32
    %scan3A_32 = arith.addi %scan3A_30, %scan3A_31 : i32
    %scan3A_33 = arith.constant 1 : i32
    scf.for %scan3A_36 = %scan3A_30 to %scan3A_32 step %scan3A_33  : i32 {
      %mul3A_37 = arith.constant 2 : i32
      %mul3A_38 = arith.muli %scan3A_36, %mul3A_37 : i32
      %add3A_39 = arith.constant 0 : i32
      %add3A_40 = arith.addi %mul3A_38, %add3A_39 : i32
      %dma_wait3A = arith.constant 0 : i32
      %dma_wait3A_41 = arith.constant 0 : i32
      %dma_wait3A_42 = arith.constant 0 : i32
      %dma_wait3A_43 = tpu.memref_slice %arg10[%dma_wait3A, %dma_wait3A_41, %dma_wait3A_42] : memref<2x128x128xf32, #tpu.memory_space<vmem>> -> memref<1x128x128xf32, #tpu.memory_space<vmem>>
      %dma_wait3A_44 = tpu.memref_squeeze %dma_wait3A_43 : memref<1x128x128xf32, #tpu.memory_space<vmem>> -> memref<128x128xf32, #tpu.memory_space<vmem>>
      %dma_wait3A_45 = arith.constant 0 : i32
      %dma_wait3A_46 = tpu.memref_slice %arg8[%add3A_40, %dma_wait3A_45] : memref<40x128xi32, #tpu.memory_space<vmem>> -> memref<1x128xi32, #tpu.memory_space<vmem>>
      %dma_wait3A_47 = tpu.memref_squeeze %dma_wait3A_46 : memref<1x128xi32, #tpu.memory_space<vmem>> -> memref<128xi32, #tpu.memory_space<vmem>>
      %dma_wait3A_48 = arith.constant 0 : i32
      %dma_wait3A_49 = arith.constant 0 : i32
      %dma_wait3A_50 = tpu.memref_slice %arg2[%dma_wait3A_48, %dma_wait3A_49] : memref<10240x128xf32, #tpu.memory_space<hbm>> -> memref<10240x128xf32, #tpu.memory_space<hbm>>
      tpu.wait_indirect_dma semaphore(%arg11 : memref<!tpu.dma_semaphore, #tpu.memory_space<semaphore_mem>>) src(%dma_wait3A_50 : memref<10240x128xf32, #tpu.memory_space<hbm>>) dst(%dma_wait3A_44 : memref<128x128xf32, #tpu.memory_space<vmem>>)
      %dma_start3A_51 = arith.constant 0 : i32
      %dma_start3A_52 = arith.constant 0 : i32
      %dma_start3A_53 = arith.constant 0 : i32
      %dma_start3A_54 = tpu.memref_slice %arg10[%dma_start3A_51, %dma_start3A_52, %dma_start3A_53] : memref<2x128x128xf32, #tpu.memory_space<vmem>> -> memref<1x128x128xf32, #tpu.memory_space<vmem>>
      %dma_start3A_55 = tpu.memref_squeeze %dma_start3A_54 : memref<1x128x128xf32, #tpu.memory_space<vmem>> -> memref<128x128xf32, #tpu.memory_space<vmem>>
      %dma_start3A_56 = arith.constant 0 : i32
      %dma_start3A_57 = tpu.memref_slice %arg9[%add3A_40, %dma_start3A_56] : memref<40x128xi32, #tpu.memory_space<vmem>> -> memref<1x128xi32, #tpu.memory_space<vmem>>
      %dma_start3A_58 = tpu.memref_squeeze %dma_start3A_57 : memref<1x128xi32, #tpu.memory_space<vmem>> -> memref<128xi32, #tpu.memory_space<vmem>>
      %dma_start3A_59 = arith.constant 0 : i32
      %dma_start3A_60 = arith.constant 0 : i32
      %dma_start3A_61 = tpu.memref_slice %arg7[%dma_start3A_59, %dma_start3A_60] : memref<10240x128xf32, #tpu.memory_space<vmem_shared>> -> memref<10240x128xf32, #tpu.memory_space<vmem_shared>>
      tpu.enqueue_indirect_dma source(%dma_start3A_55 : memref<128x128xf32, #tpu.memory_space<vmem>>) target(%dma_start3A_61 : memref<10240x128xf32, #tpu.memory_space<vmem_shared>>) offsets(%dma_start3A_58 : memref<128xi32, #tpu.memory_space<vmem>>) semaphore(%arg13 : memref<!tpu.dma_semaphore, #tpu.memory_space<semaphore_mem>>) {add = true}
      %mul3A_62 = arith.constant 2 : i32
      %mul3A_63 = arith.muli %scan3A_36, %mul3A_62 : i32
      %add3A_64 = arith.constant 1 : i32
      %add3A_65 = arith.addi %mul3A_63, %add3A_64 : i32
      %dma_wait3A_66 = arith.constant 1 : i32
      %dma_wait3A_67 = arith.constant 0 : i32
      %dma_wait3A_68 = arith.constant 0 : i32
      %dma_wait3A_69 = tpu.memref_slice %arg10[%dma_wait3A_66, %dma_wait3A_67, %dma_wait3A_68] : memref<2x128x128xf32, #tpu.memory_space<vmem>> -> memref<1x128x128xf32, #tpu.memory_space<vmem>>
      %dma_wait3A_70 = tpu.memref_squeeze %dma_wait3A_69 : memref<1x128x128xf32, #tpu.memory_space<vmem>> -> memref<128x128xf32, #tpu.memory_space<vmem>>
      %dma_wait3A_71 = arith.constant 0 : i32
      %dma_wait3A_72 = tpu.memref_slice %arg8[%add3A_65, %dma_wait3A_71] : memref<40x128xi32, #tpu.memory_space<vmem>> -> memref<1x128xi32, #tpu.memory_space<vmem>>
      %dma_wait3A_73 = tpu.memref_squeeze %dma_wait3A_72 : memref<1x128xi32, #tpu.memory_space<vmem>> -> memref<128xi32, #tpu.memory_space<vmem>>
      %dma_wait3A_74 = arith.constant 0 : i32
      %dma_wait3A_75 = arith.constant 0 : i32
      %dma_wait3A_76 = tpu.memref_slice %arg2[%dma_wait3A_74, %dma_wait3A_75] : memref<10240x128xf32, #tpu.memory_space<hbm>> -> memref<10240x128xf32, #tpu.memory_space<hbm>>
      tpu.wait_indirect_dma semaphore(%arg12 : memref<!tpu.dma_semaphore, #tpu.memory_space<semaphore_mem>>) src(%dma_wait3A_76 : memref<10240x128xf32, #tpu.memory_space<hbm>>) dst(%dma_wait3A_70 : memref<128x128xf32, #tpu.memory_space<vmem>>)
      %dma_start3A_77 = arith.constant 1 : i32
      %dma_start3A_78 = arith.constant 0 : i32
      %dma_start3A_79 = arith.constant 0 : i32
      %dma_start3A_80 = tpu.memref_slice %arg10[%dma_start3A_77, %dma_start3A_78, %dma_start3A_79] : memref<2x128x128xf32, #tpu.memory_space<vmem>> -> memref<1x128x128xf32, #tpu.memory_space<vmem>>
      %dma_start3A_81 = tpu.memref_squeeze %dma_start3A_80 : memref<1x128x128xf32, #tpu.memory_space<vmem>> -> memref<128x128xf32, #tpu.memory_space<vmem>>
      %dma_start3A_82 = arith.constant 0 : i32
      %dma_start3A_83 = tpu.memref_slice %arg9[%add3A_65, %dma_start3A_82] : memref<40x128xi32, #tpu.memory_space<vmem>> -> memref<1x128xi32, #tpu.memory_space<vmem>>
      %dma_start3A_84 = tpu.memref_squeeze %dma_start3A_83 : memref<1x128xi32, #tpu.memory_space<vmem>> -> memref<128xi32, #tpu.memory_space<vmem>>
      %dma_start3A_85 = arith.constant 0 : i32
      %dma_start3A_86 = arith.constant 0 : i32
      %dma_start3A_87 = tpu.memref_slice %arg7[%dma_start3A_85, %dma_start3A_86] : memref<10240x128xf32, #tpu.memory_space<vmem_shared>> -> memref<10240x128xf32, #tpu.memory_space<vmem_shared>>
      tpu.enqueue_indirect_dma source(%dma_start3A_81 : memref<128x128xf32, #tpu.memory_space<vmem>>) target(%dma_start3A_87 : memref<10240x128xf32, #tpu.memory_space<vmem_shared>>) offsets(%dma_start3A_84 : memref<128xi32, #tpu.memory_space<vmem>>) semaphore(%arg14 : memref<!tpu.dma_semaphore, #tpu.memory_space<semaphore_mem>>) {add = true}
      %mul3A_88 = arith.constant 2 : i32
      %mul3A_89 = arith.muli %scan3A_36, %mul3A_88 : i32
      %add3A_90 = arith.constant 0 : i32
      %add3A_91 = arith.addi %mul3A_89, %add3A_90 : i32
      %dma_wait3A_92 = arith.constant 0 : i32
      %dma_wait3A_93 = arith.constant 0 : i32
      %dma_wait3A_94 = arith.constant 0 : i32
      %dma_wait3A_95 = tpu.memref_slice %arg10[%dma_wait3A_92, %dma_wait3A_93, %dma_wait3A_94] : memref<2x128x128xf32, #tpu.memory_space<vmem>> -> memref<1x128x128xf32, #tpu.memory_space<vmem>>
      %dma_wait3A_96 = tpu.memref_squeeze %dma_wait3A_95 : memref<1x128x128xf32, #tpu.memory_space<vmem>> -> memref<128x128xf32, #tpu.memory_space<vmem>>
      %dma_wait3A_97 = arith.constant 0 : i32
      %dma_wait3A_98 = tpu.memref_slice %arg9[%add3A_91, %dma_wait3A_97] : memref<40x128xi32, #tpu.memory_space<vmem>> -> memref<1x128xi32, #tpu.memory_space<vmem>>
      %dma_wait3A_99 = tpu.memref_squeeze %dma_wait3A_98 : memref<1x128xi32, #tpu.memory_space<vmem>> -> memref<128xi32, #tpu.memory_space<vmem>>
      %dma_wait3A_100 = arith.constant 0 : i32
      %dma_wait3A_101 = arith.constant 0 : i32
      %dma_wait3A_102 = tpu.memref_slice %arg7[%dma_wait3A_100, %dma_wait3A_101] : memref<10240x128xf32, #tpu.memory_space<vmem_shared>> -> memref<10240x128xf32, #tpu.memory_space<vmem_shared>>
      tpu.wait_indirect_dma semaphore(%arg13 : memref<!tpu.dma_semaphore, #tpu.memory_space<semaphore_mem>>) src(%dma_wait3A_96 : memref<128x128xf32, #tpu.memory_space<vmem>>) dst(%dma_wait3A_102 : memref<10240x128xf32, #tpu.memory_space<vmem_shared>>)
      %add3A_103 = arith.constant 2 : i32
      %add3A_104 = arith.addi %add3A_91, %add3A_103 : i32
      %lt3A = arith.constant 40 : i32
      %lt3A_105 = arith.cmpi slt, %add3A_104, %lt3A : i32
      %convert_element_type3A = arith.extui %lt3A_105 : i1 to i32
      %cond3A = arith.constant 0 : i32
      %cond3A_106 = arith.cmpi ne, %convert_element_type3A, %cond3A : i32
      scf.if %cond3A_106 {
        %add3A_129 = arith.constant 2 : i32
        %add3A_130 = arith.addi %add3A_91, %add3A_129 : i32
        %dma_start3A_131 = arith.constant 0 : i32
        %dma_start3A_132 = arith.constant 0 : i32
        %dma_start3A_133 = arith.constant 0 : i32
        %dma_start3A_134 = tpu.memref_slice %arg10[%dma_start3A_131, %dma_start3A_132, %dma_start3A_133] : memref<2x128x128xf32, #tpu.memory_space<vmem>> -> memref<1x128x128xf32, #tpu.memory_space<vmem>>
        %dma_start3A_135 = tpu.memref_squeeze %dma_start3A_134 : memref<1x128x128xf32, #tpu.memory_space<vmem>> -> memref<128x128xf32, #tpu.memory_space<vmem>>
        %dma_start3A_136 = arith.constant 0 : i32
        %dma_start3A_137 = tpu.memref_slice %arg8[%add3A_130, %dma_start3A_136] : memref<40x128xi32, #tpu.memory_space<vmem>> -> memref<1x128xi32, #tpu.memory_space<vmem>>
        %dma_start3A_138 = tpu.memref_squeeze %dma_start3A_137 : memref<1x128xi32, #tpu.memory_space<vmem>> -> memref<128xi32, #tpu.memory_space<vmem>>
        %dma_start3A_139 = arith.constant 0 : i32
        %dma_start3A_140 = arith.constant 0 : i32
        %dma_start3A_141 = tpu.memref_slice %arg2[%dma_start3A_139, %dma_start3A_140] : memref<10240x128xf32, #tpu.memory_space<hbm>> -> memref<10240x128xf32, #tpu.memory_space<hbm>>
        tpu.enqueue_indirect_dma source(%dma_start3A_141 : memref<10240x128xf32, #tpu.memory_space<hbm>>) target(%dma_start3A_135 : memref<128x128xf32, #tpu.memory_space<vmem>>) offsets(%dma_start3A_138 : memref<128xi32, #tpu.memory_space<vmem>>) semaphore(%arg11 : memref<!tpu.dma_semaphore, #tpu.memory_space<semaphore_mem>>)
      } else {
      }
      %mul3A_107 = arith.constant 2 : i32
      %mul3A_108 = arith.muli %scan3A_36, %mul3A_107 : i32
      %add3A_109 = arith.constant 1 : i32
      %add3A_110 = arith.addi %mul3A_108, %add3A_109 : i32
      %dma_wait3A_111 = arith.constant 1 : i32
      %dma_wait3A_112 = arith.constant 0 : i32
      %dma_wait3A_113 = arith.constant 0 : i32
      %dma_wait3A_114 = tpu.memref_slice %arg10[%dma_wait3A_111, %dma_wait3A_112, %dma_wait3A_113] : memref<2x128x128xf32, #tpu.memory_space<vmem>> -> memref<1x128x128xf32, #tpu.memory_space<vmem>>
      %dma_wait3A_115 = tpu.memref_squeeze %dma_wait3A_114 : memref<1x128x128xf32, #tpu.memory_space<vmem>> -> memref<128x128xf32, #tpu.memory_space<vmem>>
      %dma_wait3A_116 = arith.constant 0 : i32
      %dma_wait3A_117 = tpu.memref_slice %arg9[%add3A_110, %dma_wait3A_116] : memref<40x128xi32, #tpu.memory_space<vmem>> -> memref<1x128xi32, #tpu.memory_space<vmem>>
      %dma_wait3A_118 = tpu.memref_squeeze %dma_wait3A_117 : memref<1x128xi32, #tpu.memory_space<vmem>> -> memref<128xi32, #tpu.memory_space<vmem>>
      %dma_wait3A_119 = arith.constant 0 : i32
      %dma_wait3A_120 = arith.constant 0 : i32
      %dma_wait3A_121 = tpu.memref_slice %arg7[%dma_wait3A_119, %dma_wait3A_120] : memref<10240x128xf32, #tpu.memory_space<vmem_shared>> -> memref<10240x128xf32, #tpu.memory_space<vmem_shared>>
      tpu.wait_indirect_dma semaphore(%arg14 : memref<!tpu.dma_semaphore, #tpu.memory_space<semaphore_mem>>) src(%dma_wait3A_115 : memref<128x128xf32, #tpu.memory_space<vmem>>) dst(%dma_wait3A_121 : memref<10240x128xf32, #tpu.memory_space<vmem_shared>>)
      %add3A_122 = arith.constant 2 : i32
      %add3A_123 = arith.addi %add3A_110, %add3A_122 : i32
      %lt3A_124 = arith.constant 40 : i32
      %lt3A_125 = arith.cmpi slt, %add3A_123, %lt3A_124 : i32
      %convert_element_type3A_126 = arith.extui %lt3A_125 : i1 to i32
      %cond3A_127 = arith.constant 0 : i32
      %cond3A_128 = arith.cmpi ne, %convert_element_type3A_126, %cond3A_127 : i32
      scf.if %cond3A_128 {
        %add3A_129 = arith.constant 2 : i32
        %add3A_130 = arith.addi %add3A_110, %add3A_129 : i32
        %dma_start3A_131 = arith.constant 1 : i32
        %dma_start3A_132 = arith.constant 0 : i32
        %dma_start3A_133 = arith.constant 0 : i32
        %dma_start3A_134 = tpu.memref_slice %arg10[%dma_start3A_131, %dma_start3A_132, %dma_start3A_133] : memref<2x128x128xf32, #tpu.memory_space<vmem>> -> memref<1x128x128xf32, #tpu.memory_space<vmem>>
        %dma_start3A_135 = tpu.memref_squeeze %dma_start3A_134 : memref<1x128x128xf32, #tpu.memory_space<vmem>> -> memref<128x128xf32, #tpu.memory_space<vmem>>
        %dma_start3A_136 = arith.constant 0 : i32
        %dma_start3A_137 = tpu.memref_slice %arg8[%add3A_130, %dma_start3A_136] : memref<40x128xi32, #tpu.memory_space<vmem>> -> memref<1x128xi32, #tpu.memory_space<vmem>>
        %dma_start3A_138 = tpu.memref_squeeze %dma_start3A_137 : memref<1x128xi32, #tpu.memory_space<vmem>> -> memref<128xi32, #tpu.memory_space<vmem>>
        %dma_start3A_139 = arith.constant 0 : i32
        %dma_start3A_140 = arith.constant 0 : i32
        %dma_start3A_141 = tpu.memref_slice %arg2[%dma_start3A_139, %dma_start3A_140] : memref<10240x128xf32, #tpu.memory_space<hbm>> -> memref<10240x128xf32, #tpu.memory_space<hbm>>
        tpu.enqueue_indirect_dma source(%dma_start3A_141 : memref<10240x128xf32, #tpu.memory_space<hbm>>) target(%dma_start3A_135 : memref<128x128xf32, #tpu.memory_space<vmem>>) offsets(%dma_start3A_138 : memref<128xi32, #tpu.memory_space<vmem>>) semaphore(%arg12 : memref<!tpu.dma_semaphore, #tpu.memory_space<semaphore_mem>>)
      } else {
      }
    }
    %scan3A_34 = arith.constant 20 : i32
    %barrier3A_35 = arith.constant 0 : index
    tpu.barrier barrier_id(%barrier3A_35)
    "tpu.region"() ({
      %run_scoped3A = tpu.sem_alloc : memref<!tpu.dma_semaphore, #tpu.memory_space<semaphore_mem>>
      %dma_start3A_36 = arith.constant 0 : i32
      %dma_start3A_37 = tpu.memref_slice %arg6[%arg0, %mul3A_2, %dma_start3A_36] : memref<2x10240x128xf32, #tpu.memory_space<hbm>> -> memref<1x640x128xf32, #tpu.memory_space<hbm>>
      %dma_start3A_38 = tpu.memref_squeeze %dma_start3A_37 : memref<1x640x128xf32, #tpu.memory_space<hbm>> -> memref<640x128xf32, #tpu.memory_space<hbm>>
      %dma_start3A_39 = arith.constant 0 : i32
      %dma_start3A_40 = tpu.memref_slice %arg7[%mul3A_2, %dma_start3A_39] : memref<10240x128xf32, #tpu.memory_space<vmem_shared>> -> memref<640x128xf32, #tpu.memory_space<vmem_shared>>
      tpu.enqueue_dma source(%dma_start3A_40 : memref<640x128xf32, #tpu.memory_space<vmem_shared>>) target(%dma_start3A_38 : memref<640x128xf32, #tpu.memory_space<hbm>>) target_semaphore(%run_scoped3A : memref<!tpu.dma_semaphore, #tpu.memory_space<semaphore_mem>>)
      %dma_wait3A = arith.constant 0 : i32
      %dma_wait3A_41 = tpu.memref_slice %arg6[%arg0, %mul3A_2, %dma_wait3A] : memref<2x10240x128xf32, #tpu.memory_space<hbm>> -> memref<1x640x128xf32, #tpu.memory_space<hbm>>
      %dma_wait3A_42 = tpu.memref_squeeze %dma_wait3A_41 : memref<1x640x128xf32, #tpu.memory_space<hbm>> -> memref<640x128xf32, #tpu.memory_space<hbm>>
      %dma_wait3A_43 = arith.constant 0 : i32
      %dma_wait3A_44 = tpu.memref_slice %arg7[%mul3A_2, %dma_wait3A_43] : memref<10240x128xf32, #tpu.memory_space<vmem_shared>> -> memref<640x128xf32, #tpu.memory_space<vmem_shared>>
      tpu.wait_dma2 semaphore(%run_scoped3A : memref<!tpu.dma_semaphore, #tpu.memory_space<semaphore_mem>>) src(%dma_wait3A_44 : memref<640x128xf32, #tpu.memory_space<vmem_shared>>) dst(%dma_wait3A_42 : memref<640x128xf32, #tpu.memory_space<hbm>>)
      tpu.yield
    }) : () -> ()
    return
  }
}

#map = affine_map<(d0, d1) -> (0, 0)>
#map1 = affine_map<(d0, d1) -> (0, 0, 0)>
module attributes {stable_mosaic.version = 14 : i64} {
  func.func @_propagate(%arg0: i32, %arg1: i32, %arg2: memref<10240x128xf32, #tpu.memory_space<hbm>>, %arg3: memref<1280x128xi32, #tpu.memory_space<hbm>>, %arg4: memref<1280x128xi32, #tpu.memory_space<hbm>>, %arg5: memref<640x128xf32, #tpu.memory_space<hbm>>, %arg6: memref<2x10240x128xf32, #tpu.memory_space<hbm>>, %arg7: memref<10240x128xf32, #tpu.memory_space<vmem_shared>>, %arg8: memref<40x128xi32, #tpu.memory_space<vmem>>, %arg9: memref<40x128xi32, #tpu.memory_space<vmem>>, %arg10: memref<2x128x128xf32, #tpu.memory_space<vmem>>, %arg11: memref<!tpu.dma_semaphore, #tpu.memory_space<semaphore_mem>>, %arg12: memref<!tpu.dma_semaphore, #tpu.memory_space<semaphore_mem>>, %arg13: memref<!tpu.dma_semaphore, #tpu.memory_space<semaphore_mem>>, %arg14: memref<!tpu.dma_semaphore, #tpu.memory_space<semaphore_mem>>) attributes {dimension_semantics = [#tpu.dimension_semantics<core_parallel>, #tpu.dimension_semantics<subcore_parallel>], iteration_bounds = array<i64: 2, 16>, scalar_prefetch = 0 : i64, scratch_operands = 8 : i64, tpu.core_type = #tpu.core_type<sc_vector_subcore>, window_params = [{transform_indices = #map}, {transform_indices = #map}, {transform_indices = #map}, {transform_indices = #map}, {transform_indices = #map1}]} {
    %mul3A = arith.constant 16 : i32
    %mul3A_0 = arith.muli %arg0, %mul3A : i32
    %add3A = arith.addi %mul3A_0, %arg1 : i32
    %mul3A_1 = arith.constant 640 : i32
    %mul3A_2 = arith.muli %arg1, %mul3A_1 : i32
    %mul3A_3 = arith.constant 40 : i32
    %mul3A_4 = arith.muli %add3A, %mul3A_3 : i32
    "tpu.region"() ({
      %run_scoped3A = tpu.sem_alloc : memref<!tpu.dma_semaphore, #tpu.memory_space<semaphore_mem>>
      %dma_start3A_36 = arith.constant 0 : i32
      %dma_start3A_37 = tpu.memref_slice %arg3[%mul3A_4, %dma_start3A_36] : memref<1280x128xi32, #tpu.memory_space<hbm>> -> memref<40x128xi32, #tpu.memory_space<hbm>>
      %dma_start3A_38 = arith.constant 0 : i32
      %dma_start3A_39 = tpu.memref_slice %arg3[%mul3A_4, %dma_start3A_38] : memref<1280x128xi32, #tpu.memory_space<hbm>> -> memref<40x128xi32, #tpu.memory_space<hbm>>
      tpu.enqueue_dma source(%dma_start3A_39 : memref<40x128xi32, #tpu.memory_space<hbm>>) target(%arg8 : memref<40x128xi32, #tpu.memory_space<vmem>>) target_semaphore(%run_scoped3A : memref<!tpu.dma_semaphore, #tpu.memory_space<semaphore_mem>>)
      %dma_wait3A = arith.constant 0 : i32
      %dma_wait3A_40 = tpu.memref_slice %arg3[%mul3A_4, %dma_wait3A] : memref<1280x128xi32, #tpu.memory_space<hbm>> -> memref<40x128xi32, #tpu.memory_space<hbm>>
      %dma_wait3A_41 = arith.constant 0 : i32
      %dma_wait3A_42 = tpu.memref_slice %arg3[%mul3A_4, %dma_wait3A_41] : memref<1280x128xi32, #tpu.memory_space<hbm>> -> memref<40x128xi32, #tpu.memory_space<hbm>>
      tpu.wait_dma2 semaphore(%run_scoped3A : memref<!tpu.dma_semaphore, #tpu.memory_space<semaphore_mem>>) src(%dma_wait3A_42 : memref<40x128xi32, #tpu.memory_space<hbm>>) dst(%arg8 : memref<40x128xi32, #tpu.memory_space<vmem>>)
      tpu.yield
    }) : () -> ()
    %mul3A_5 = arith.constant 40 : i32
    %mul3A_6 = arith.muli %add3A, %mul3A_5 : i32
    "tpu.region"() ({
      %run_scoped3A = tpu.sem_alloc : memref<!tpu.dma_semaphore, #tpu.memory_space<semaphore_mem>>
      %dma_start3A_36 = arith.constant 0 : i32
      %dma_start3A_37 = tpu.memref_slice %arg4[%mul3A_6, %dma_start3A_36] : memref<1280x128xi32, #tpu.memory_space<hbm>> -> memref<40x128xi32, #tpu.memory_space<hbm>>
      %dma_start3A_38 = arith.constant 0 : i32
      %dma_start3A_39 = tpu.memref_slice %arg4[%mul3A_6, %dma_start3A_38] : memref<1280x128xi32, #tpu.memory_space<hbm>> -> memref<40x128xi32, #tpu.memory_space<hbm>>
      tpu.enqueue_dma source(%dma_start3A_39 : memref<40x128xi32, #tpu.memory_space<hbm>>) target(%arg9 : memref<40x128xi32, #tpu.memory_space<vmem>>) target_semaphore(%run_scoped3A : memref<!tpu.dma_semaphore, #tpu.memory_space<semaphore_mem>>)
      %dma_wait3A = arith.constant 0 : i32
      %dma_wait3A_40 = tpu.memref_slice %arg4[%mul3A_6, %dma_wait3A] : memref<1280x128xi32, #tpu.memory_space<hbm>> -> memref<40x128xi32, #tpu.memory_space<hbm>>
      %dma_wait3A_41 = arith.constant 0 : i32
      %dma_wait3A_42 = tpu.memref_slice %arg4[%mul3A_6, %dma_wait3A_41] : memref<1280x128xi32, #tpu.memory_space<hbm>> -> memref<40x128xi32, #tpu.memory_space<hbm>>
      tpu.wait_dma2 semaphore(%run_scoped3A : memref<!tpu.dma_semaphore, #tpu.memory_space<semaphore_mem>>) src(%dma_wait3A_42 : memref<40x128xi32, #tpu.memory_space<hbm>>) dst(%arg9 : memref<40x128xi32, #tpu.memory_space<vmem>>)
      tpu.yield
    }) : () -> ()
    "tpu.region"() ({
      %run_scoped3A = tpu.sem_alloc : memref<!tpu.dma_semaphore, #tpu.memory_space<semaphore_mem>>
      %dma_start3A_36 = arith.constant 0 : i32
      %dma_start3A_37 = tpu.memref_slice %arg7[%mul3A_2, %dma_start3A_36] : memref<10240x128xf32, #tpu.memory_space<vmem_shared>> -> memref<640x128xf32, #tpu.memory_space<vmem_shared>>
      tpu.enqueue_dma source(%arg5 : memref<640x128xf32, #tpu.memory_space<hbm>>) target(%dma_start3A_37 : memref<640x128xf32, #tpu.memory_space<vmem_shared>>) target_semaphore(%run_scoped3A : memref<!tpu.dma_semaphore, #tpu.memory_space<semaphore_mem>>)
      %dma_wait3A = arith.constant 0 : i32
      %dma_wait3A_38 = tpu.memref_slice %arg7[%mul3A_2, %dma_wait3A] : memref<10240x128xf32, #tpu.memory_space<vmem_shared>> -> memref<640x128xf32, #tpu.memory_space<vmem_shared>>
      tpu.wait_dma2 semaphore(%run_scoped3A : memref<!tpu.dma_semaphore, #tpu.memory_space<semaphore_mem>>) src(%arg5 : memref<640x128xf32, #tpu.memory_space<hbm>>) dst(%dma_wait3A_38 : memref<640x128xf32, #tpu.memory_space<vmem_shared>>)
      tpu.yield
    }) : () -> ()
    %barrier3A = arith.constant 0 : index
    tpu.barrier barrier_id(%barrier3A)
    %dma_start3A = arith.constant 0 : i32
    %dma_start3A_7 = arith.constant 0 : i32
    %dma_start3A_8 = arith.constant 0 : i32
    %dma_start3A_9 = arith.constant 0 : i32
    %dma_start3A_10 = tpu.memref_slice %arg10[%dma_start3A_7, %dma_start3A_8, %dma_start3A_9] : memref<2x128x128xf32, #tpu.memory_space<vmem>> -> memref<1x128x128xf32, #tpu.memory_space<vmem>>
    %dma_start3A_11 = tpu.memref_squeeze %dma_start3A_10 : memref<1x128x128xf32, #tpu.memory_space<vmem>> -> memref<128x128xf32, #tpu.memory_space<vmem>>
    %dma_start3A_12 = arith.constant 0 : i32
    %dma_start3A_13 = tpu.memref_slice %arg8[%dma_start3A, %dma_start3A_12] : memref<40x128xi32, #tpu.memory_space<vmem>> -> memref<1x128xi32, #tpu.memory_space<vmem>>
    %dma_start3A_14 = tpu.memref_squeeze %dma_start3A_13 : memref<1x128xi32, #tpu.memory_space<vmem>> -> memref<128xi32, #tpu.memory_space<vmem>>
    %dma_start3A_15 = arith.constant 0 : i32
    %dma_start3A_16 = arith.constant 0 : i32
    %dma_start3A_17 = tpu.memref_slice %arg2[%dma_start3A_15, %dma_start3A_16] : memref<10240x128xf32, #tpu.memory_space<hbm>> -> memref<10240x128xf32, #tpu.memory_space<hbm>>
    tpu.enqueue_indirect_dma source(%dma_start3A_17 : memref<10240x128xf32, #tpu.memory_space<hbm>>) target(%dma_start3A_11 : memref<128x128xf32, #tpu.memory_space<vmem>>) offsets(%dma_start3A_14 : memref<128xi32, #tpu.memory_space<vmem>>) semaphore(%arg11 : memref<!tpu.dma_semaphore, #tpu.memory_space<semaphore_mem>>)
    %dma_start3A_18 = arith.constant 1 : i32
    %dma_start3A_19 = arith.constant 1 : i32
    %dma_start3A_20 = arith.constant 0 : i32
    %dma_start3A_21 = arith.constant 0 : i32
    %dma_start3A_22 = tpu.memref_slice %arg10[%dma_start3A_19, %dma_start3A_20, %dma_start3A_21] : memref<2x128x128xf32, #tpu.memory_space<vmem>> -> memref<1x128x128xf32, #tpu.memory_space<vmem>>
    %dma_start3A_23 = tpu.memref_squeeze %dma_start3A_22 : memref<1x128x128xf32, #tpu.memory_space<vmem>> -> memref<128x128xf32, #tpu.memory_space<vmem>>
    %dma_start3A_24 = arith.constant 0 : i32
    %dma_start3A_25 = tpu.memref_slice %arg8[%dma_start3A_18, %dma_start3A_24] : memref<40x128xi32, #tpu.memory_space<vmem>> -> memref<1x128xi32, #tpu.memory_space<vmem>>
    %dma_start3A_26 = tpu.memref_squeeze %dma_start3A_25 : memref<1x128xi32, #tpu.memory_space<vmem>> -> memref<128xi32, #tpu.memory_space<vmem>>
    %dma_start3A_27 = arith.constant 0 : i32
    %dma_start3A_28 = arith.constant 0 : i32
    %dma_start3A_29 = tpu.memref_slice %arg2[%dma_start3A_27, %dma_start3A_28] : memref<10240x128xf32, #tpu.memory_space<hbm>> -> memref<10240x128xf32, #tpu.memory_space<hbm>>
    tpu.enqueue_indirect_dma source(%dma_start3A_29 : memref<10240x128xf32, #tpu.memory_space<hbm>>) target(%dma_start3A_23 : memref<128x128xf32, #tpu.memory_space<vmem>>) offsets(%dma_start3A_26 : memref<128xi32, #tpu.memory_space<vmem>>) semaphore(%arg12 : memref<!tpu.dma_semaphore, #tpu.memory_space<semaphore_mem>>)
    %scan3A = arith.constant 0 : i32
    %scan3A_30 = arith.constant 0 : i32
    %scan3A_31 = arith.constant 20 : i32
    %scan3A_32 = arith.addi %scan3A_30, %scan3A_31 : i32
    %scan3A_33 = arith.constant 1 : i32
    scf.for %scan3A_36 = %scan3A_30 to %scan3A_32 step %scan3A_33  : i32 {
      %mul3A_37 = arith.constant 2 : i32
      %mul3A_38 = arith.muli %scan3A_36, %mul3A_37 : i32
      %add3A_39 = arith.constant 0 : i32
      %add3A_40 = arith.addi %mul3A_38, %add3A_39 : i32
      %dma_wait3A = arith.constant 0 : i32
      %dma_wait3A_41 = arith.constant 0 : i32
      %dma_wait3A_42 = arith.constant 0 : i32
      %dma_wait3A_43 = tpu.memref_slice %arg10[%dma_wait3A, %dma_wait3A_41, %dma_wait3A_42] : memref<2x128x128xf32, #tpu.memory_space<vmem>> -> memref<1x128x128xf32, #tpu.memory_space<vmem>>
      %dma_wait3A_44 = tpu.memref_squeeze %dma_wait3A_43 : memref<1x128x128xf32, #tpu.memory_space<vmem>> -> memref<128x128xf32, #tpu.memory_space<vmem>>
      %dma_wait3A_45 = arith.constant 0 : i32
      %dma_wait3A_46 = tpu.memref_slice %arg8[%add3A_40, %dma_wait3A_45] : memref<40x128xi32, #tpu.memory_space<vmem>> -> memref<1x128xi32, #tpu.memory_space<vmem>>
      %dma_wait3A_47 = tpu.memref_squeeze %dma_wait3A_46 : memref<1x128xi32, #tpu.memory_space<vmem>> -> memref<128xi32, #tpu.memory_space<vmem>>
      %dma_wait3A_48 = arith.constant 0 : i32
      %dma_wait3A_49 = arith.constant 0 : i32
      %dma_wait3A_50 = tpu.memref_slice %arg2[%dma_wait3A_48, %dma_wait3A_49] : memref<10240x128xf32, #tpu.memory_space<hbm>> -> memref<10240x128xf32, #tpu.memory_space<hbm>>
      tpu.wait_indirect_dma semaphore(%arg11 : memref<!tpu.dma_semaphore, #tpu.memory_space<semaphore_mem>>) src(%dma_wait3A_50 : memref<10240x128xf32, #tpu.memory_space<hbm>>) dst(%dma_wait3A_44 : memref<128x128xf32, #tpu.memory_space<vmem>>)
      %dma_start3A_51 = arith.constant 0 : i32
      %dma_start3A_52 = arith.constant 0 : i32
      %dma_start3A_53 = arith.constant 0 : i32
      %dma_start3A_54 = tpu.memref_slice %arg10[%dma_start3A_51, %dma_start3A_52, %dma_start3A_53] : memref<2x128x128xf32, #tpu.memory_space<vmem>> -> memref<1x128x128xf32, #tpu.memory_space<vmem>>
      %dma_start3A_55 = tpu.memref_squeeze %dma_start3A_54 : memref<1x128x128xf32, #tpu.memory_space<vmem>> -> memref<128x128xf32, #tpu.memory_space<vmem>>
      %dma_start3A_56 = arith.constant 0 : i32
      %dma_start3A_57 = tpu.memref_slice %arg9[%add3A_40, %dma_start3A_56] : memref<40x128xi32, #tpu.memory_space<vmem>> -> memref<1x128xi32, #tpu.memory_space<vmem>>
      %dma_start3A_58 = tpu.memref_squeeze %dma_start3A_57 : memref<1x128xi32, #tpu.memory_space<vmem>> -> memref<128xi32, #tpu.memory_space<vmem>>
      %dma_start3A_59 = arith.constant 0 : i32
      %dma_start3A_60 = arith.constant 0 : i32
      %dma_start3A_61 = tpu.memref_slice %arg7[%dma_start3A_59, %dma_start3A_60] : memref<10240x128xf32, #tpu.memory_space<vmem_shared>> -> memref<10240x128xf32, #tpu.memory_space<vmem_shared>>
      tpu.enqueue_indirect_dma source(%dma_start3A_55 : memref<128x128xf32, #tpu.memory_space<vmem>>) target(%dma_start3A_61 : memref<10240x128xf32, #tpu.memory_space<vmem_shared>>) offsets(%dma_start3A_58 : memref<128xi32, #tpu.memory_space<vmem>>) semaphore(%arg13 : memref<!tpu.dma_semaphore, #tpu.memory_space<semaphore_mem>>) {add = true}
      %mul3A_62 = arith.constant 2 : i32
      %mul3A_63 = arith.muli %scan3A_36, %mul3A_62 : i32
      %add3A_64 = arith.constant 1 : i32
      %add3A_65 = arith.addi %mul3A_63, %add3A_64 : i32
      %dma_wait3A_66 = arith.constant 1 : i32
      %dma_wait3A_67 = arith.constant 0 : i32
      %dma_wait3A_68 = arith.constant 0 : i32
      %dma_wait3A_69 = tpu.memref_slice %arg10[%dma_wait3A_66, %dma_wait3A_67, %dma_wait3A_68] : memref<2x128x128xf32, #tpu.memory_space<vmem>> -> memref<1x128x128xf32, #tpu.memory_space<vmem>>
      %dma_wait3A_70 = tpu.memref_squeeze %dma_wait3A_69 : memref<1x128x128xf32, #tpu.memory_space<vmem>> -> memref<128x128xf32, #tpu.memory_space<vmem>>
      %dma_wait3A_71 = arith.constant 0 : i32
      %dma_wait3A_72 = tpu.memref_slice %arg8[%add3A_65, %dma_wait3A_71] : memref<40x128xi32, #tpu.memory_space<vmem>> -> memref<1x128xi32, #tpu.memory_space<vmem>>
      %dma_wait3A_73 = tpu.memref_squeeze %dma_wait3A_72 : memref<1x128xi32, #tpu.memory_space<vmem>> -> memref<128xi32, #tpu.memory_space<vmem>>
      %dma_wait3A_74 = arith.constant 0 : i32
      %dma_wait3A_75 = arith.constant 0 : i32
      %dma_wait3A_76 = tpu.memref_slice %arg2[%dma_wait3A_74, %dma_wait3A_75] : memref<10240x128xf32, #tpu.memory_space<hbm>> -> memref<10240x128xf32, #tpu.memory_space<hbm>>
      tpu.wait_indirect_dma semaphore(%arg12 : memref<!tpu.dma_semaphore, #tpu.memory_space<semaphore_mem>>) src(%dma_wait3A_76 : memref<10240x128xf32, #tpu.memory_space<hbm>>) dst(%dma_wait3A_70 : memref<128x128xf32, #tpu.memory_space<vmem>>)
      %dma_start3A_77 = arith.constant 1 : i32
      %dma_start3A_78 = arith.constant 0 : i32
      %dma_start3A_79 = arith.constant 0 : i32
      %dma_start3A_80 = tpu.memref_slice %arg10[%dma_start3A_77, %dma_start3A_78, %dma_start3A_79] : memref<2x128x128xf32, #tpu.memory_space<vmem>> -> memref<1x128x128xf32, #tpu.memory_space<vmem>>
      %dma_start3A_81 = tpu.memref_squeeze %dma_start3A_80 : memref<1x128x128xf32, #tpu.memory_space<vmem>> -> memref<128x128xf32, #tpu.memory_space<vmem>>
      %dma_start3A_82 = arith.constant 0 : i32
      %dma_start3A_83 = tpu.memref_slice %arg9[%add3A_65, %dma_start3A_82] : memref<40x128xi32, #tpu.memory_space<vmem>> -> memref<1x128xi32, #tpu.memory_space<vmem>>
      %dma_start3A_84 = tpu.memref_squeeze %dma_start3A_83 : memref<1x128xi32, #tpu.memory_space<vmem>> -> memref<128xi32, #tpu.memory_space<vmem>>
      %dma_start3A_85 = arith.constant 0 : i32
      %dma_start3A_86 = arith.constant 0 : i32
      %dma_start3A_87 = tpu.memref_slice %arg7[%dma_start3A_85, %dma_start3A_86] : memref<10240x128xf32, #tpu.memory_space<vmem_shared>> -> memref<10240x128xf32, #tpu.memory_space<vmem_shared>>
      tpu.enqueue_indirect_dma source(%dma_start3A_81 : memref<128x128xf32, #tpu.memory_space<vmem>>) target(%dma_start3A_87 : memref<10240x128xf32, #tpu.memory_space<vmem_shared>>) offsets(%dma_start3A_84 : memref<128xi32, #tpu.memory_space<vmem>>) semaphore(%arg14 : memref<!tpu.dma_semaphore, #tpu.memory_space<semaphore_mem>>) {add = true}
      %mul3A_88 = arith.constant 2 : i32
      %mul3A_89 = arith.muli %scan3A_36, %mul3A_88 : i32
      %add3A_90 = arith.constant 0 : i32
      %add3A_91 = arith.addi %mul3A_89, %add3A_90 : i32
      %dma_wait3A_92 = arith.constant 0 : i32
      %dma_wait3A_93 = arith.constant 0 : i32
      %dma_wait3A_94 = arith.constant 0 : i32
      %dma_wait3A_95 = tpu.memref_slice %arg10[%dma_wait3A_92, %dma_wait3A_93, %dma_wait3A_94] : memref<2x128x128xf32, #tpu.memory_space<vmem>> -> memref<1x128x128xf32, #tpu.memory_space<vmem>>
      %dma_wait3A_96 = tpu.memref_squeeze %dma_wait3A_95 : memref<1x128x128xf32, #tpu.memory_space<vmem>> -> memref<128x128xf32, #tpu.memory_space<vmem>>
      %dma_wait3A_97 = arith.constant 0 : i32
      %dma_wait3A_98 = tpu.memref_slice %arg9[%add3A_91, %dma_wait3A_97] : memref<40x128xi32, #tpu.memory_space<vmem>> -> memref<1x128xi32, #tpu.memory_space<vmem>>
      %dma_wait3A_99 = tpu.memref_squeeze %dma_wait3A_98 : memref<1x128xi32, #tpu.memory_space<vmem>> -> memref<128xi32, #tpu.memory_space<vmem>>
      %dma_wait3A_100 = arith.constant 0 : i32
      %dma_wait3A_101 = arith.constant 0 : i32
      %dma_wait3A_102 = tpu.memref_slice %arg7[%dma_wait3A_100, %dma_wait3A_101] : memref<10240x128xf32, #tpu.memory_space<vmem_shared>> -> memref<10240x128xf32, #tpu.memory_space<vmem_shared>>
      tpu.wait_indirect_dma semaphore(%arg13 : memref<!tpu.dma_semaphore, #tpu.memory_space<semaphore_mem>>) src(%dma_wait3A_96 : memref<128x128xf32, #tpu.memory_space<vmem>>) dst(%dma_wait3A_102 : memref<10240x128xf32, #tpu.memory_space<vmem_shared>>)
      %add3A_103 = arith.constant 2 : i32
      %add3A_104 = arith.addi %add3A_91, %add3A_103 : i32
      %lt3A = arith.constant 40 : i32
      %lt3A_105 = arith.cmpi slt, %add3A_104, %lt3A : i32
      %convert_element_type3A = arith.extui %lt3A_105 : i1 to i32
      %cond3A = arith.constant 0 : i32
      %cond3A_106 = arith.cmpi ne, %convert_element_type3A, %cond3A : i32
      scf.if %cond3A_106 {
        %add3A_129 = arith.constant 2 : i32
        %add3A_130 = arith.addi %add3A_91, %add3A_129 : i32
        %dma_start3A_131 = arith.constant 0 : i32
        %dma_start3A_132 = arith.constant 0 : i32
        %dma_start3A_133 = arith.constant 0 : i32
        %dma_start3A_134 = tpu.memref_slice %arg10[%dma_start3A_131, %dma_start3A_132, %dma_start3A_133] : memref<2x128x128xf32, #tpu.memory_space<vmem>> -> memref<1x128x128xf32, #tpu.memory_space<vmem>>
        %dma_start3A_135 = tpu.memref_squeeze %dma_start3A_134 : memref<1x128x128xf32, #tpu.memory_space<vmem>> -> memref<128x128xf32, #tpu.memory_space<vmem>>
        %dma_start3A_136 = arith.constant 0 : i32
        %dma_start3A_137 = tpu.memref_slice %arg8[%add3A_130, %dma_start3A_136] : memref<40x128xi32, #tpu.memory_space<vmem>> -> memref<1x128xi32, #tpu.memory_space<vmem>>
        %dma_start3A_138 = tpu.memref_squeeze %dma_start3A_137 : memref<1x128xi32, #tpu.memory_space<vmem>> -> memref<128xi32, #tpu.memory_space<vmem>>
        %dma_start3A_139 = arith.constant 0 : i32
        %dma_start3A_140 = arith.constant 0 : i32
        %dma_start3A_141 = tpu.memref_slice %arg2[%dma_start3A_139, %dma_start3A_140] : memref<10240x128xf32, #tpu.memory_space<hbm>> -> memref<10240x128xf32, #tpu.memory_space<hbm>>
        tpu.enqueue_indirect_dma source(%dma_start3A_141 : memref<10240x128xf32, #tpu.memory_space<hbm>>) target(%dma_start3A_135 : memref<128x128xf32, #tpu.memory_space<vmem>>) offsets(%dma_start3A_138 : memref<128xi32, #tpu.memory_space<vmem>>) semaphore(%arg11 : memref<!tpu.dma_semaphore, #tpu.memory_space<semaphore_mem>>)
      } else {
      }
      %mul3A_107 = arith.constant 2 : i32
      %mul3A_108 = arith.muli %scan3A_36, %mul3A_107 : i32
      %add3A_109 = arith.constant 1 : i32
      %add3A_110 = arith.addi %mul3A_108, %add3A_109 : i32
      %dma_wait3A_111 = arith.constant 1 : i32
      %dma_wait3A_112 = arith.constant 0 : i32
      %dma_wait3A_113 = arith.constant 0 : i32
      %dma_wait3A_114 = tpu.memref_slice %arg10[%dma_wait3A_111, %dma_wait3A_112, %dma_wait3A_113] : memref<2x128x128xf32, #tpu.memory_space<vmem>> -> memref<1x128x128xf32, #tpu.memory_space<vmem>>
      %dma_wait3A_115 = tpu.memref_squeeze %dma_wait3A_114 : memref<1x128x128xf32, #tpu.memory_space<vmem>> -> memref<128x128xf32, #tpu.memory_space<vmem>>
      %dma_wait3A_116 = arith.constant 0 : i32
      %dma_wait3A_117 = tpu.memref_slice %arg9[%add3A_110, %dma_wait3A_116] : memref<40x128xi32, #tpu.memory_space<vmem>> -> memref<1x128xi32, #tpu.memory_space<vmem>>
      %dma_wait3A_118 = tpu.memref_squeeze %dma_wait3A_117 : memref<1x128xi32, #tpu.memory_space<vmem>> -> memref<128xi32, #tpu.memory_space<vmem>>
      %dma_wait3A_119 = arith.constant 0 : i32
      %dma_wait3A_120 = arith.constant 0 : i32
      %dma_wait3A_121 = tpu.memref_slice %arg7[%dma_wait3A_119, %dma_wait3A_120] : memref<10240x128xf32, #tpu.memory_space<vmem_shared>> -> memref<10240x128xf32, #tpu.memory_space<vmem_shared>>
      tpu.wait_indirect_dma semaphore(%arg14 : memref<!tpu.dma_semaphore, #tpu.memory_space<semaphore_mem>>) src(%dma_wait3A_115 : memref<128x128xf32, #tpu.memory_space<vmem>>) dst(%dma_wait3A_121 : memref<10240x128xf32, #tpu.memory_space<vmem_shared>>)
      %add3A_122 = arith.constant 2 : i32
      %add3A_123 = arith.addi %add3A_110, %add3A_122 : i32
      %lt3A_124 = arith.constant 40 : i32
      %lt3A_125 = arith.cmpi slt, %add3A_123, %lt3A_124 : i32
      %convert_element_type3A_126 = arith.extui %lt3A_125 : i1 to i32
      %cond3A_127 = arith.constant 0 : i32
      %cond3A_128 = arith.cmpi ne, %convert_element_type3A_126, %cond3A_127 : i32
      scf.if %cond3A_128 {
        %add3A_129 = arith.constant 2 : i32
        %add3A_130 = arith.addi %add3A_110, %add3A_129 : i32
        %dma_start3A_131 = arith.constant 1 : i32
        %dma_start3A_132 = arith.constant 0 : i32
        %dma_start3A_133 = arith.constant 0 : i32
        %dma_start3A_134 = tpu.memref_slice %arg10[%dma_start3A_131, %dma_start3A_132, %dma_start3A_133] : memref<2x128x128xf32, #tpu.memory_space<vmem>> -> memref<1x128x128xf32, #tpu.memory_space<vmem>>
        %dma_start3A_135 = tpu.memref_squeeze %dma_start3A_134 : memref<1x128x128xf32, #tpu.memory_space<vmem>> -> memref<128x128xf32, #tpu.memory_space<vmem>>
        %dma_start3A_136 = arith.constant 0 : i32
        %dma_start3A_137 = tpu.memref_slice %arg8[%add3A_130, %dma_start3A_136] : memref<40x128xi32, #tpu.memory_space<vmem>> -> memref<1x128xi32, #tpu.memory_space<vmem>>
        %dma_start3A_138 = tpu.memref_squeeze %dma_start3A_137 : memref<1x128xi32, #tpu.memory_space<vmem>> -> memref<128xi32, #tpu.memory_space<vmem>>
        %dma_start3A_139 = arith.constant 0 : i32
        %dma_start3A_140 = arith.constant 0 : i32
        %dma_start3A_141 = tpu.memref_slice %arg2[%dma_start3A_139, %dma_start3A_140] : memref<10240x128xf32, #tpu.memory_space<hbm>> -> memref<10240x128xf32, #tpu.memory_space<hbm>>
        tpu.enqueue_indirect_dma source(%dma_start3A_141 : memref<10240x128xf32, #tpu.memory_space<hbm>>) target(%dma_start3A_135 : memref<128x128xf32, #tpu.memory_space<vmem>>) offsets(%dma_start3A_138 : memref<128xi32, #tpu.memory_space<vmem>>) semaphore(%arg12 : memref<!tpu.dma_semaphore, #tpu.memory_space<semaphore_mem>>)
      } else {
      }
    }
    %scan3A_34 = arith.constant 20 : i32
    %barrier3A_35 = arith.constant 0 : index
    tpu.barrier barrier_id(%barrier3A_35)
    "tpu.region"() ({
      %run_scoped3A = tpu.sem_alloc : memref<!tpu.dma_semaphore, #tpu.memory_space<semaphore_mem>>
      %dma_start3A_36 = arith.constant 0 : i32
      %dma_start3A_37 = tpu.memref_slice %arg6[%arg0, %mul3A_2, %dma_start3A_36] : memref<2x10240x128xf32, #tpu.memory_space<hbm>> -> memref<1x640x128xf32, #tpu.memory_space<hbm>>
      %dma_start3A_38 = tpu.memref_squeeze %dma_start3A_37 : memref<1x640x128xf32, #tpu.memory_space<hbm>> -> memref<640x128xf32, #tpu.memory_space<hbm>>
      %dma_start3A_39 = arith.constant 0 : i32
      %dma_start3A_40 = tpu.memref_slice %arg7[%mul3A_2, %dma_start3A_39] : memref<10240x128xf32, #tpu.memory_space<vmem_shared>> -> memref<640x128xf32, #tpu.memory_space<vmem_shared>>
      tpu.enqueue_dma source(%dma_start3A_40 : memref<640x128xf32, #tpu.memory_space<vmem_shared>>) target(%dma_start3A_38 : memref<640x128xf32, #tpu.memory_space<hbm>>) target_semaphore(%run_scoped3A : memref<!tpu.dma_semaphore, #tpu.memory_space<semaphore_mem>>)
      %dma_wait3A = arith.constant 0 : i32
      %dma_wait3A_41 = tpu.memref_slice %arg6[%arg0, %mul3A_2, %dma_wait3A] : memref<2x10240x128xf32, #tpu.memory_space<hbm>> -> memref<1x640x128xf32, #tpu.memory_space<hbm>>
      %dma_wait3A_42 = tpu.memref_squeeze %dma_wait3A_41 : memref<1x640x128xf32, #tpu.memory_space<hbm>> -> memref<640x128xf32, #tpu.memory_space<hbm>>
      %dma_wait3A_43 = arith.constant 0 : i32
      %dma_wait3A_44 = tpu.memref_slice %arg7[%mul3A_2, %dma_wait3A_43] : memref<10240x128xf32, #tpu.memory_space<vmem_shared>> -> memref<640x128xf32, #tpu.memory_space<vmem_shared>>
      tpu.wait_dma2 semaphore(%run_scoped3A : memref<!tpu.dma_semaphore, #tpu.memory_space<semaphore_mem>>) src(%dma_wait3A_44 : memref<640x128xf32, #tpu.memory_space<vmem_shared>>) dst(%dma_wait3A_42 : memref<640x128xf32, #tpu.memory_space<hbm>>)
      tpu.yield
    }) : () -> ()
    return
  }
}

module attributes {stable_mosaic.version = 14 : i64} {
  func.func @_b1_body(%arg0: i32, %arg1: memref<2048x128xf32, #tpu.memory_space<vmem>>, %arg2: memref<2048x1xf32, #tpu.memory_space<vmem>>, %arg3: memref<2048x1xf32, #tpu.memory_space<vmem>>, %arg4: memref<128x128xf32, #tpu.memory_space<vmem>>, %arg5: memref<2048x128xf32, #tpu.memory_space<vmem>>, %arg6: memref<2048x1xf32, #tpu.memory_space<vmem>>) attributes {dimension_semantics = [#tpu.dimension_semantics<arbitrary>], iteration_bounds = array<i64: 5>, scalar_prefetch = 0 : i64, scratch_operands = 0 : i64, tpu.core_type = #tpu.core_type<tc>, window_params = [{transform_indices = @transform_0, window_bounds = array<i64: 2048, 128>}, {transform_indices = @transform_1, window_bounds = array<i64: 2048, 1>}, {transform_indices = @transform_2, window_bounds = array<i64: 2048, 1>}, {pipeline_mode = #tpu.pipeline_mode<synchronous>, transform_indices = @transform_3, window_bounds = array<i64: 128, 128>}, {transform_indices = @transform_4, window_bounds = array<i64: 2048, 128>}, {transform_indices = @transform_5, window_bounds = array<i64: 2048, 1>}]} {
    %get3A = arith.constant 0 : index
    %get3A_0 = arith.constant 0 : index
    %get3A_1 = vector.load %arg2[%get3A, %get3A_0] : memref<2048x1xf32, #tpu.memory_space<vmem>>, vector<2048x1xf32>
    %get3A_2 = arith.constant 0 : index
    %get3A_3 = arith.constant 0 : index
    %get3A_4 = vector.load %arg3[%get3A_2, %get3A_3] : memref<2048x1xf32, #tpu.memory_space<vmem>>, vector<2048x1xf32>
    %mul3A = arith.mulf %get3A_1, %get3A_4 : vector<2048x1xf32>
    %gt3A = arith.constant 0.000000e+00 : f32
    %gt3A_5 = vector.broadcast %gt3A : f32 to vector<2048x1xf32>
    %gt3A_6 = arith.cmpf ogt, %mul3A, %gt3A_5 : vector<2048x1xf32>
    %rsqrt3A = math.rsqrt %mul3A : vector<2048x1xf32>
    %jit3A = arith.constant 0.000000e+00 : f32
    %broadcast_in_dim3A = vector.broadcast %jit3A : f32 to vector<2048x1xf32>
    %select_n3A = arith.select %gt3A_6, %rsqrt3A, %broadcast_in_dim3A : vector<2048x1xi1>, vector<2048x1xf32>
    %get3A_7 = arith.constant 0 : index
    %get3A_8 = arith.constant 0 : index
    %get3A_9 = vector.load %arg1[%get3A_7, %get3A_8] : memref<2048x128xf32, #tpu.memory_space<vmem>>, vector<2048x128xf32>
    %reduce_sum3A = arith.constant dense<0.000000e+00> : vector<2048xf32>
    %reduce_sum3A_10 = vector.multi_reduction <add>, %get3A_9, %reduce_sum3A [1] : vector<2048x128xf32> to vector<2048xf32>
    %broadcast_in_dim3A_11 = vector.shape_cast %reduce_sum3A_10 : vector<2048xf32> to vector<2048x1xf32>
    %ne3A = arith.constant 0.000000e+00 : f32
    %ne3A_12 = vector.broadcast %ne3A : f32 to vector<2048x1xf32>
    %ne3A_13 = arith.cmpf one, %broadcast_in_dim3A_11, %ne3A_12 : vector<2048x1xf32>
    %get3A_14 = arith.constant 0 : index
    %get3A_15 = arith.constant 0 : index
    %get3A_16 = vector.load %arg1[%get3A_14, %get3A_15] : memref<2048x128xf32, #tpu.memory_space<vmem>>, vector<2048x128xf32>
    %div3A = vector.broadcast %broadcast_in_dim3A_11 : vector<2048x1xf32> to vector<2048x128xf32>
    %div3A_17 = arith.divf %get3A_16, %div3A : vector<2048x128xf32>
    %jit3A_18 = arith.constant 0.000000e+00 : f32
    %broadcast_in_dim3A_19 = vector.shape_cast %ne3A_13 : vector<2048x1xi1> to vector<2048x1xi1>
    %broadcast_in_dim3A_20 = vector.broadcast %broadcast_in_dim3A_19 : vector<2048x1xi1> to vector<2048x128xi1>
    %broadcast_in_dim3A_21 = vector.broadcast %jit3A_18 : f32 to vector<2048x128xf32>
    %select_n3A_22 = arith.select %broadcast_in_dim3A_20, %div3A_17, %broadcast_in_dim3A_21 : vector<2048x128xi1>, vector<2048x128xf32>
    %get3A_23 = arith.constant 0 : index
    %get3A_24 = arith.constant 0 : index
    %get3A_25 = vector.load %arg4[%get3A_23, %get3A_24] : memref<128x128xf32, #tpu.memory_space<vmem>>, vector<128x128xf32>
    %dot_general3A = arith.constant dense<0.000000e+00> : vector<2048x128xf32>
    %dot_general3A_26 = tpu.matmul %select_n3A_22, %get3A_25, %dot_general3A {dimension_numbers = #tpu.dot_dimension_numbers<[1], [0], [0], [1], [0, 0, 1, 1], [], []>, transpose_lhs_hint = false} : vector<2048x128xf32>, vector<128x128xf32>, vector<2048x128xf32> -> vector<2048x128xf32>
    %mul3A_27 = vector.broadcast %select_n3A : vector<2048x1xf32> to vector<2048x128xf32>
    %mul3A_28 = arith.mulf %mul3A_27, %dot_general3A_26 : vector<2048x128xf32>
    %swap3A = arith.constant 0 : index
    %swap3A_29 = arith.constant 0 : index
    %swap3A_30 = vector.load %arg5[%swap3A, %swap3A_29] : memref<2048x128xf32, #tpu.memory_space<vmem>>, vector<2048x128xf32>
    tpu.vector_store %arg5[%swap3A, %swap3A_29], %mul3A_28 {strides = array<i32>} : memref<2048x128xf32, #tpu.memory_space<vmem>>, vector<2048x128xf32>,
    %swap3A_31 = arith.constant 0 : index
    %swap3A_32 = arith.constant 0 : index
    %swap3A_33 = vector.load %arg6[%swap3A_31, %swap3A_32] : memref<2048x1xf32, #tpu.memory_space<vmem>>, vector<2048x1xf32>
    tpu.vector_store %arg6[%swap3A_31, %swap3A_32], %select_n3A {strides = array<i32>} : memref<2048x1xf32, #tpu.memory_space<vmem>>, vector<2048x1xf32>,
    return
  }
  func.func @transform_0(%arg0: i32) -> (i32, i32) {
    %c0_i32 = arith.constant 0 : i32
    %c0_i32_0 = arith.constant 0 : i32
    return %arg0, %c0_i32 : i32, i32
  }
  func.func @transform_1(%arg0: i32) -> (i32, i32) {
    %c0_i32 = arith.constant 0 : i32
    %c0_i32_0 = arith.constant 0 : i32
    return %arg0, %c0_i32 : i32, i32
  }
  func.func @transform_2(%arg0: i32) -> (i32, i32) {
    %c0_i32 = arith.constant 0 : i32
    %c0_i32_0 = arith.constant 0 : i32
    return %arg0, %c0_i32 : i32, i32
  }
  func.func @transform_3(%arg0: i32) -> (i32, i32) {
    %c0_i32 = arith.constant 0 : i32
    %c0_i32_0 = arith.constant 0 : i32
    %c0_i32_1 = arith.constant 0 : i32
    return %c0_i32, %c0_i32_0 : i32, i32
  }
  func.func @transform_4(%arg0: i32) -> (i32, i32) {
    %c0_i32 = arith.constant 0 : i32
    %c0_i32_0 = arith.constant 0 : i32
    return %arg0, %c0_i32 : i32, i32
  }
  func.func @transform_5(%arg0: i32) -> (i32, i32) {
    %c0_i32 = arith.constant 0 : i32
    %c0_i32_0 = arith.constant 0 : i32
    return %arg0, %c0_i32 : i32, i32
  }
}

module attributes {stable_mosaic.version = 14 : i64} {
  func.func @_mid_body(%arg0: i32, %arg1: memref<2x2048x128xf32, #tpu.memory_space<vmem>>, %arg2: memref<2048x1xf32, #tpu.memory_space<vmem>>, %arg3: memref<1x128xf32, #tpu.memory_space<vmem>>, %arg4: memref<128x128xf32, #tpu.memory_space<vmem>>, %arg5: memref<2048x128xf32, #tpu.memory_space<vmem>>) attributes {dimension_semantics = [#tpu.dimension_semantics<arbitrary>], iteration_bounds = array<i64: 5>, scalar_prefetch = 0 : i64, scratch_operands = 0 : i64, tpu.core_type = #tpu.core_type<tc>, window_params = [{transform_indices = @transform_0, window_bounds = array<i64: 2, 2048, 128>}, {transform_indices = @transform_1, window_bounds = array<i64: 2048, 1>}, {pipeline_mode = #tpu.pipeline_mode<synchronous>, transform_indices = @transform_2, window_bounds = array<i64: 1, 128>}, {pipeline_mode = #tpu.pipeline_mode<synchronous>, transform_indices = @transform_3, window_bounds = array<i64: 128, 128>}, {transform_indices = @transform_4, window_bounds = array<i64: 2048, 128>}]} {
    %get3A = arith.constant 0 : index
    %get3A_0 = arith.constant 0 : index
    %get3A_1 = arith.constant 0 : index
    %get3A_2 = vector.load %arg1[%get3A, %get3A_0, %get3A_1] : memref<2x2048x128xf32, #tpu.memory_space<vmem>>, vector<1x2048x128xf32>
    %get3A_3 = vector.shape_cast %get3A_2 : vector<1x2048x128xf32> to vector<2048x128xf32>
    %get3A_4 = arith.constant 1 : index
    %get3A_5 = arith.constant 0 : index
    %get3A_6 = arith.constant 0 : index
    %get3A_7 = vector.load %arg1[%get3A_4, %get3A_5, %get3A_6] : memref<2x2048x128xf32, #tpu.memory_space<vmem>>, vector<1x2048x128xf32>
    %get3A_8 = vector.shape_cast %get3A_7 : vector<1x2048x128xf32> to vector<2048x128xf32>
    %add3A = arith.addf %get3A_3, %get3A_8 : vector<2048x128xf32>
    %get3A_9 = arith.constant 0 : index
    %get3A_10 = arith.constant 0 : index
    %get3A_11 = vector.load %arg2[%get3A_9, %get3A_10] : memref<2048x1xf32, #tpu.memory_space<vmem>>, vector<2048x1xf32>
    %mul3A = vector.broadcast %get3A_11 : vector<2048x1xf32> to vector<2048x128xf32>
    %mul3A_12 = arith.mulf %mul3A, %add3A : vector<2048x128xf32>
    %get3A_13 = arith.constant 0 : index
    %get3A_14 = arith.constant 0 : index
    %get3A_15 = vector.load %arg3[%get3A_13, %get3A_14] : memref<1x128xf32, #tpu.memory_space<vmem>>, vector<1x128xf32>
    %add3A_16 = vector.broadcast %get3A_15 : vector<1x128xf32> to vector<2048x128xf32>
    %add3A_17 = arith.addf %mul3A_12, %add3A_16 : vector<2048x128xf32>
    %ge3A = arith.constant 0.000000e+00 : f32
    %ge3A_18 = vector.broadcast %ge3A : f32 to vector<2048x128xf32>
    %ge3A_19 = arith.cmpf oge, %add3A_17, %ge3A_18 : vector<2048x128xf32>
    %mul3A_20 = arith.constant 0.00999999977 : f32
    %mul3A_21 = vector.broadcast %mul3A_20 : f32 to vector<2048x128xf32>
    %mul3A_22 = arith.mulf %mul3A_21, %add3A_17 : vector<2048x128xf32>
    %select_n3A = arith.select %ge3A_19, %add3A_17, %mul3A_22 : vector<2048x128xi1>, vector<2048x128xf32>
    %get3A_23 = arith.constant 0 : index
    %get3A_24 = arith.constant 0 : index
    %get3A_25 = vector.load %arg2[%get3A_23, %get3A_24] : memref<2048x1xf32, #tpu.memory_space<vmem>>, vector<2048x1xf32>
    %get3A_26 = arith.constant 0 : index
    %get3A_27 = arith.constant 0 : index
    %get3A_28 = vector.load %arg4[%get3A_26, %get3A_27] : memref<128x128xf32, #tpu.memory_space<vmem>>, vector<128x128xf32>
    %dot_general3A = arith.constant dense<0.000000e+00> : vector<2048x128xf32>
    %dot_general3A_29 = tpu.matmul %select_n3A, %get3A_28, %dot_general3A {dimension_numbers = #tpu.dot_dimension_numbers<[1], [0], [0], [1], [0, 0, 1, 1], [], []>, transpose_lhs_hint = false} : vector<2048x128xf32>, vector<128x128xf32>, vector<2048x128xf32> -> vector<2048x128xf32>
    %mul3A_30 = vector.broadcast %get3A_25 : vector<2048x1xf32> to vector<2048x128xf32>
    %mul3A_31 = arith.mulf %mul3A_30, %dot_general3A_29 : vector<2048x128xf32>
    %swap3A = arith.constant 0 : index
    %swap3A_32 = arith.constant 0 : index
    %swap3A_33 = vector.load %arg5[%swap3A, %swap3A_32] : memref<2048x128xf32, #tpu.memory_space<vmem>>, vector<2048x128xf32>
    tpu.vector_store %arg5[%swap3A, %swap3A_32], %mul3A_31 {strides = array<i32>} : memref<2048x128xf32, #tpu.memory_space<vmem>>, vector<2048x128xf32>,
    return
  }
  func.func @transform_0(%arg0: i32) -> (i32, i32, i32) {
    %c0_i32 = arith.constant 0 : i32
    %c0_i32_0 = arith.constant 0 : i32
    %c0_i32_1 = arith.constant 0 : i32
    return %c0_i32, %arg0, %c0_i32_0 : i32, i32, i32
  }
  func.func @transform_1(%arg0: i32) -> (i32, i32) {
    %c0_i32 = arith.constant 0 : i32
    %c0_i32_0 = arith.constant 0 : i32
    return %arg0, %c0_i32 : i32, i32
  }
  func.func @transform_2(%arg0: i32) -> (i32, i32) {
    %c0_i32 = arith.constant 0 : i32
    %c0_i32_0 = arith.constant 0 : i32
    %c0_i32_1 = arith.constant 0 : i32
    return %c0_i32, %c0_i32_0 : i32, i32
  }
  func.func @transform_3(%arg0: i32) -> (i32, i32) {
    %c0_i32 = arith.constant 0 : i32
    %c0_i32_0 = arith.constant 0 : i32
    %c0_i32_1 = arith.constant 0 : i32
    return %c0_i32, %c0_i32_0 : i32, i32
  }
  func.func @transform_4(%arg0: i32) -> (i32, i32) {
    %c0_i32 = arith.constant 0 : i32
    %c0_i32_0 = arith.constant 0 : i32
    return %arg0, %c0_i32 : i32, i32
  }
}

module attributes {stable_mosaic.version = 14 : i64} {
  func.func @_fin_body(%arg0: i32, %arg1: memref<2x2048x128xf32, #tpu.memory_space<vmem>>, %arg2: memref<2048x1xf32, #tpu.memory_space<vmem>>, %arg3: memref<1x128xf32, #tpu.memory_space<vmem>>, %arg4: memref<2048x128xf32, #tpu.memory_space<vmem>>) attributes {dimension_semantics = [#tpu.dimension_semantics<arbitrary>], iteration_bounds = array<i64: 5>, scalar_prefetch = 0 : i64, scratch_operands = 0 : i64, tpu.core_type = #tpu.core_type<tc>, window_params = [{transform_indices = @transform_0, window_bounds = array<i64: 2, 2048, 128>}, {transform_indices = @transform_1, window_bounds = array<i64: 2048, 1>}, {pipeline_mode = #tpu.pipeline_mode<synchronous>, transform_indices = @transform_2, window_bounds = array<i64: 1, 128>}, {transform_indices = @transform_3, window_bounds = array<i64: 2048, 128>}]} {
    %get3A = arith.constant 0 : index
    %get3A_0 = arith.constant 0 : index
    %get3A_1 = vector.load %arg2[%get3A, %get3A_0] : memref<2048x1xf32, #tpu.memory_space<vmem>>, vector<2048x1xf32>
    %get3A_2 = arith.constant 0 : index
    %get3A_3 = arith.constant 0 : index
    %get3A_4 = arith.constant 0 : index
    %get3A_5 = vector.load %arg1[%get3A_2, %get3A_3, %get3A_4] : memref<2x2048x128xf32, #tpu.memory_space<vmem>>, vector<1x2048x128xf32>
    %get3A_6 = vector.shape_cast %get3A_5 : vector<1x2048x128xf32> to vector<2048x128xf32>
    %get3A_7 = arith.constant 1 : index
    %get3A_8 = arith.constant 0 : index
    %get3A_9 = arith.constant 0 : index
    %get3A_10 = vector.load %arg1[%get3A_7, %get3A_8, %get3A_9] : memref<2x2048x128xf32, #tpu.memory_space<vmem>>, vector<1x2048x128xf32>
    %get3A_11 = vector.shape_cast %get3A_10 : vector<1x2048x128xf32> to vector<2048x128xf32>
    %add3A = arith.addf %get3A_6, %get3A_11 : vector<2048x128xf32>
    %mul3A = vector.broadcast %get3A_1 : vector<2048x1xf32> to vector<2048x128xf32>
    %mul3A_12 = arith.mulf %mul3A, %add3A : vector<2048x128xf32>
    %get3A_13 = arith.constant 0 : index
    %get3A_14 = arith.constant 0 : index
    %get3A_15 = vector.load %arg3[%get3A_13, %get3A_14] : memref<1x128xf32, #tpu.memory_space<vmem>>, vector<1x128xf32>
    %add3A_16 = vector.broadcast %get3A_15 : vector<1x128xf32> to vector<2048x128xf32>
    %add3A_17 = arith.addf %mul3A_12, %add3A_16 : vector<2048x128xf32>
    %swap3A = arith.constant 0 : index
    %swap3A_18 = arith.constant 0 : index
    %swap3A_19 = vector.load %arg4[%swap3A, %swap3A_18] : memref<2048x128xf32, #tpu.memory_space<vmem>>, vector<2048x128xf32>
    tpu.vector_store %arg4[%swap3A, %swap3A_18], %add3A_17 {strides = array<i32>} : memref<2048x128xf32, #tpu.memory_space<vmem>>, vector<2048x128xf32>,
    return
  }
  func.func @transform_0(%arg0: i32) -> (i32, i32, i32) {
    %c0_i32 = arith.constant 0 : i32
    %c0_i32_0 = arith.constant 0 : i32
    %c0_i32_1 = arith.constant 0 : i32
    return %c0_i32, %arg0, %c0_i32_0 : i32, i32, i32
  }
  func.func @transform_1(%arg0: i32) -> (i32, i32) {
    %c0_i32 = arith.constant 0 : i32
    %c0_i32_0 = arith.constant 0 : i32
    return %arg0, %c0_i32 : i32, i32
  }
  func.func @transform_2(%arg0: i32) -> (i32, i32) {
    %c0_i32 = arith.constant 0 : i32
    %c0_i32_0 = arith.constant 0 : i32
    %c0_i32_1 = arith.constant 0 : i32
    return %c0_i32, %c0_i32_0 : i32, i32
  }
  func.func @transform_3(%arg0: i32) -> (i32, i32) {
    %c0_i32 = arith.constant 0 : i32
    %c0_i32_0 = arith.constant 0 : i32
    return %arg0, %c0_i32 : i32, i32
  }
}

</mosaic_0001>

<sc_bundles>
// kernel: kernel.10.cloned.1.call-start
scs
__scs_entry_jumppad:
0x0: {  	(pc) =	sbr.rel $0x88, $3  }
0x1: {  	(tag) =	ssettag $0x0;
	lr =	simm.s32 $0x1  }
0x2: {  	[smem:$0x3F99] =	sst lr;
	_ =	strace $0xD0000000  }
0x3: {  	_ = 	snop  }
0x4: {  	_ = 	snop  }
0x5: {  	_ = 	snop  }
0x6: {  	_ = 	snop  }
0x7: {  	_ = 	snop  }
__scs_overlays_trampoline_lowered:
0x8: {  	[smem:$0x3FA8] =	sst s0  }
0x9: {  	[smem:$0x3FA9] =	sst s1  }
0xa: {  	[smem:$0x3FAA] =	sst s2  }
0xb: {  	[smem:$0x3FAB] =	sst s3  }
0xc: {  	[smem:$0x3FAC] =	sst s4  }
0xd: {  	[smem:$0x3FAD] =	sst s5  }
0xe: {  	[smem:$0x3FAE] =	sst s6  }
0xf: {  	[smem:$0x3FAF] =	sst s7  }
0x10: {  	[smem:$0x3FB0] =	sst s8  }
0x11: {  	[smem:$0x3FB1] =	sst s9;
	s0 =	simm.s32 @!p0 $0x0  }
0x12: {  	s1 =	sld [smem:$0x3F97];
	s0 =	simm.s32 @p0 $0x1  }
0x13: {  	[smem:$0x3FB2] =	sst s0;
	s0 =	simm.s32 @!p1 $0x0  }
0x14: {  	s2 =	sld [smem:$0x3F96];
	s0 =	simm.s32 @p1 $0x1  }
0x15: {  	[smem:$0x3FB3] =	sst s0;
	s0 =	simm.s32 @!p2 $0x0  }
0x16: {  	s3 =	sld [smem:$0x3FDB];
	s0 =	simm.s32 @p2 $0x1  }
0x17: {  	s4 =	simm.s32 $0x1BF5;
	[smem:$0x3FB5] =	sst s0  }
0x18: {  	s0 =	sld [smem:$0x3F98];
	_ =	swait.ge [sflag:s4], $0x0  }
0x19: {  	s7 =	sld [smem:$0x3F99]  }
0x1a: {  	s8 =	sadd.s32 $0xFFFFE003, lr  }
0x1b: {  	s9 =	sadd.s32 $0xFFFFFEF7, lr;
	s5 =	simm.s32 $0xFFFFFFFF;
	p2 =	slt.u32 s8, $0xFFFFF086  }
0x1c: {  	p1 =	slt.u32 s9, $0xF7A;
	s5 =	simm.s32 @!p2 $0x0  }
0x1d: {  	s5 =	simm.s32 @p1 $0x1;
	p0 =	seq.s32 s7, s2  }
0x1e: {  	s7 =	smul.u32 @!p0 $0xF7A, s2;
	p2 =	seq.s32 @!p0 s5, $0x0  }
0x1f: {  	s9 =	smul.u32 $0xF7A, s1;
	s8 =	simm.s32 @!p0 $0x1BF5;
	p2 =	por !p2, p0  }
0x20: {  	[sflag:s8] =	ssyncset.s32 @!p0 $0xFFFFF086;
	s6 =	sadd.s32 @!p0 s3, s7;
	s7 =	simm.s32 @!p0 $0x108  }
0x21: {  	s3 =	sadd.s32 s3, s9;
	s6 =	sadd.s32 @!p0 $0x88, s6;
	s7 =	simm.s32 @p2 $0x1082  }
0x22: {  	[simem:s7], [sflag:s8] =	dma.local @!p0 [hbm:s6], $0xF7A  }
0x23: {  	s9 =	sor.u32 $0xD0000000, s2;
	s6 =	simm.s32 $0x108;
	_ =	swait.ge @!p0 [sflag:s8], $0x0  }
0x24: {  	s3 =	sadd.s32 $0x88, s3;
	s6 =	simm.s32 @!p1 $0x1082;
	[sflag:s4] =	ssyncset.s32 $0xFFFFF086  }
0x25: {  	[simem:s6], [sflag:s4] =	dma.local [hbm:s3], $0xF7A  }
0x26: {  	[smem:$0x3F99] =	sst s1;
	(tag) =	ssettag s2;
	_ =	strace s9  }
0x27: {  	s1 =	sld [smem:$0x3FA9]  }
0x28: {  	s2 =	sld [smem:$0x3FAA]  }
0x29: {  	s4 =	sld [smem:$0x3FAC]  }
0x2a: {  	p0 =	seq.s32 s5, $0x0;
	s5 =	sld [smem:$0x3FAD]  }
0x2b: {  	s6 =	sld [smem:$0x3FAE]  }
0x2c: {  	s7 =	sld [smem:$0x3FAF]  }
0x2d: {  	s3 =	simm.s32 $0x108;
	s8 =	sld [smem:$0x3FB0]  }
0x2e: {  	s3 =	simm.s32 @!p0 $0x1082;
	s9 =	sld [smem:$0x3FB1]  }
0x2f: {  	lr =	sadd.s32 s0, s3;
	s0 =	sld [smem:$0x3FA8]  }
0x30: {  	s3 =	sld [smem:$0x3FAB]  }
0x31: {  	[smem:$0x3FB4] =	sst s10  }
0x32: {  	s10 =	sld [smem:$0x3FB2];
	_ =	sdelay $0x3  }
0x33: {  	p0 =	seq.s32 s10, $0x1;
	s10 =	sld [smem:$0x3FB4];
	_ =	sdelay $0x3  }
0x34: {  	[smem:$0x3FB4] =	sst s10  }
0x35: {  	s10 =	sld [smem:$0x3FB3];
	_ =	sdelay $0x3  }
0x36: {  	p1 =	seq.s32 s10, $0x1;
	s10 =	sld [smem:$0x3FB4];
	_ =	sdelay $0x3  }
0x37: {  	[smem:$0x3FB4] =	sst s10  }
0x38: {  	s10 =	sld [smem:$0x3FB5]  }
0x39: {  	_ = 	snop;
	(pc) =	sbr.ind lr, $3  }
0x3a: {  	_ = 	snop  }
0x3b: {  	_ = 	snop  }
0x3c: {  	p2 =	seq.s32 s10, $0x1;
	s10 =	sld [smem:$0x3FB4]  }
0x3d: {  	_ =	shalt  }
0x3e: {  	_ =	shalt  }
0x3f: {  	_ =	shalt  }
0x40: {  	_ =	shalt  }
0x41: {  	_ =	shalt  }
0x42: {  	_ =	shalt  }
0x43: {  	_ =	shalt  }
0x44: {  	_ =	shalt  }
0x45: {  	_ =	shalt  }
0x46: {  	_ =	shalt  }
0x47: {  	_ =	shalt  }
0x48: {  	_ =	shalt  }
0x49: {  	_ =	shalt  }
0x4a: {  	_ =	shalt  }
0x4b: {  	_ =	shalt  }
0x4c: {  	_ =	shalt  }
0x4d: {  	_ =	shalt  }
0x4e: {  	_ =	shalt  }
0x4f: {  	_ =	shalt  }
0x50: {  	_ =	shalt  }
0x51: {  	_ =	shalt  }
0x52: {  	_ =	shalt  }
0x53: {  	_ =	shalt  }
0x54: {  	_ =	shalt  }
0x55: {  	_ =	shalt  }
0x56: {  	_ =	shalt  }
0x57: {  	_ =	shalt  }
0x58: {  	_ =	shalt  }
0x59: {  	_ =	shalt  }
0x5a: {  	_ =	shalt  }
0x5b: {  	_ =	shalt  }
0x5c: {  	_ =	shalt  }
0x5d: {  	_ =	shalt  }
0x5e: {  	_ =	shalt  }
0x5f: {  	_ =	shalt  }
0x60: {  	_ =	shalt  }
0x61: {  	_ =	shalt  }
0x62: {  	_ =	shalt  }
0x63: {  	_ =	shalt  }
0x64: {  	_ =	shalt  }
0x65: {  	_ =	shalt  }
0x66: {  	_ =	shalt  }
0x67: {  	_ =	shalt  }
0x68: {  	_ =	shalt  }
0x69: {  	_ =	shalt  }
0x6a: {  	_ =	shalt  }
0x6b: {  	_ =	shalt  }
0x6c: {  	_ =	shalt  }
0x6d: {  	_ =	shalt  }
0x6e: {  	_ =	shalt  }
0x6f: {  	_ =	shalt  }
0x70: {  	_ =	shalt  }
0x71: {  	_ =	shalt  }
0x72: {  	_ =	shalt  }
0x73: {  	_ =	shalt  }
0x74: {  	_ =	shalt  }
0x75: {  	_ =	shalt  }
0x76: {  	_ =	shalt  }
0x77: {  	_ =	shalt  }
0x78: {  	_ =	shalt  }
0x79: {  	_ =	shalt  }
0x7a: {  	_ =	shalt  }
0x7b: {  	_ =	shalt  }
0x7c: {  	_ =	shalt  }
0x7d: {  	_ =	shalt  }
0x7e: {  	_ =	shalt  }
0x7f: {  	_ =	shalt  }
0x80: {  	_ =	shalt  }
0x81: {  	_ =	shalt  }
0x82: {  	_ =	shalt  }
0x83: {  	_ =	shalt  }
0x84: {  	_ =	shalt  }
0x85: {  	_ =	shalt  }
0x86: {  	_ =	shalt  }
0x87: {  	_ =	shalt  }
.Lfunc_end0:
.L_simem_size_0:
called_computation_lowered:
.L_overlay_start_0:
0x88: {  	s2 =	sld [smem:$0x3FD9]  }
0x89: {  	s3 =	sld [smem:$0x3FFE];
	_ =	sdelay $0x1  }
0x8a: {  	s1 =	srdreg.scid  }
0x8b: {  	s0 =	sand.u32 $0x1, s1  }
0x8c: {  	s17 =	sshll.u32 s0, $0xA;
	s2 =	sadd.s32 s3, s2  }
0x8d: {  	s2 =	sadd.s32 s2, s17  }
0x8e: {  	[smem:$0x3FC0] =	sst s2  }
0x8f: {  	_ = 	snop  }
0x90: {  	s2 =	sld [smem:$0x3FD0];
	(tm) =	ssettm $0x1  }
0x91: {  	s18 =	sld [smem:$0x3FFB];
	_ =	sdelay $0x3  }
0x92: {  	_ =	strace s18  }
0x93: {  	s3 =	sld [smem:$0x3FFC];
	_ =	sdelay $0x3  }
0x94: {  	_ =	strace s3  }
0x95: {  	s3 =	sld [smem:$0x3FFD];
	_ =	sdelay $0x3  }
0x96: {  	_ =	strace s3  }
0x97: {  	_ =	strace $0x8FFFFFFF  }
0x98: {  	s19 =	sld [smem:$0x3FDB];
	_ =	sdelay $0x1  }
0x99: {  	s4 =	simm.s32 $_scs_section_size  }
0x9a: {  	s5 =	simm.s32 $_size__tile_overlayer_lowered;
	s6 =	simm.s32 $_tile_overlayer_lowered  }
0x9b: {  	s22 =	simm.s32 $0x1BFF;
	s21 =	sshll.u32 s6, $0x1;
	s3 =	sadd.s32 s4, s19  }
0x9c: {  	s7 =	simm.s32 $0x0;
	s20 =	sshll.u32 s5, $0x1;
	s5 =	sadd.s32 s21, s3  }
0x9d: {  	[timem:s7], [sflag:s22] =	dma.local [hbm:s5], s20  }
0x9e: {  	_ =	swait.ge [sflag:s22], s20  }
0x9f: {  	s4 =	ssub.s32 $0x0, s20;
	[sflag:s22] =	ssyncset.done $0x0  }
0xa0: {  	[sflag:s22] =	ssyncadd.s32 s4;
	_ =	sdelay $0x1  }
0xa1: {  	s23 =	simm.s32 $0x1B8B  }
0xa2: {  	_ =	swait.ge [sflag:s23], $0x1  }
0xa3: {  	[sflag:s23] =	ssyncset.done $0x0  }
0xa4: {  	s25 =	simm.s32 $0x1B8E;
	s24 =	sld [smem:$0x3FFE];
	[sflag:s23] =	ssyncadd.s32 $0xFFFFFFFF  }
0xa5: {  	s26 =	simm.s32 $execute0_lowered;
	[smem:$0x3FD2] =	sst s25  }
0xa6: {  	s5 =	sshll.u32 s26, $0x1;
	_ =	strace $0x80000046;
	[dreg:$0x1] =	wrdreg $0xFFFFFFFF  }
0xa7: {  	s28 =	simm.s32 $_size_execute0_lowered;
	s3 =	sadd.s32 s3, s5;
	[dreg:$0x0] =	wrdreg $0x0  }
0xa8: {  	s5 =	sshll.u32 s28, $0x1;
	[dreg:$0x2] =	wrdreg s3  }
0xa9: {  	[dreg:$0x3] =	wrdreg s5  }
0xaa: {  	[dreg:$0x4] =	wrdreg $0xC0  }
0xab: {  	_ =	task [dreg:s7], $0x5FFFF  }
0xac: {  	[dreg:$0x1] =	wrdreg $0xFFFFFFFF  }
0xad: {  	[dreg:$0x0] =	wrdreg $0x60  }
0xae: {  	[dreg:$0x2] =	wrdreg s24  }
0xaf: {  	[dreg:$0x3] =	wrdreg s2  }
0xb0: {  	[dreg:$0x4] =	wrdreg $0x0  }
0xb1: {  	[dreg:$0x5] =	wrdreg $0x2800  }
0xb2: {  	[dreg:$0x6] =	wrdreg $0x9  }
0xb3: {  	_ =	task.clear_ibuf [dreg:s7], $0x7FFFF;
	_ =	strace $0x90000046  }
0xb4: {  	s29 =	simm.s32 $0x9;
	_ =	strace $0x80000048  }
0xb5: {  	_ =	swait.ge [sflag:s29], $0x1  }
0xb6: {  	[sflag:s29] =	ssyncadd.s32 $0xFFFFFFFF  }
0xb7: {  	_ =	strace $0x90000048  }
0xb8: {  	_ =	sfence  }
0xb9: {  	s30 =	sld [smem:$0x0];
	_ =	sdelay $0x2  }
0xba: {  	s31 =	sshll.u32 s1, $0xD;
	s1 =	sshrl.u32 s1, $0x2  }
0xbb: {  	s3 =	sand.u32 $0x4000, s31;
	s1 =	sadd.s32 s1, s30  }
0xbc: {  	s0 =	sor.u32 s3, s0;
	s1 =	sshll.u32 s1, $0x11  }
0xbd: {  	s0 =	sor.u32 s1, s0  }
0xbe: {  	s0 =	sadd.s32 $0x8F2B, s0  }
0xbf: {  	[sflag:s0] =	ssyncadd.remote.s32 $0x1  }
0xc0: {  	_ =	sfence.sel $0xFFFF  }
0xc1: {  	[dreg:$0x0] =	wrdreg $0xFFFFFFFF;
	(pc) =	sbr.abs _section_cstart, $3  }
0xc2: {  	[dreg:$0x1] =	wrdreg $0xFFFFFFFF  }
0xc3: {  	_ =	task.clear_ibuf [dreg:s7], $0x2FFFF;
	_ =	strace $0x9FFFFFFF  }
0xc4: {  	(tm) =	ssettm $0x7FFFFFFF  }
0xc5: {  	_ =	shalt  }
tec
execute0_lowered:
.L_overlay_start_1:
0x0: {  	(tag) =	ssettag $0x1  }
0x1: {  	s0 =	rddreg [dreg:$0x0]  }
0x2: {  	s6 =	rddreg [dreg:$0x1]  }
0x3: {  	s2 =	rddreg [dreg:$0x2]  }
0x4: {  	s3 =	rddreg [dreg:$0x3]  }
0x5: {  	s1 =	stileid.u32;
	s5 =	srdreg.scid;
	s4 =	simm.s32 $0x0  }
0x6: {  	s13 =	simm.s32 $0x5;
	s15 =	simm.s32 $0x5680;
	s16 =	simm.s32 $0x80  }
0x7: {  	s17 =	simm.s32 $0x5500;
	s18 =	simm.s32 $0x1;
	s20 =	simm.s32 $0x3  }
0x8: {  	s21 =	simm.s32 $0x4;
	s24 =	simm.s32 $0x5580;
	s26 =	simm.s32 $0x5600  }
0x9: {  	s28 =	simm.s32 $0x5400;
	s29 =	simm.s32 $0x5480;
	s30 =	simm.s32 $0x0  }
0xa: {  	s8 =	smul.u32 $0x280, s1;
	s19 =	sand.u32 $0x1, s5;
	[smem:$0x7FF] =	sst s4  }
0xb: {  	s7 =	smul.u32 $0x500, s1;
	s5 =	ssub.s32 $0x2, s19;
	_ =	strace $0x80000047  }
0xc: {  	p0 =	sne.s32 s19, $0x0;
	s19 =	simm.s32 $0x2;
	s9 =	sshrl.u32 s8, $0x3  }
0xd: {  	s10 =	sshrl.u32 s5, $0x1;
	s11 =	sadd.s32 s7, s0;
	s6 =	sadd.s32 s6, s7  }
0xe: {  	s7 =	sadd.s32 s8, s2;
	s8 =	sadd.s32 s8, s3;
	s0 =	sadd.s32 s9, s0  }
0xf: {  	s12 =	ssub.s32 s5, s10;
	s5 =	sadd.s32 $0x2C00, s11;
	s23 =	sshrl.u32 @!p0 s7, $0x3  }
0x10: {  	s9 =	sadd.s32 $0x7C00, s0;
	s10 =	sadd.s32 $0x8200, s0;
	s0 =	sshll.u32 @!p0 s1, $0x6  }
0x11: {  	v0 =	vimm.f32 $1.000000000e+00;
	v1 =	vimm.f32 $0.0e+00;
	s11 =	smax.u32 s12, $0x1;
	s12 =	simm.s32 $0x500;
	s22 =	sor.u32 @!p0 $0x1C05, s0  }
.LBB2_1:
0x12: {  	[tilespmem:s12], [sflag:$0x5] =	stream.linear.gather [hbm4b:s5+s4], $0x2800, $0x38;
	[tilespmem:$0x5900] =	vst v63  }
0x13: {  	_ =	swait.ge [sflag:s13], $0x2800  }
0x14: {  	[sflag:s13] =	ssyncset.done $0x0  }
0x15: {  	s0 =	simm.s32 $0x2D00;
	[sflag:s13] =	ssyncadd.s32 $0xFFFFD800  }
0x16: {  	[tilespmem:s0], [sflag:$0x5] =	stream.linear.gather [hbm4b:s6+s4], $0x2800, $0x38;
	[tilespmem:$0x5900] =	vst v63  }
0x17: {  	_ =	swait.ge [sflag:s13], $0x2800  }
0x18: {  	[sflag:s13] =	ssyncset.done $0x0  }
0x19: {  	[sflag:s13] =	ssyncadd.s32 $0xFFFFD800  }
0x1a: {  	[tilespmem:$0x5500] =	vst v0  }
0x1b: {  	[tilespmem:$0x5510] =	vst v0  }
0x1c: {  	[tilespmem:$0x5520] =	vst v0  }
0x1d: {  	[tilespmem:$0x5530] =	vst v0  }
0x1e: {  	[tilespmem:$0x5540] =	vst v0  }
0x1f: {  	[tilespmem:$0x5550] =	vst v0  }
0x20: {  	[tilespmem:$0x5560] =	vst v0  }
0x21: {  	[tilespmem:$0x5570] =	vst v0  }
0x22: {  	[tilespmem:$0x5680] =	vst v1  }
0x23: {  	[tilespmem:$0x5690] =	vst v1  }
0x24: {  	[tilespmem:$0x56A0] =	vst v1  }
0x25: {  	[tilespmem:$0x56B0] =	vst v1  }
0x26: {  	[tilespmem:$0x56C0] =	vst v1  }
0x27: {  	[tilespmem:$0x56D0] =	vst v1  }
0x28: {  	[tilespmem:$0x56E0] =	vst v1  }
0x29: {  	[tilespmem:$0x56F0] =	vst v1  }
0x2a: {  	[tilespmem:$0x5700] =	vst v1  }
0x2b: {  	[tilespmem:$0x5710] =	vst v1  }
0x2c: {  	[tilespmem:$0x5720] =	vst v1  }
0x2d: {  	[tilespmem:$0x5730] =	vst v1  }
0x2e: {  	[tilespmem:$0x5740] =	vst v1  }
0x2f: {  	[tilespmem:$0x5750] =	vst v1  }
0x30: {  	[tilespmem:$0x5760] =	vst v1  }
0x31: {  	[tilespmem:$0x5770] =	vst v1  }
0x32: {  	[tilespmem:$0x5780] =	vst v1  }
0x33: {  	[tilespmem:$0x5790] =	vst v1  }
0x34: {  	[tilespmem:$0x57A0] =	vst v1  }
0x35: {  	[tilespmem:$0x57B0] =	vst v1  }
0x36: {  	[tilespmem:$0x57C0] =	vst v1  }
0x37: {  	[tilespmem:$0x57D0] =	vst v1  }
0x38: {  	[tilespmem:$0x57E0] =	vst v1  }
0x39: {  	[tilespmem:$0x57F0] =	vst v1  }
0x3a: {  	[tilespmem:$0x5800] =	vst v1  }
0x3b: {  	[tilespmem:$0x5810] =	vst v1  }
0x3c: {  	[tilespmem:$0x5820] =	vst v1  }
0x3d: {  	[tilespmem:$0x5830] =	vst v1  }
0x3e: {  	[tilespmem:$0x5840] =	vst v1  }
0x3f: {  	[tilespmem:$0x5850] =	vst v1  }
0x40: {  	[tilespmem:$0x5860] =	vst v1  }
0x41: {  	[tilespmem:$0x5870] =	vst v1  }
0x42: {  	[tilespmem:$0x5880] =	vst v1  }
0x43: {  	[tilespmem:$0x5890] =	vst v1  }
0x44: {  	[tilespmem:$0x58A0] =	vst v1  }
0x45: {  	[tilespmem:$0x58B0] =	vst v1  }
0x46: {  	[tilespmem:$0x58C0] =	vst v1  }
0x47: {  	[tilespmem:$0x58D0] =	vst v1  }
0x48: {  	[tilespmem:$0x58E0] =	vst v1  }
0x49: {  	[tilespmem:$0x58F0] =	vst v1  }
0x4a: {  	[spmem:s7] =	stream.linear.scatter [tilespmem:s15], [sflag:$0x5], $0x280, $0x38;
	[tilespmem:$0x5900] =	vst v63  }
0x4b: {  	_ =	swait.ge [sflag:s13], $0x280  }
0x4c: {  	[sflag:s13] =	ssyncset.done $0x0  }
0x4d: {  	[sflag:s13] =	ssyncadd.s32 $0xFFFFFD80  }
0x4e: {  	[spmem:s8] =	stream.linear.scatter [tilespmem:s15], [sflag:$0x5], $0x280, $0x38;
	[tilespmem:$0x5900] =	vst v63  }
0x4f: {  	_ =	swait.ge [sflag:s13], $0x280  }
0x50: {  	[sflag:s13] =	ssyncset.done $0x0  }
0x51: {  	[sflag:s13] =	ssyncadd.s32 $0xFFFFFD80  }
0x52: {  	s25 =	simm.s32 $0x500;
	[bflag:$0x0] =	sbarrier.arrive $0xFFFF  }
0x53: {  	[spmem:s2] =	stream.indirect.scatter.add.f32 [tilespmem:s17], [sflag:$0x1], $0x1, s25, s16, $0xb8;
	[tilespmem:$0x5900] =	vst v63  }
0x54: {  	s1 =	simm.s32 $0x580  }
0x55: {  	[spmem:s2] =	stream.indirect.scatter.add.f32 [tilespmem:s17], [sflag:$0x2], $0x1, s1, s16, $0xb8;
	[tilespmem:$0x5900] =	vst v63  }
0x56: {  	s14 =	simm.s32 $0x600  }
0x57: {  	[spmem:s2] =	stream.indirect.scatter.add.f32 [tilespmem:s17], [sflag:$0x3], $0x1, s14, s16, $0xb8;
	[tilespmem:$0x5900] =	vst v63  }
0x58: {  	s25 =	simm.s32 $0x680  }
0x59: {  	[spmem:s2] =	stream.indirect.scatter.add.f32 [tilespmem:s17], [sflag:$0x4], $0x1, s25, s16, $0xb8;
	[tilespmem:$0x5900] =	vst v63  }
0x5a: {  	_ =	swait.ge [sflag:s18], $0x80  }
0x5b: {  	[sflag:s18] =	ssyncset.done $0x0  }
0x5c: {  	[sflag:s18] =	ssyncadd.s32 $0xFFFFFF80  }
0x5d: {  	_ =	swait.ge [sflag:s19], $0x80  }
0x5e: {  	[sflag:s19] =	ssyncset.done $0x0  }
0x5f: {  	[sflag:s19] =	ssyncadd.s32 $0xFFFFFF80  }
0x60: {  	_ =	swait.ge [sflag:s20], $0x80  }
0x61: {  	[sflag:s20] =	ssyncset.done $0x0  }
0x62: {  	[sflag:s20] =	ssyncadd.s32 $0xFFFFFF80  }
0x63: {  	_ =	swait.ge [sflag:s21], $0x80  }
0x64: {  	s31 =	simm.s32 $0x200;
	s0 =	simm.s32 $0x1000;
	[sflag:s21] =	ssyncset.done $0x0  }
.LBB2_2:
0x65: {  	s1 =	sadd.s32 $0x500, s31  }
0x66: {  	[sflag:s21] =	ssyncadd.s32 $0xFFFFFF80;
	s14 =	smov.u32 s0;
	s25 =	sadd.s32 $0x800, s0  }
0x67: {  	[spmem:s2] =	stream.indirect.scatter.add.f32 [tilespmem:s17], [sflag:$0x1], $0x1, s1, s16, $0xb8;
	[tilespmem:$0x5900] =	vst v63  }
0x68: {  	p1 =	sne.s32 s0, $0x9800;
	s0 =	sadd.s32 $0x580, s31  }
0x69: {  	[spmem:s2] =	stream.indirect.scatter.add.f32 [tilespmem:s17], [sflag:$0x2], $0x1, s0, s16, $0xb8;
	[tilespmem:$0x5900] =	vst v63  }
0x6a: {  	s0 =	sadd.s32 $0x600, s31  }
0x6b: {  	[spmem:s2] =	stream.indirect.scatter.add.f32 [tilespmem:s17], [sflag:$0x3], $0x1, s0, s16, $0xb8;
	[tilespmem:$0x5900] =	vst v63  }
0x6c: {  	s0 =	sadd.s32 $0x680, s31  }
0x6d: {  	[spmem:s2] =	stream.indirect.scatter.add.f32 [tilespmem:s17], [sflag:$0x4], $0x1, s0, s16, $0xb8;
	[tilespmem:$0x5900] =	vst v63  }
0x6e: {  	_ =	swait.ge [sflag:s18], $0x80  }
0x6f: {  	[sflag:s18] =	ssyncset.done $0x0  }
0x70: {  	[sflag:s18] =	ssyncadd.s32 $0xFFFFFF80  }
0x71: {  	_ =	swait.ge [sflag:s19], $0x80  }
0x72: {  	[sflag:s19] =	ssyncset.done $0x0  }
0x73: {  	[sflag:s19] =	ssyncadd.s32 $0xFFFFFF80  }
.Ltmp0:
0x74: {  	_ =	swait.ge [sflag:s20], $0x80;
	(pc) =	sbr.rel @p1 .LBB2_2-.Ltmp0, $4  }
0x75: {  	[sflag:s20] =	ssyncset.done $0x0  }
0x76: {  	[sflag:s20] =	ssyncadd.s32 $0xFFFFFF80  }
0x77: {  	_ =	swait.ge [sflag:s21], $0x80  }
0x78: {  	s31 =	sshra.s32 s14, $0x2;
	s0 =	smov.u32 s25;
	[sflag:s21] =	ssyncset.done $0x0  }
0x79: {  	s0 =	sadd.s32 $0x500, s31;
	[sflag:s21] =	ssyncadd.s32 $0xFFFFFF80  }
0x7a: {  	[spmem:s2] =	stream.indirect.scatter.add.f32 [tilespmem:s17], [sflag:$0x1], $0x1, s0, s16, $0xb8;
	[tilespmem:$0x5900] =	vst v63  }
0x7b: {  	s1 =	sadd.s32 $0x580, s31  }
0x7c: {  	[spmem:s2] =	stream.indirect.scatter.add.f32 [tilespmem:s17], [sflag:$0x2], $0x1, s1, s16, $0xb8;
	[tilespmem:$0x5900] =	vst v63  }
0x7d: {  	s14 =	sadd.s32 $0x600, s31  }
0x7e: {  	[spmem:s2] =	stream.indirect.scatter.add.f32 [tilespmem:s17], [sflag:$0x3], $0x1, s14, s16, $0xb8;
	[tilespmem:$0x5900] =	vst v63  }
0x7f: {  	s25 =	sadd.s32 $0x680, s31  }
0x80: {  	[spmem:s2] =	stream.indirect.scatter.add.f32 [tilespmem:s17], [sflag:$0x4], $0x1, s25, s16, $0xb8;
	[tilespmem:$0x5900] =	vst v63  }
0x81: {  	_ =	swait.ge [sflag:s18], $0x80  }
0x82: {  	[sflag:s18] =	ssyncset.done $0x0  }
0x83: {  	[sflag:s18] =	ssyncadd.s32 $0xFFFFFF80  }
0x84: {  	_ =	swait.ge [sflag:s19], $0x80  }
0x85: {  	[sflag:s19] =	ssyncset.done $0x0  }
0x86: {  	[sflag:s19] =	ssyncadd.s32 $0xFFFFFF80  }
0x87: {  	_ =	swait.ge [sflag:s20], $0x80  }
0x88: {  	[sflag:s20] =	ssyncset.done $0x0  }
0x89: {  	[sflag:s20] =	ssyncadd.s32 $0xFFFFFF80  }
0x8a: {  	_ =	swait.ge [sflag:s21], $0x80  }
0x8b: {  	[sflag:s21] =	ssyncset.done $0x0  }
0x8c: {  	[sflag:s21] =	ssyncadd.s32 $0xFFFFFF80  }
0x8d: {  	s0 =	simm.s32 @!p0 $0x5;
	[bflag:$0x0] =	sbarrier.arrive $0xFFFF  }
0x8e: {  	[hbm:s9], [sflag:s22] =	dma.local @!p0 [spmem:s23], $0x50  }
0x8f: {  	_ =	swait.ge @!p0 [sflag:s0], $0x50  }
0x90: {  	[sflag:s0] =	ssyncset.done @!p0 $0x0  }
0x91: {  	[sflag:s0] =	ssyncadd.s32 @!p0 $0xFFFFFFB0  }
0x92: {  	[tilespmem:s15], [sflag:$0x5] =	stream.linear.gather [spmem:s7], $0x280, $0x38;
	[tilespmem:$0x5900] =	vst v63  }
0x93: {  	_ =	swait.ge [sflag:s13], $0x280  }
0x94: {  	[sflag:s13] =	ssyncset.done $0x0  }
0x95: {  	s31 =	simm.s32 $0x0;
	s0 =	simm.s32 $0x40;
	[sflag:s13] =	ssyncadd.s32 $0xFFFFFD80  }
.LBB2_4:
0x96: {  	p1 =	sne.s32 s0, $0x9C0;
	v2 =	vld [tilespmem:s31+$0x5680];
	_ =	sdelay $0x4  }
0x97: {  	(erf) = vrcp.f32 v2;
	_ =	sdelay $0x5  }
.Ltmp1:
0x98: {  	(pc) =	sbr.rel @p1 .LBB2_4-.Ltmp1, $3  }
0x99: {  	_ =	sdelay $0x1  }
0x9a: {  	v2 =	vpop (erf)  }
0x9b: {  	[tilespmem:s31+$0x5680] =	vst v2;
	s31 =	sshra.s32 s0, $0x2;
	s0 =	sadd.s32 $0x40, s0  }
0x9c: {  	v2 =	vld [tilespmem:s31+$0x5680];
	_ =	sdelay $0x4  }
0x9d: {  	(erf) = vrcp.f32 v2;
	_ =	sdelay $0x8  }
0x9e: {  	v2 =	vpop (erf)  }
0x9f: {  	[tilespmem:s31+$0x5680] =	vst v2  }
0xa0: {  	[spmem:s7] =	stream.linear.scatter [tilespmem:s15], [sflag:$0x5], $0x280, $0x38;
	[tilespmem:$0x5900] =	vst v63  }
0xa1: {  	_ =	swait.ge [sflag:s13], $0x280  }
0xa2: {  	[sflag:s13] =	ssyncset.done $0x0  }
0xa3: {  	[sflag:s13] =	ssyncadd.s32 $0xFFFFFD80  }
0xa4: {  	[bflag:$0x0] =	sbarrier.arrive $0xFFFF  }
0xa5: {  	[tilespmem:s24], [sflag:$0x1] =	stream.indirect.gather [spmem:s2], $0x1, s12, s16, $0xb8;
	[tilespmem:$0x5900] =	vst v63  }
0xa6: {  	s0 =	simm.s32 $0x580  }
0xa7: {  	[tilespmem:s26], [sflag:$0x2] =	stream.indirect.gather [spmem:s2], $0x1, s0, s16, $0xb8;
	[tilespmem:$0x5900] =	vst v63  }
0xa8: {  	_ =	swait.ge [sflag:s18], $0x80  }
0xa9: {  	[sflag:s18] =	ssyncset.done $0x0  }
0xaa: {  	s1 =	simm.s32 $0x2D00;
	[sflag:s18] =	ssyncadd.s32 $0xFFFFFF80  }
0xab: {  	[spmem:s3] =	stream.indirect.scatter.add.f32 [tilespmem:s24], [sflag:$0x3], $0x1, s1, s16, $0xb8;
	[tilespmem:$0x5900] =	vst v63  }
0xac: {  	_ =	swait.ge [sflag:s19], $0x80  }
0xad: {  	[sflag:s19] =	ssyncset.done $0x0  }
0xae: {  	s14 =	simm.s32 $0x2D80;
	[sflag:s19] =	ssyncadd.s32 $0xFFFFFF80  }
0xaf: {  	[spmem:s3] =	stream.indirect.scatter.add.f32 [tilespmem:s26], [sflag:$0x4], $0x1, s14, s16, $0xb8;
	[tilespmem:$0x5900] =	vst v63  }
0xb0: {  	_ =	swait.ge [sflag:s20], $0x80  }
0xb1: {  	[sflag:s20] =	ssyncset.done $0x0  }
0xb2: {  	s25 =	simm.s32 $0x600;
	[sflag:s20] =	ssyncadd.s32 $0xFFFFFF80  }
0xb3: {  	[tilespmem:s24], [sflag:$0x1] =	stream.indirect.gather [spmem:s2], $0x1, s25, s16, $0xb8;
	[tilespmem:$0x5900] =	vst v63  }
0xb4: {  	_ =	swait.ge [sflag:s21], $0x80  }
0xb5: {  	[sflag:s21] =	ssyncset.done $0x0  }
0xb6: {  	s31 =	simm.s32 $0x400;
	s0 =	simm.s32 $0x680;
	[sflag:s21] =	ssyncadd.s32 $0xFFFFFF80  }
.LBB2_6:
0xb7: {  	[tilespmem:s26], [sflag:$0x2] =	stream.indirect.gather [spmem:s2], $0x1, s0, s16, $0xb8;
	[tilespmem:$0x5900] =	vst v63  }
0xb8: {  	s0 =	smov.u32 s31  }
0xb9: {  	p1 =	sne.s32 s31, $0x9800;
	s31 =	sadd.s32 $0x400, s31;
	_ =	swait.ge [sflag:s18], $0x80  }
0xba: {  	s0 =	sshra.s32 s0, $0x2;
	[sflag:s18] =	ssyncset.done $0x0  }
0xbb: {  	s1 =	sadd.s32 $0x2D00, s0;
	[sflag:s18] =	ssyncadd.s32 $0xFFFFFF80  }
0xbc: {  	[spmem:s3] =	stream.indirect.scatter.add.f32 [tilespmem:s24], [sflag:$0x3], $0x1, s1, s16, $0xb8;
	[tilespmem:$0x5900] =	vst v63  }
0xbd: {  	_ =	swait.ge [sflag:s19], $0x80  }
0xbe: {  	[sflag:s19] =	ssyncset.done $0x0  }
0xbf: {  	s1 =	sadd.s32 $0x2D80, s0;
	[sflag:s19] =	ssyncadd.s32 $0xFFFFFF80  }
0xc0: {  	[spmem:s3] =	stream.indirect.scatter.add.f32 [tilespmem:s26], [sflag:$0x4], $0x1, s1, s16, $0xb8;
	[tilespmem:$0x5900] =	vst v63  }
0xc1: {  	_ =	swait.ge [sflag:s20], $0x80  }
0xc2: {  	[sflag:s20] =	ssyncset.done $0x0  }
.Ltmp2:
0xc3: {  	s1 =	sadd.s32 $0x600, s0;
	[sflag:s20] =	ssyncadd.s32 $0xFFFFFF80;
	(pc) =	sbr.rel @p1 .LBB2_6-.Ltmp2, $4  }
0xc4: {  	[tilespmem:s24], [sflag:$0x1] =	stream.indirect.gather [spmem:s2], $0x1, s1, s16, $0xb8;
	[tilespmem:$0x5900] =	vst v63  }
0xc5: {  	_ =	swait.ge [sflag:s21], $0x80  }
0xc6: {  	[sflag:s21] =	ssyncset.done $0x0  }
0xc7: {  	s0 =	sadd.s32 $0x680, s0;
	[sflag:s21] =	ssyncadd.s32 $0xFFFFFF80  }
0xc8: {  	[tilespmem:s26], [sflag:$0x2] =	stream.indirect.gather [spmem:s2], $0x1, s0, s16, $0xb8;
	[tilespmem:$0x5900] =	vst v63  }
0xc9: {  	_ =	swait.ge [sflag:s18], $0x80  }
0xca: {  	[sflag:s18] =	ssyncset.done $0x0  }
0xcb: {  	[sflag:s18] =	ssyncadd.s32 $0xFFFFFF80  }
0xcc: {  	[spmem:s3] =	stream.indirect.scatter.add.f32 [tilespmem:s24], [sflag:$0x3], $0x1, s28, s16, $0xb8;
	[tilespmem:$0x5900] =	vst v63  }
0xcd: {  	_ =	swait.ge [sflag:s19], $0x80  }
0xce: {  	[sflag:s19] =	ssyncset.done $0x0  }
0xcf: {  	[sflag:s19] =	ssyncadd.s32 $0xFFFFFF80  }
0xd0: {  	[spmem:s3] =	stream.indirect.scatter.add.f32 [tilespmem:s26], [sflag:$0x4], $0x1, s29, s16, $0xb8;
	[tilespmem:$0x5900] =	vst v63  }
0xd1: {  	_ =	swait.ge [sflag:s20], $0x80  }
0xd2: {  	[sflag:s20] =	ssyncset.done $0x0  }
0xd3: {  	[sflag:s20] =	ssyncadd.s32 $0xFFFFFF80  }
0xd4: {  	_ =	swait.ge [sflag:s21], $0x80  }
0xd5: {  	[sflag:s21] =	ssyncset.done $0x0  }
0xd6: {  	s30 =	sadd.s32 $0x1, s30;
	[sflag:s21] =	ssyncadd.s32 $0xFFFFFF80  }
0xd7: {  	s0 =	sshrl.u32 @!p0 s8, $0x3;
	p1 =	sne.s32 s30, s11;
	[bflag:$0x0] =	sbarrier.arrive $0xFFFF  }
0xd8: {  	[hbm:s10], [sflag:s22] =	dma.local @!p0 [spmem:s0], $0x50  }
.Ltmp3:
0xd9: {  	_ = 	snop;
	(pc) =	sbr.rel @p1 .LBB2_1-.Ltmp3, $4  }
0xda: {  	s0 =	simm.s32 @!p0 $0x5  }
0xdb: {  	_ =	swait.ge @!p0 [sflag:s0], $0x50  }
0xdc: {  	[sflag:s0] =	ssyncset.done @!p0 $0x0  }
0xdd: {  	[sflag:s0] =	ssyncadd.s32 @!p0 $0xFFFFFFB0  }
0xde: {  	_ =	sfence.sel $0x180000  }
0xdf: {  	[bflag:$0x0] =	sbarrier.arrive $0xFFFF  }
0xe0: {  	_ =	strace $0x90000047  }
0xe1: {  	s0 =	stileid.u32;
	[bflag:$0x2] =	sbarrier.arrive $0xFFFF  }
0xe2: {  	p0 =	sne.s32 s0, $0x0;
	s0 =	rddreg [dreg:$0x4]  }
0xe3: {  	s0 =	sadd.s32 @!p0 $0x100000, s0  }
0xe4: {  	[sflag:s0] =	ssyncadd.tile.s32 @!p0 $0x1;
	_ =	shalt  }
.Lfunc_end2:
_tile_overlayer_lowered:
.L_overlay_start_2:
0xe5: {  	(tag) =	ssettag $0x2  }
0xe6: {  	s0 =	rddreg [dreg:$0x0];
	s2 =	stileid.u32  }
0xe7: {  	s1 =	rddreg [dreg:$0x1];
	p0 =	sne.s32 s2, $0x0  }
0xe8: {  	s3 =	rddreg [dreg:$0x2];
	[bflag:$0x3] =	sbarrier.arrive $0xFFFF;
	s2 =	simm.s32 @!p0 $0x1C05  }
0xe9: {  	[timem:s3], [sflag:s2] =	dma.local @!p0 [hbm:s0], s1  }
0xea: {  	s0 =	simm.s32 @!p0 $0x5  }
0xeb: {  	_ =	swait.ge @!p0 [sflag:s0], s1  }
0xec: {  	s1 =	ssub.s32 @!p0 $0x0, s1;
	[sflag:s0] =	ssyncset.done @!p0 $0x0  }
0xed: {  	[sflag:s0] =	ssyncadd.s32 @!p0 s1  }
0xee: {  	[bflag:$0x3] =	sbarrier.arrive $0xFFFF  }
0xef: {  	_ =	shalt  }

// kernel: kernel.13.cloned.1.call-start
scs
__scs_entry_jumppad:
0x0: {  	(pc) =	sbr.rel $0x88, $3  }
0x1: {  	(tag) =	ssettag $0x0;
	lr =	simm.s32 $0x1  }
0x2: {  	[smem:$0x3F99] =	sst lr;
	_ =	strace $0xD0000000  }
0x3: {  	_ = 	snop  }
0x4: {  	_ = 	snop  }
0x5: {  	_ = 	snop  }
0x6: {  	_ = 	snop  }
0x7: {  	_ = 	snop  }
__scs_overlays_trampoline_lowered:
0x8: {  	[smem:$0x3FA8] =	sst s0  }
0x9: {  	[smem:$0x3FA9] =	sst s1  }
0xa: {  	[smem:$0x3FAA] =	sst s2  }
0xb: {  	[smem:$0x3FAB] =	sst s3  }
0xc: {  	[smem:$0x3FAC] =	sst s4  }
0xd: {  	[smem:$0x3FAD] =	sst s5  }
0xe: {  	[smem:$0x3FAE] =	sst s6  }
0xf: {  	[smem:$0x3FAF] =	sst s7  }
0x10: {  	[smem:$0x3FB0] =	sst s8  }
0x11: {  	[smem:$0x3FB1] =	sst s9;
	s0 =	simm.s32 @!p0 $0x0  }
0x12: {  	s1 =	sld [smem:$0x3F97];
	s0 =	simm.s32 @p0 $0x1  }
0x13: {  	[smem:$0x3FB2] =	sst s0;
	s0 =	simm.s32 @!p1 $0x0  }
0x14: {  	s2 =	sld [smem:$0x3F96];
	s0 =	simm.s32 @p1 $0x1  }
0x15: {  	[smem:$0x3FB3] =	sst s0;
	s0 =	simm.s32 @!p2 $0x0  }
0x16: {  	s3 =	sld [smem:$0x3FDB];
	s0 =	simm.s32 @p2 $0x1  }
0x17: {  	s4 =	simm.s32 $0x1BF5;
	[smem:$0x3FB5] =	sst s0  }
0x18: {  	s0 =	sld [smem:$0x3F98];
	_ =	swait.ge [sflag:s4], $0x0  }
0x19: {  	s7 =	sld [smem:$0x3F99]  }
0x1a: {  	s8 =	sadd.s32 $0xFFFFE003, lr  }
0x1b: {  	s9 =	sadd.s32 $0xFFFFFEF7, lr;
	s5 =	simm.s32 $0xFFFFFFFF;
	p2 =	slt.u32 s8, $0xFFFFF086  }
0x1c: {  	p1 =	slt.u32 s9, $0xF7A;
	s5 =	simm.s32 @!p2 $0x0  }
0x1d: {  	s5 =	simm.s32 @p1 $0x1;
	p0 =	seq.s32 s7, s2  }
0x1e: {  	s7 =	smul.u32 @!p0 $0xF7A, s2;
	p2 =	seq.s32 @!p0 s5, $0x0  }
0x1f: {  	s9 =	smul.u32 $0xF7A, s1;
	s8 =	simm.s32 @!p0 $0x1BF5;
	p2 =	por !p2, p0  }
0x20: {  	[sflag:s8] =	ssyncset.s32 @!p0 $0xFFFFF086;
	s6 =	sadd.s32 @!p0 s3, s7;
	s7 =	simm.s32 @!p0 $0x108  }
0x21: {  	s3 =	sadd.s32 s3, s9;
	s6 =	sadd.s32 @!p0 $0x88, s6;
	s7 =	simm.s32 @p2 $0x1082  }
0x22: {  	[simem:s7], [sflag:s8] =	dma.local @!p0 [hbm:s6], $0xF7A  }
0x23: {  	s9 =	sor.u32 $0xD0000000, s2;
	s6 =	simm.s32 $0x108;
	_ =	swait.ge @!p0 [sflag:s8], $0x0  }
0x24: {  	s3 =	sadd.s32 $0x88, s3;
	s6 =	simm.s32 @!p1 $0x1082;
	[sflag:s4] =	ssyncset.s32 $0xFFFFF086  }
0x25: {  	[simem:s6], [sflag:s4] =	dma.local [hbm:s3], $0xF7A  }
0x26: {  	[smem:$0x3F99] =	sst s1;
	(tag) =	ssettag s2;
	_ =	strace s9  }
0x27: {  	s1 =	sld [smem:$0x3FA9]  }
0x28: {  	s2 =	sld [smem:$0x3FAA]  }
0x29: {  	s4 =	sld [smem:$0x3FAC]  }
0x2a: {  	p0 =	seq.s32 s5, $0x0;
	s5 =	sld [smem:$0x3FAD]  }
0x2b: {  	s6 =	sld [smem:$0x3FAE]  }
0x2c: {  	s7 =	sld [smem:$0x3FAF]  }
0x2d: {  	s3 =	simm.s32 $0x108;
	s8 =	sld [smem:$0x3FB0]  }
0x2e: {  	s3 =	simm.s32 @!p0 $0x1082;
	s9 =	sld [smem:$0x3FB1]  }
0x2f: {  	lr =	sadd.s32 s0, s3;
	s0 =	sld [smem:$0x3FA8]  }
0x30: {  	s3 =	sld [smem:$0x3FAB]  }
0x31: {  	[smem:$0x3FB4] =	sst s10  }
0x32: {  	s10 =	sld [smem:$0x3FB2];
	_ =	sdelay $0x3  }
0x33: {  	p0 =	seq.s32 s10, $0x1;
	s10 =	sld [smem:$0x3FB4];
	_ =	sdelay $0x3  }
0x34: {  	[smem:$0x3FB4] =	sst s10  }
0x35: {  	s10 =	sld [smem:$0x3FB3];
	_ =	sdelay $0x3  }
0x36: {  	p1 =	seq.s32 s10, $0x1;
	s10 =	sld [smem:$0x3FB4];
	_ =	sdelay $0x3  }
0x37: {  	[smem:$0x3FB4] =	sst s10  }
0x38: {  	s10 =	sld [smem:$0x3FB5]  }
0x39: {  	_ = 	snop;
	(pc) =	sbr.ind lr, $3  }
0x3a: {  	_ = 	snop  }
0x3b: {  	_ = 	snop  }
0x3c: {  	p2 =	seq.s32 s10, $0x1;
	s10 =	sld [smem:$0x3FB4]  }
0x3d: {  	_ =	shalt  }
0x3e: {  	_ =	shalt  }
0x3f: {  	_ =	shalt  }
0x40: {  	_ =	shalt  }
0x41: {  	_ =	shalt  }
0x42: {  	_ =	shalt  }
0x43: {  	_ =	shalt  }
0x44: {  	_ =	shalt  }
0x45: {  	_ =	shalt  }
0x46: {  	_ =	shalt  }
0x47: {  	_ =	shalt  }
0x48: {  	_ =	shalt  }
0x49: {  	_ =	shalt  }
0x4a: {  	_ =	shalt  }
0x4b: {  	_ =	shalt  }
0x4c: {  	_ =	shalt  }
0x4d: {  	_ =	shalt  }
0x4e: {  	_ =	shalt  }
0x4f: {  	_ =	shalt  }
0x50: {  	_ =	shalt  }
0x51: {  	_ =	shalt  }
0x52: {  	_ =	shalt  }
0x53: {  	_ =	shalt  }
0x54: {  	_ =	shalt  }
0x55: {  	_ =	shalt  }
0x56: {  	_ =	shalt  }
0x57: {  	_ =	shalt  }
0x58: {  	_ =	shalt  }
0x59: {  	_ =	shalt  }
0x5a: {  	_ =	shalt  }
0x5b: {  	_ =	shalt  }
0x5c: {  	_ =	shalt  }
0x5d: {  	_ =	shalt  }
0x5e: {  	_ =	shalt  }
0x5f: {  	_ =	shalt  }
0x60: {  	_ =	shalt  }
0x61: {  	_ =	shalt  }
0x62: {  	_ =	shalt  }
0x63: {  	_ =	shalt  }
0x64: {  	_ =	shalt  }
0x65: {  	_ =	shalt  }
0x66: {  	_ =	shalt  }
0x67: {  	_ =	shalt  }
0x68: {  	_ =	shalt  }
0x69: {  	_ =	shalt  }
0x6a: {  	_ =	shalt  }
0x6b: {  	_ =	shalt  }
0x6c: {  	_ =	shalt  }
0x6d: {  	_ =	shalt  }
0x6e: {  	_ =	shalt  }
0x6f: {  	_ =	shalt  }
0x70: {  	_ =	shalt  }
0x71: {  	_ =	shalt  }
0x72: {  	_ =	shalt  }
0x73: {  	_ =	shalt  }
0x74: {  	_ =	shalt  }
0x75: {  	_ =	shalt  }
0x76: {  	_ =	shalt  }
0x77: {  	_ =	shalt  }
0x78: {  	_ =	shalt  }
0x79: {  	_ =	shalt  }
0x7a: {  	_ =	shalt  }
0x7b: {  	_ =	shalt  }
0x7c: {  	_ =	shalt  }
0x7d: {  	_ =	shalt  }
0x7e: {  	_ =	shalt  }
0x7f: {  	_ =	shalt  }
0x80: {  	_ =	shalt  }
0x81: {  	_ =	shalt  }
0x82: {  	_ =	shalt  }
0x83: {  	_ =	shalt  }
0x84: {  	_ =	shalt  }
0x85: {  	_ =	shalt  }
0x86: {  	_ =	shalt  }
0x87: {  	_ =	shalt  }
.Lfunc_end0:
.L_simem_size_0:
called_computation.1_lowered:
.L_overlay_start_0:
0x88: {  	s2 =	sld [smem:$0x3FD9]  }
0x89: {  	s3 =	sld [smem:$0x3FFE];
	_ =	sdelay $0x1  }
0x8a: {  	s1 =	srdreg.scid  }
0x8b: {  	s0 =	sand.u32 $0x1, s1  }
0x8c: {  	s17 =	sshll.u32 s0, $0xA;
	s2 =	sadd.s32 s3, s2  }
0x8d: {  	s2 =	sadd.s32 s2, s17  }
0x8e: {  	[smem:$0x3FC0] =	sst s2  }
0x8f: {  	_ = 	snop  }
0x90: {  	s2 =	sld [smem:$0x3FD0];
	(tm) =	ssettm $0x1  }
0x91: {  	s18 =	sld [smem:$0x3FFB];
	_ =	sdelay $0x3  }
0x92: {  	_ =	strace s18  }
0x93: {  	s3 =	sld [smem:$0x3FFC];
	_ =	sdelay $0x3  }
0x94: {  	_ =	strace s3  }
0x95: {  	s3 =	sld [smem:$0x3FFD];
	_ =	sdelay $0x3  }
0x96: {  	_ =	strace s3  }
0x97: {  	_ =	strace $0x8FFFFFFF  }
0x98: {  	s19 =	sld [smem:$0x3FDB];
	_ =	sdelay $0x1  }
0x99: {  	s4 =	simm.s32 $_scs_section_size  }
0x9a: {  	s5 =	simm.s32 $_size__tile_overlayer_lowered;
	s6 =	simm.s32 $_tile_overlayer_lowered  }
0x9b: {  	s22 =	simm.s32 $0x1BFF;
	s21 =	sshll.u32 s6, $0x1;
	s3 =	sadd.s32 s4, s19  }
0x9c: {  	s7 =	simm.s32 $0x0;
	s20 =	sshll.u32 s5, $0x1;
	s5 =	sadd.s32 s21, s3  }
0x9d: {  	[timem:s7], [sflag:s22] =	dma.local [hbm:s5], s20  }
0x9e: {  	_ =	swait.ge [sflag:s22], s20  }
0x9f: {  	s4 =	ssub.s32 $0x0, s20;
	[sflag:s22] =	ssyncset.done $0x0  }
0xa0: {  	[sflag:s22] =	ssyncadd.s32 s4;
	_ =	sdelay $0x1  }
0xa1: {  	s23 =	simm.s32 $0x1B8B  }
0xa2: {  	_ =	swait.ge [sflag:s23], $0x1  }
0xa3: {  	[sflag:s23] =	ssyncset.done $0x0  }
0xa4: {  	s25 =	simm.s32 $0x1B8E;
	s24 =	sld [smem:$0x3FFE];
	[sflag:s23] =	ssyncadd.s32 $0xFFFFFFFF  }
0xa5: {  	s26 =	simm.s32 $execute0_lowered;
	[smem:$0x3FD2] =	sst s25  }
0xa6: {  	s5 =	sshll.u32 s26, $0x1;
	_ =	strace $0x80000049;
	[dreg:$0x1] =	wrdreg $0xFFFFFFFF  }
0xa7: {  	s28 =	simm.s32 $_size_execute0_lowered;
	s3 =	sadd.s32 s3, s5;
	[dreg:$0x0] =	wrdreg $0x0  }
0xa8: {  	s5 =	sshll.u32 s28, $0x1;
	[dreg:$0x2] =	wrdreg s3  }
0xa9: {  	[dreg:$0x3] =	wrdreg s5  }
0xaa: {  	[dreg:$0x4] =	wrdreg $0xC0  }
0xab: {  	_ =	task [dreg:s7], $0x5FFFF  }
0xac: {  	[dreg:$0x1] =	wrdreg $0xFFFFFFFF  }
0xad: {  	[dreg:$0x0] =	wrdreg $0x60  }
0xae: {  	[dreg:$0x2] =	wrdreg s24  }
0xaf: {  	[dreg:$0x3] =	wrdreg s2  }
0xb0: {  	[dreg:$0x4] =	wrdreg $0x0  }
0xb1: {  	[dreg:$0x5] =	wrdreg $0x9  }
0xb2: {  	_ =	task.clear_ibuf [dreg:s7], $0x6FFFF;
	_ =	strace $0x90000049  }
0xb3: {  	s29 =	simm.s32 $0x9;
	_ =	strace $0x8000004B  }
0xb4: {  	_ =	swait.ge [sflag:s29], $0x1  }
0xb5: {  	[sflag:s29] =	ssyncadd.s32 $0xFFFFFFFF  }
0xb6: {  	_ =	strace $0x9000004B  }
0xb7: {  	_ =	sfence  }
0xb8: {  	s30 =	sld [smem:$0x0];
	_ =	sdelay $0x2  }
0xb9: {  	s31 =	sshll.u32 s1, $0xD;
	s1 =	sshrl.u32 s1, $0x2  }
0xba: {  	s3 =	sand.u32 $0x4000, s31;
	s1 =	sadd.s32 s1, s30  }
0xbb: {  	s0 =	sor.u32 s3, s0;
	s1 =	sshll.u32 s1, $0x11  }
0xbc: {  	s0 =	sor.u32 s1, s0  }
0xbd: {  	s0 =	sadd.s32 $0x8F2B, s0  }
0xbe: {  	[sflag:s0] =	ssyncadd.remote.s32 $0x1  }
0xbf: {  	_ =	sfence.sel $0xFFFF  }
0xc0: {  	[dreg:$0x0] =	wrdreg $0xFFFFFFFF;
	(pc) =	sbr.abs _section_cstart, $3  }
0xc1: {  	[dreg:$0x1] =	wrdreg $0xFFFFFFFF  }
0xc2: {  	_ =	task.clear_ibuf [dreg:s7], $0x2FFFF;
	_ =	strace $0x9FFFFFFF  }
0xc3: {  	(tm) =	ssettm $0x7FFFFFFF  }
tec
execute0_lowered:
.L_overlay_start_1:
0x0: {  	(tag) =	ssettag $0x1  }
0x1: {  	s6 =	rddreg [dreg:$0x0]  }
0x2: {  	s0 =	srdreg.scid;
	s7 =	rddreg [dreg:$0x1]  }
0x3: {  	s2 =	rddreg [dreg:$0x2];
	s3 =	simm.s32 $0x0;
	s15 =	simm.s32 $0x80  }
0x4: {  	s16 =	simm.s32 $0x16800;
	s17 =	simm.s32 $0x14080;
	s18 =	simm.s32 $0x1A800  }
0x5: {  	s19 =	simm.s32 $0x1;
	s20 =	simm.s32 $0x2;
	s21 =	simm.s32 $0x3  }
0x6: {  	s22 =	simm.s32 $0x4;
	s23 =	simm.s32 $0x16700;
	s24 =	simm.s32 $0x16780  }
0x7: {  	s25 =	simm.s32 $0x0;
	s5 =	sand.u32 $0x1, s0;
	s0 =	stileid.u32  }
0x8: {  	[smem:$0x7FF] =	sst s3;
	s4 =	sadd.s32 $0x7C00, s6;
	s9 =	smul.u32 $0x140000, s5  }
0x9: {  	s1 =	sshll.u32 s5, $0x4;
	s10 =	smul.u32 $0x14000, s0;
	s29 =	ssub.s32 $0x2, s5  }
0xa: {  	s12 =	smul.u32 $0x50000, s0;
	s5 =	sadd.s32 $0x2FC00, s6;
	s13 =	sshll.u32 s0, $0x6  }
0xb: {  	s1 =	sor.u32 s0, s1;
	s30 =	sshrl.u32 s29, $0x1;
	s13 =	sor.u32 $0x1C05, s13  }
0xc: {  	s8 =	smul.u32 $0x280, s1;
	s1 =	rddreg [dreg:$0x3];
	_ =	strace $0x8000004A  }
0xd: {  	s9 =	sadd.s32 s10, s9;
	s10 =	ssub.s32 s29, s30;
	s31 =	sshrl.u32 s12, $0x2  }
0xe: {  	s12 =	simm.s32 $0x15400;
	s9 =	sshrl.u32 s9, $0x3;
	s14 =	sadd.s32 s31, s2  }
0xf: {  	s11 =	sadd.s32 s8, s6;
	s9 =	sadd.s32 s9, s6;
	s7 =	sadd.s32 s7, s8  }
0x10: {  	s14 =	sshrl.u32 s14, $0x3;
	s6 =	sadd.s32 $0x2C00, s11;
	s8 =	sadd.s32 $0x32400, s9  }
0x11: {  	s9 =	smax.u32 s10, $0x1;
	s10 =	simm.s32 $0x14000;
	s11 =	simm.s32 $0x5  }
.LBB2_1:
0x12: {  	[tilespmem:s10], [sflag:$0x5] =	stream.linear.gather [hbm4b:s6+s3], $0x1400, $0x38;
	[tilespmem:$0x1E800] =	vst v63  }
0x13: {  	_ =	swait.ge [sflag:s11], $0x1400  }
0x14: {  	[sflag:s11] =	ssyncset.done $0x0  }
0x15: {  	[sflag:s11] =	ssyncadd.s32 $0xFFFFEC00  }
0x16: {  	[tilespmem:s12], [sflag:$0x5] =	stream.linear.gather [hbm4b:s7+s3], $0x1400, $0x38;
	[tilespmem:$0x1E800] =	vst v63  }
0x17: {  	_ =	swait.ge [sflag:s11], $0x1400  }
0x18: {  	[sflag:s11] =	ssyncset.done $0x0  }
0x19: {  	[sflag:s11] =	ssyncadd.s32 $0xFFFFEC00  }
0x1a: {  	[spmem:s14], [sflag:s13] =	dma.local [hbm:s5], $0x2800  }
0x1b: {  	_ =	swait.ge [sflag:s11], $0x2800  }
0x1c: {  	[sflag:s11] =	ssyncset.done $0x0  }
0x1d: {  	[sflag:s11] =	ssyncadd.s32 $0xFFFFD800  }
0x1e: {  	[bflag:$0x0] =	sbarrier.arrive $0xFFFF  }
0x1f: {  	[tilespmem:s16], [sflag:$0x1] =	stream.indirect.gather [hbm4b:s4+s15], $0x80, s10, s15, $0xb8;
	[tilespmem:$0x1E800] =	vst v63  }
0x20: {  	_ = 	snop  }
0x21: {  	[tilespmem:s18], [sflag:$0x2] =	stream.indirect.gather [hbm4b:s4+s15], $0x80, s17, s15, $0xb8;
	[tilespmem:$0x1E800] =	vst v63  }
0x22: {  	_ =	swait.ge [sflag:s19], $0x4000  }
0x23: {  	[sflag:s19] =	ssyncset.done $0x0  }
0x24: {  	s26 =	simm.s32 $0x15400;
	[sflag:s19] =	ssyncadd.s32 $0xFFFFC000  }
0x25: {  	[spmem:s2] =	stream.indirect.scatter.add.f32 [tilespmem:s16], [sflag:$0x3], $0x80, s26, s15, $0xb8;
	[tilespmem:$0x1E800] =	vst v63  }
0x26: {  	_ =	swait.ge [sflag:s20], $0x4000  }
0x27: {  	[sflag:s20] =	ssyncset.done $0x0  }
0x28: {  	s30 =	simm.s32 $0x15480;
	[sflag:s20] =	ssyncadd.s32 $0xFFFFC000  }
0x29: {  	[spmem:s2] =	stream.indirect.scatter.add.f32 [tilespmem:s18], [sflag:$0x4], $0x80, s30, s15, $0xb8;
	[tilespmem:$0x1E800] =	vst v63  }
0x2a: {  	_ =	swait.ge [sflag:s21], $0x4000  }
0x2b: {  	[sflag:s21] =	ssyncset.done $0x0  }
0x2c: {  	s31 =	simm.s32 $0x14100;
	[sflag:s21] =	ssyncadd.s32 $0xFFFFC000  }
0x2d: {  	[tilespmem:s16], [sflag:$0x1] =	stream.indirect.gather [hbm4b:s4+s15], $0x80, s31, s15, $0xb8;
	[tilespmem:$0x1E800] =	vst v63  }
0x2e: {  	_ =	swait.ge [sflag:s22], $0x4000  }
0x2f: {  	[sflag:s22] =	ssyncset.done $0x0  }
0x30: {  	s28 =	simm.s32 $0x14180;
	s26 =	simm.s32 $0x400;
	[sflag:s22] =	ssyncadd.s32 $0xFFFFC000  }
.LBB2_2:
0x31: {  	[tilespmem:s18], [sflag:$0x2] =	stream.indirect.gather [hbm4b:s4+s15], $0x80, s28, s15, $0xb8;
	[tilespmem:$0x1E800] =	vst v63  }
0x32: {  	s28 =	smov.u32 s26  }
0x33: {  	p0 =	sne.s32 s26, $0x4800;
	s26 =	sadd.s32 $0x400, s26;
	_ =	swait.ge [sflag:s19], $0x4000  }
0x34: {  	s28 =	sshra.s32 s28, $0x2;
	[sflag:s19] =	ssyncset.done $0x0  }
0x35: {  	s29 =	sadd.s32 $0x15400, s28;
	[sflag:s19] =	ssyncadd.s32 $0xFFFFC000  }
0x36: {  	[spmem:s2] =	stream.indirect.scatter.add.f32 [tilespmem:s16], [sflag:$0x3], $0x80, s29, s15, $0xb8;
	[tilespmem:$0x1E800] =	vst v63  }
0x37: {  	_ =	swait.ge [sflag:s20], $0x4000  }
0x38: {  	[sflag:s20] =	ssyncset.done $0x0  }
0x39: {  	s29 =	sadd.s32 $0x15480, s28;
	[sflag:s20] =	ssyncadd.s32 $0xFFFFC000  }
0x3a: {  	[spmem:s2] =	stream.indirect.scatter.add.f32 [tilespmem:s18], [sflag:$0x4], $0x80, s29, s15, $0xb8;
	[tilespmem:$0x1E800] =	vst v63  }
0x3b: {  	_ =	swait.ge [sflag:s21], $0x4000  }
0x3c: {  	[sflag:s21] =	ssyncset.done $0x0  }
.Ltmp0:
0x3d: {  	s29 =	sadd.s32 $0x14100, s28;
	[sflag:s21] =	ssyncadd.s32 $0xFFFFC000;
	(pc) =	sbr.rel @p0 .LBB2_2-.Ltmp0, $4  }
0x3e: {  	[tilespmem:s16], [sflag:$0x1] =	stream.indirect.gather [hbm4b:s4+s15], $0x80, s29, s15, $0xb8;
	[tilespmem:$0x1E800] =	vst v63  }
0x3f: {  	_ =	swait.ge [sflag:s22], $0x4000  }
0x40: {  	[sflag:s22] =	ssyncset.done $0x0  }
0x41: {  	s28 =	sadd.s32 $0x14180, s28;
	[sflag:s22] =	ssyncadd.s32 $0xFFFFC000  }
0x42: {  	[tilespmem:s18], [sflag:$0x2] =	stream.indirect.gather [hbm4b:s4+s15], $0x80, s28, s15, $0xb8;
	[tilespmem:$0x1E800] =	vst v63  }
0x43: {  	_ =	swait.ge [sflag:s19], $0x4000  }
0x44: {  	[sflag:s19] =	ssyncset.done $0x0  }
0x45: {  	[sflag:s19] =	ssyncadd.s32 $0xFFFFC000  }
0x46: {  	[spmem:s2] =	stream.indirect.scatter.add.f32 [tilespmem:s16], [sflag:$0x3], $0x80, s23, s15, $0xb8;
	[tilespmem:$0x1E800] =	vst v63  }
0x47: {  	_ =	swait.ge [sflag:s20], $0x4000  }
0x48: {  	[sflag:s20] =	ssyncset.done $0x0  }
0x49: {  	[sflag:s20] =	ssyncadd.s32 $0xFFFFC000  }
0x4a: {  	[spmem:s2] =	stream.indirect.scatter.add.f32 [tilespmem:s18], [sflag:$0x4], $0x80, s24, s15, $0xb8;
	[tilespmem:$0x1E800] =	vst v63  }
0x4b: {  	_ =	swait.ge [sflag:s21], $0x4000  }
0x4c: {  	[sflag:s21] =	ssyncset.done $0x0  }
0x4d: {  	[sflag:s21] =	ssyncadd.s32 $0xFFFFC000  }
0x4e: {  	_ =	swait.ge [sflag:s22], $0x4000  }
0x4f: {  	s25 =	sadd.s32 $0x1, s25;
	[sflag:s22] =	ssyncset.done $0x0  }
0x50: {  	p0 =	sne.s32 s25, s9;
	[sflag:s22] =	ssyncadd.s32 $0xFFFFC000  }
.Ltmp1:
0x51: {  	[bflag:$0x0] =	sbarrier.arrive $0xFFFF;
	(pc) =	sbr.rel @p0 .LBB2_1-.Ltmp1, $4  }
0x52: {  	[hbm:s8], [sflag:s13] =	dma.local [spmem:s14], $0x2800  }
0x53: {  	_ =	swait.ge [sflag:s11], $0x2800  }
0x54: {  	[sflag:s11] =	ssyncset.done $0x0  }
0x55: {  	[sflag:s11] =	ssyncadd.s32 $0xFFFFD800  }
0x56: {  	_ =	sfence.sel $0x180000  }
0x57: {  	[bflag:$0x0] =	sbarrier.arrive $0xFFFF  }
0x58: {  	p0 =	sne.s32 s0, $0x0;
	_ =	strace $0x9000004A  }
0x59: {  	s0 =	sadd.s32 @!p0 $0x100000, s1;
	[bflag:$0x2] =	sbarrier.arrive $0xFFFF  }
0x5a: {  	[sflag:s0] =	ssyncadd.tile.s32 @!p0 $0x1;
	_ =	shalt  }
.Lfunc_end2:
_tile_overlayer_lowered:
.L_overlay_start_2:
0x5b: {  	(tag) =	ssettag $0x2  }
0x5c: {  	s0 =	rddreg [dreg:$0x0];
	s2 =	stileid.u32  }
0x5d: {  	s1 =	rddreg [dreg:$0x1];
	p0 =	sne.s32 s2, $0x0  }
0x5e: {  	s3 =	rddreg [dreg:$0x2];
	[bflag:$0x3] =	sbarrier.arrive $0xFFFF;
	s2 =	simm.s32 @!p0 $0x1C05  }
0x5f: {  	[timem:s3], [sflag:s2] =	dma.local @!p0 [hbm:s0], s1  }
0x60: {  	s0 =	simm.s32 @!p0 $0x5  }
0x61: {  	_ =	swait.ge @!p0 [sflag:s0], s1  }
0x62: {  	s1 =	ssub.s32 @!p0 $0x0, s1;
	[sflag:s0] =	ssyncset.done @!p0 $0x0  }
0x63: {  	[sflag:s0] =	ssyncadd.s32 @!p0 s1  }
0x64: {  	[bflag:$0x3] =	sbarrier.arrive $0xFFFF  }
0x65: {  	_ =	shalt  }

// kernel: kernel.16.cloned.1.call-start
scs
__scs_entry_jumppad:
0x0: {  	(pc) =	sbr.rel $0x88, $3  }
0x1: {  	(tag) =	ssettag $0x0;
	lr =	simm.s32 $0x1  }
0x2: {  	[smem:$0x3F99] =	sst lr;
	_ =	strace $0xD0000000  }
0x3: {  	_ = 	snop  }
0x4: {  	_ = 	snop  }
0x5: {  	_ = 	snop  }
0x6: {  	_ = 	snop  }
0x7: {  	_ = 	snop  }
__scs_overlays_trampoline_lowered:
0x8: {  	[smem:$0x3FA8] =	sst s0  }
0x9: {  	[smem:$0x3FA9] =	sst s1  }
0xa: {  	[smem:$0x3FAA] =	sst s2  }
0xb: {  	[smem:$0x3FAB] =	sst s3  }
0xc: {  	[smem:$0x3FAC] =	sst s4  }
0xd: {  	[smem:$0x3FAD] =	sst s5  }
0xe: {  	[smem:$0x3FAE] =	sst s6  }
0xf: {  	[smem:$0x3FAF] =	sst s7  }
0x10: {  	[smem:$0x3FB0] =	sst s8  }
0x11: {  	[smem:$0x3FB1] =	sst s9;
	s0 =	simm.s32 @!p0 $0x0  }
0x12: {  	s1 =	sld [smem:$0x3F97];
	s0 =	simm.s32 @p0 $0x1  }
0x13: {  	[smem:$0x3FB2] =	sst s0;
	s0 =	simm.s32 @!p1 $0x0  }
0x14: {  	s2 =	sld [smem:$0x3F96];
	s0 =	simm.s32 @p1 $0x1  }
0x15: {  	[smem:$0x3FB3] =	sst s0;
	s0 =	simm.s32 @!p2 $0x0  }
0x16: {  	s3 =	sld [smem:$0x3FDB];
	s0 =	simm.s32 @p2 $0x1  }
0x17: {  	s4 =	simm.s32 $0x1BF5;
	[smem:$0x3FB5] =	sst s0  }
0x18: {  	s0 =	sld [smem:$0x3F98];
	_ =	swait.ge [sflag:s4], $0x0  }
0x19: {  	s7 =	sld [smem:$0x3F99]  }
0x1a: {  	s8 =	sadd.s32 $0xFFFFE003, lr  }
0x1b: {  	s9 =	sadd.s32 $0xFFFFFEF7, lr;
	s5 =	simm.s32 $0xFFFFFFFF;
	p2 =	slt.u32 s8, $0xFFFFF086  }
0x1c: {  	p1 =	slt.u32 s9, $0xF7A;
	s5 =	simm.s32 @!p2 $0x0  }
0x1d: {  	s5 =	simm.s32 @p1 $0x1;
	p0 =	seq.s32 s7, s2  }
0x1e: {  	s7 =	smul.u32 @!p0 $0xF7A, s2;
	p2 =	seq.s32 @!p0 s5, $0x0  }
0x1f: {  	s9 =	smul.u32 $0xF7A, s1;
	s8 =	simm.s32 @!p0 $0x1BF5;
	p2 =	por !p2, p0  }
0x20: {  	[sflag:s8] =	ssyncset.s32 @!p0 $0xFFFFF086;
	s6 =	sadd.s32 @!p0 s3, s7;
	s7 =	simm.s32 @!p0 $0x108  }
0x21: {  	s3 =	sadd.s32 s3, s9;
	s6 =	sadd.s32 @!p0 $0x88, s6;
	s7 =	simm.s32 @p2 $0x1082  }
0x22: {  	[simem:s7], [sflag:s8] =	dma.local @!p0 [hbm:s6], $0xF7A  }
0x23: {  	s9 =	sor.u32 $0xD0000000, s2;
	s6 =	simm.s32 $0x108;
	_ =	swait.ge @!p0 [sflag:s8], $0x0  }
0x24: {  	s3 =	sadd.s32 $0x88, s3;
	s6 =	simm.s32 @!p1 $0x1082;
	[sflag:s4] =	ssyncset.s32 $0xFFFFF086  }
0x25: {  	[simem:s6], [sflag:s4] =	dma.local [hbm:s3], $0xF7A  }
0x26: {  	[smem:$0x3F99] =	sst s1;
	(tag) =	ssettag s2;
	_ =	strace s9  }
0x27: {  	s1 =	sld [smem:$0x3FA9]  }
0x28: {  	s2 =	sld [smem:$0x3FAA]  }
0x29: {  	s4 =	sld [smem:$0x3FAC]  }
0x2a: {  	p0 =	seq.s32 s5, $0x0;
	s5 =	sld [smem:$0x3FAD]  }
0x2b: {  	s6 =	sld [smem:$0x3FAE]  }
0x2c: {  	s7 =	sld [smem:$0x3FAF]  }
0x2d: {  	s3 =	simm.s32 $0x108;
	s8 =	sld [smem:$0x3FB0]  }
0x2e: {  	s3 =	simm.s32 @!p0 $0x1082;
	s9 =	sld [smem:$0x3FB1]  }
0x2f: {  	lr =	sadd.s32 s0, s3;
	s0 =	sld [smem:$0x3FA8]  }
0x30: {  	s3 =	sld [smem:$0x3FAB]  }
0x31: {  	[smem:$0x3FB4] =	sst s10  }
0x32: {  	s10 =	sld [smem:$0x3FB2];
	_ =	sdelay $0x3  }
0x33: {  	p0 =	seq.s32 s10, $0x1;
	s10 =	sld [smem:$0x3FB4];
	_ =	sdelay $0x3  }
0x34: {  	[smem:$0x3FB4] =	sst s10  }
0x35: {  	s10 =	sld [smem:$0x3FB3];
	_ =	sdelay $0x3  }
0x36: {  	p1 =	seq.s32 s10, $0x1;
	s10 =	sld [smem:$0x3FB4];
	_ =	sdelay $0x3  }
0x37: {  	[smem:$0x3FB4] =	sst s10  }
0x38: {  	s10 =	sld [smem:$0x3FB5]  }
0x39: {  	_ = 	snop;
	(pc) =	sbr.ind lr, $3  }
0x3a: {  	_ = 	snop  }
0x3b: {  	_ = 	snop  }
0x3c: {  	p2 =	seq.s32 s10, $0x1;
	s10 =	sld [smem:$0x3FB4]  }
0x3d: {  	_ =	shalt  }
0x3e: {  	_ =	shalt  }
0x3f: {  	_ =	shalt  }
0x40: {  	_ =	shalt  }
0x41: {  	_ =	shalt  }
0x42: {  	_ =	shalt  }
0x43: {  	_ =	shalt  }
0x44: {  	_ =	shalt  }
0x45: {  	_ =	shalt  }
0x46: {  	_ =	shalt  }
0x47: {  	_ =	shalt  }
0x48: {  	_ =	shalt  }
0x49: {  	_ =	shalt  }
0x4a: {  	_ =	shalt  }
0x4b: {  	_ =	shalt  }
0x4c: {  	_ =	shalt  }
0x4d: {  	_ =	shalt  }
0x4e: {  	_ =	shalt  }
0x4f: {  	_ =	shalt  }
0x50: {  	_ =	shalt  }
0x51: {  	_ =	shalt  }
0x52: {  	_ =	shalt  }
0x53: {  	_ =	shalt  }
0x54: {  	_ =	shalt  }
0x55: {  	_ =	shalt  }
0x56: {  	_ =	shalt  }
0x57: {  	_ =	shalt  }
0x58: {  	_ =	shalt  }
0x59: {  	_ =	shalt  }
0x5a: {  	_ =	shalt  }
0x5b: {  	_ =	shalt  }
0x5c: {  	_ =	shalt  }
0x5d: {  	_ =	shalt  }
0x5e: {  	_ =	shalt  }
0x5f: {  	_ =	shalt  }
0x60: {  	_ =	shalt  }
0x61: {  	_ =	shalt  }
0x62: {  	_ =	shalt  }
0x63: {  	_ =	shalt  }
0x64: {  	_ =	shalt  }
0x65: {  	_ =	shalt  }
0x66: {  	_ =	shalt  }
0x67: {  	_ =	shalt  }
0x68: {  	_ =	shalt  }
0x69: {  	_ =	shalt  }
0x6a: {  	_ =	shalt  }
0x6b: {  	_ =	shalt  }
0x6c: {  	_ =	shalt  }
0x6d: {  	_ =	shalt  }
0x6e: {  	_ =	shalt  }
0x6f: {  	_ =	shalt  }
0x70: {  	_ =	shalt  }
0x71: {  	_ =	shalt  }
0x72: {  	_ =	shalt  }
0x73: {  	_ =	shalt  }
0x74: {  	_ =	shalt  }
0x75: {  	_ =	shalt  }
0x76: {  	_ =	shalt  }
0x77: {  	_ =	shalt  }
0x78: {  	_ =	shalt  }
0x79: {  	_ =	shalt  }
0x7a: {  	_ =	shalt  }
0x7b: {  	_ =	shalt  }
0x7c: {  	_ =	shalt  }
0x7d: {  	_ =	shalt  }
0x7e: {  	_ =	shalt  }
0x7f: {  	_ =	shalt  }
0x80: {  	_ =	shalt  }
0x81: {  	_ =	shalt  }
0x82: {  	_ =	shalt  }
0x83: {  	_ =	shalt  }
0x84: {  	_ =	shalt  }
0x85: {  	_ =	shalt  }
0x86: {  	_ =	shalt  }
0x87: {  	_ =	shalt  }
.Lfunc_end0:
.L_simem_size_0:
called_computation.2_lowered:
.L_overlay_start_0:
0x88: {  	s2 =	sld [smem:$0x3FD9]  }
0x89: {  	s3 =	sld [smem:$0x3FFE];
	_ =	sdelay $0x1  }
0x8a: {  	s1 =	srdreg.scid  }
0x8b: {  	s0 =	sand.u32 $0x1, s1  }
0x8c: {  	s17 =	sshll.u32 s0, $0xA;
	s2 =	sadd.s32 s3, s2  }
0x8d: {  	s2 =	sadd.s32 s2, s17  }
0x8e: {  	[smem:$0x3FC0] =	sst s2  }
0x8f: {  	_ = 	snop  }
0x90: {  	s2 =	sld [smem:$0x3FD0];
	(tm) =	ssettm $0x1  }
0x91: {  	s18 =	sld [smem:$0x3FFB];
	_ =	sdelay $0x3  }
0x92: {  	_ =	strace s18  }
0x93: {  	s3 =	sld [smem:$0x3FFC];
	_ =	sdelay $0x3  }
0x94: {  	_ =	strace s3  }
0x95: {  	s3 =	sld [smem:$0x3FFD];
	_ =	sdelay $0x3  }
0x96: {  	_ =	strace s3  }
0x97: {  	_ =	strace $0x8FFFFFFF  }
0x98: {  	s19 =	sld [smem:$0x3FDB];
	_ =	sdelay $0x1  }
0x99: {  	s4 =	simm.s32 $_scs_section_size  }
0x9a: {  	s5 =	simm.s32 $_size__tile_overlayer_lowered;
	s6 =	simm.s32 $_tile_overlayer_lowered  }
0x9b: {  	s22 =	simm.s32 $0x1BFF;
	s21 =	sshll.u32 s6, $0x1;
	s3 =	sadd.s32 s4, s19  }
0x9c: {  	s7 =	simm.s32 $0x0;
	s20 =	sshll.u32 s5, $0x1;
	s5 =	sadd.s32 s21, s3  }
0x9d: {  	[timem:s7], [sflag:s22] =	dma.local [hbm:s5], s20  }
0x9e: {  	_ =	swait.ge [sflag:s22], s20  }
0x9f: {  	s4 =	ssub.s32 $0x0, s20;
	[sflag:s22] =	ssyncset.done $0x0  }
0xa0: {  	[sflag:s22] =	ssyncadd.s32 s4;
	_ =	sdelay $0x1  }
0xa1: {  	s23 =	simm.s32 $0x1B8B  }
0xa2: {  	_ =	swait.ge [sflag:s23], $0x1  }
0xa3: {  	[sflag:s23] =	ssyncset.done $0x0  }
0xa4: {  	s25 =	simm.s32 $0x1B8E;
	s24 =	sld [smem:$0x3FFE];
	[sflag:s23] =	ssyncadd.s32 $0xFFFFFFFF  }
0xa5: {  	s26 =	simm.s32 $execute0_lowered;
	[smem:$0x3FD2] =	sst s25  }
0xa6: {  	s5 =	sshll.u32 s26, $0x1;
	_ =	strace $0x8000004C;
	[dreg:$0x1] =	wrdreg $0xFFFFFFFF  }
0xa7: {  	s28 =	simm.s32 $_size_execute0_lowered;
	s3 =	sadd.s32 s3, s5;
	[dreg:$0x0] =	wrdreg $0x0  }
0xa8: {  	s5 =	sshll.u32 s28, $0x1;
	[dreg:$0x2] =	wrdreg s3  }
0xa9: {  	[dreg:$0x3] =	wrdreg s5  }
0xaa: {  	[dreg:$0x4] =	wrdreg $0xC0  }
0xab: {  	_ =	task [dreg:s7], $0x5FFFF  }
0xac: {  	[dreg:$0x1] =	wrdreg $0xFFFFFFFF  }
0xad: {  	[dreg:$0x0] =	wrdreg $0x60  }
0xae: {  	[dreg:$0x2] =	wrdreg s24  }
0xaf: {  	[dreg:$0x3] =	wrdreg s2  }
0xb0: {  	[dreg:$0x4] =	wrdreg $0x0  }
0xb1: {  	[dreg:$0x5] =	wrdreg $0x9  }
0xb2: {  	_ =	task.clear_ibuf [dreg:s7], $0x6FFFF;
	_ =	strace $0x9000004C  }
0xb3: {  	s29 =	simm.s32 $0x9;
	_ =	strace $0x8000004E  }
0xb4: {  	_ =	swait.ge [sflag:s29], $0x1  }
0xb5: {  	[sflag:s29] =	ssyncadd.s32 $0xFFFFFFFF  }
0xb6: {  	_ =	strace $0x9000004E  }
0xb7: {  	_ =	sfence  }
0xb8: {  	s30 =	sld [smem:$0x0];
	_ =	sdelay $0x2  }
0xb9: {  	s31 =	sshll.u32 s1, $0xD;
	s1 =	sshrl.u32 s1, $0x2  }
0xba: {  	s3 =	sand.u32 $0x4000, s31;
	s1 =	sadd.s32 s1, s30  }
0xbb: {  	s0 =	sor.u32 s3, s0;
	s1 =	sshll.u32 s1, $0x11  }
0xbc: {  	s0 =	sor.u32 s1, s0  }
0xbd: {  	s0 =	sadd.s32 $0x8F2B, s0  }
0xbe: {  	[sflag:s0] =	ssyncadd.remote.s32 $0x1  }
0xbf: {  	_ =	sfence.sel $0xFFFF  }
0xc0: {  	[dreg:$0x0] =	wrdreg $0xFFFFFFFF;
	(pc) =	sbr.abs _section_cstart, $3  }
0xc1: {  	[dreg:$0x1] =	wrdreg $0xFFFFFFFF  }
0xc2: {  	_ =	task.clear_ibuf [dreg:s7], $0x2FFFF;
	_ =	strace $0x9FFFFFFF  }
0xc3: {  	(tm) =	ssettm $0x7FFFFFFF  }
tec
execute0_lowered:
.L_overlay_start_1:
0x0: {  	(tag) =	ssettag $0x1  }
0x1: {  	s6 =	rddreg [dreg:$0x0]  }
0x2: {  	s0 =	srdreg.scid;
	s7 =	rddreg [dreg:$0x1]  }
0x3: {  	s2 =	rddreg [dreg:$0x2];
	s3 =	simm.s32 $0x0;
	s15 =	simm.s32 $0x80  }
0x4: {  	s16 =	simm.s32 $0x16800;
	s17 =	simm.s32 $0x14080;
	s18 =	simm.s32 $0x1A800  }
0x5: {  	s19 =	simm.s32 $0x1;
	s20 =	simm.s32 $0x2;
	s21 =	simm.s32 $0x3  }
0x6: {  	s22 =	simm.s32 $0x4;
	s23 =	simm.s32 $0x16700;
	s24 =	simm.s32 $0x16780  }
0x7: {  	s25 =	simm.s32 $0x0;
	s5 =	sand.u32 $0x1, s0;
	s0 =	stileid.u32  }
0x8: {  	[smem:$0x7FF] =	sst s3;
	s4 =	sadd.s32 $0x7C00, s6;
	s9 =	smul.u32 $0x140000, s5  }
0x9: {  	s1 =	sshll.u32 s5, $0x4;
	s10 =	smul.u32 $0x14000, s0;
	s29 =	ssub.s32 $0x2, s5  }
0xa: {  	s12 =	smul.u32 $0x50000, s0;
	s5 =	sadd.s32 $0x2FC00, s6;
	s13 =	sshll.u32 s0, $0x6  }
0xb: {  	s1 =	sor.u32 s0, s1;
	s30 =	sshrl.u32 s29, $0x1;
	s13 =	sor.u32 $0x1C05, s13  }
0xc: {  	s8 =	smul.u32 $0x280, s1;
	s1 =	rddreg [dreg:$0x3];
	_ =	strace $0x8000004D  }
0xd: {  	s9 =	sadd.s32 s10, s9;
	s10 =	ssub.s32 s29, s30;
	s31 =	sshrl.u32 s12, $0x2  }
0xe: {  	s12 =	simm.s32 $0x15400;
	s9 =	sshrl.u32 s9, $0x3;
	s14 =	sadd.s32 s31, s2  }
0xf: {  	s11 =	sadd.s32 s8, s6;
	s9 =	sadd.s32 s9, s6;
	s7 =	sadd.s32 s7, s8  }
0x10: {  	s14 =	sshrl.u32 s14, $0x3;
	s6 =	sadd.s32 $0x2C00, s11;
	s8 =	sadd.s32 $0x32400, s9  }
0x11: {  	s9 =	smax.u32 s10, $0x1;
	s10 =	simm.s32 $0x14000;
	s11 =	simm.s32 $0x5  }
.LBB2_1:
0x12: {  	[tilespmem:s10], [sflag:$0x5] =	stream.linear.gather [hbm4b:s6+s3], $0x1400, $0x38;
	[tilespmem:$0x1E800] =	vst v63  }
0x13: {  	_ =	swait.ge [sflag:s11], $0x1400  }
0x14: {  	[sflag:s11] =	ssyncset.done $0x0  }
0x15: {  	[sflag:s11] =	ssyncadd.s32 $0xFFFFEC00  }
0x16: {  	[tilespmem:s12], [sflag:$0x5] =	stream.linear.gather [hbm4b:s7+s3], $0x1400, $0x38;
	[tilespmem:$0x1E800] =	vst v63  }
0x17: {  	_ =	swait.ge [sflag:s11], $0x1400  }
0x18: {  	[sflag:s11] =	ssyncset.done $0x0  }
0x19: {  	[sflag:s11] =	ssyncadd.s32 $0xFFFFEC00  }
0x1a: {  	[spmem:s14], [sflag:s13] =	dma.local [hbm:s5], $0x2800  }
0x1b: {  	_ =	swait.ge [sflag:s11], $0x2800  }
0x1c: {  	[sflag:s11] =	ssyncset.done $0x0  }
0x1d: {  	[sflag:s11] =	ssyncadd.s32 $0xFFFFD800  }
0x1e: {  	[bflag:$0x0] =	sbarrier.arrive $0xFFFF  }
0x1f: {  	[tilespmem:s16], [sflag:$0x1] =	stream.indirect.gather [hbm4b:s4+s15], $0x80, s10, s15, $0xb8;
	[tilespmem:$0x1E800] =	vst v63  }
0x20: {  	_ = 	snop  }
0x21: {  	[tilespmem:s18], [sflag:$0x2] =	stream.indirect.gather [hbm4b:s4+s15], $0x80, s17, s15, $0xb8;
	[tilespmem:$0x1E800] =	vst v63  }
0x22: {  	_ =	swait.ge [sflag:s19], $0x4000  }
0x23: {  	[sflag:s19] =	ssyncset.done $0x0  }
0x24: {  	s26 =	simm.s32 $0x15400;
	[sflag:s19] =	ssyncadd.s32 $0xFFFFC000  }
0x25: {  	[spmem:s2] =	stream.indirect.scatter.add.f32 [tilespmem:s16], [sflag:$0x3], $0x80, s26, s15, $0xb8;
	[tilespmem:$0x1E800] =	vst v63  }
0x26: {  	_ =	swait.ge [sflag:s20], $0x4000  }
0x27: {  	[sflag:s20] =	ssyncset.done $0x0  }
0x28: {  	s30 =	simm.s32 $0x15480;
	[sflag:s20] =	ssyncadd.s32 $0xFFFFC000  }
0x29: {  	[spmem:s2] =	stream.indirect.scatter.add.f32 [tilespmem:s18], [sflag:$0x4], $0x80, s30, s15, $0xb8;
	[tilespmem:$0x1E800] =	vst v63  }
0x2a: {  	_ =	swait.ge [sflag:s21], $0x4000  }
0x2b: {  	[sflag:s21] =	ssyncset.done $0x0  }
0x2c: {  	s31 =	simm.s32 $0x14100;
	[sflag:s21] =	ssyncadd.s32 $0xFFFFC000  }
0x2d: {  	[tilespmem:s16], [sflag:$0x1] =	stream.indirect.gather [hbm4b:s4+s15], $0x80, s31, s15, $0xb8;
	[tilespmem:$0x1E800] =	vst v63  }
0x2e: {  	_ =	swait.ge [sflag:s22], $0x4000  }
0x2f: {  	[sflag:s22] =	ssyncset.done $0x0  }
0x30: {  	s28 =	simm.s32 $0x14180;
	s26 =	simm.s32 $0x400;
	[sflag:s22] =	ssyncadd.s32 $0xFFFFC000  }
.LBB2_2:
0x31: {  	[tilespmem:s18], [sflag:$0x2] =	stream.indirect.gather [hbm4b:s4+s15], $0x80, s28, s15, $0xb8;
	[tilespmem:$0x1E800] =	vst v63  }
0x32: {  	s28 =	smov.u32 s26  }
0x33: {  	p0 =	sne.s32 s26, $0x4800;
	s26 =	sadd.s32 $0x400, s26;
	_ =	swait.ge [sflag:s19], $0x4000  }
0x34: {  	s28 =	sshra.s32 s28, $0x2;
	[sflag:s19] =	ssyncset.done $0x0  }
0x35: {  	s29 =	sadd.s32 $0x15400, s28;
	[sflag:s19] =	ssyncadd.s32 $0xFFFFC000  }
0x36: {  	[spmem:s2] =	stream.indirect.scatter.add.f32 [tilespmem:s16], [sflag:$0x3], $0x80, s29, s15, $0xb8;
	[tilespmem:$0x1E800] =	vst v63  }
0x37: {  	_ =	swait.ge [sflag:s20], $0x4000  }
0x38: {  	[sflag:s20] =	ssyncset.done $0x0  }
0x39: {  	s29 =	sadd.s32 $0x15480, s28;
	[sflag:s20] =	ssyncadd.s32 $0xFFFFC000  }
0x3a: {  	[spmem:s2] =	stream.indirect.scatter.add.f32 [tilespmem:s18], [sflag:$0x4], $0x80, s29, s15, $0xb8;
	[tilespmem:$0x1E800] =	vst v63  }
0x3b: {  	_ =	swait.ge [sflag:s21], $0x4000  }
0x3c: {  	[sflag:s21] =	ssyncset.done $0x0  }
.Ltmp0:
0x3d: {  	s29 =	sadd.s32 $0x14100, s28;
	[sflag:s21] =	ssyncadd.s32 $0xFFFFC000;
	(pc) =	sbr.rel @p0 .LBB2_2-.Ltmp0, $4  }
0x3e: {  	[tilespmem:s16], [sflag:$0x1] =	stream.indirect.gather [hbm4b:s4+s15], $0x80, s29, s15, $0xb8;
	[tilespmem:$0x1E800] =	vst v63  }
0x3f: {  	_ =	swait.ge [sflag:s22], $0x4000  }
0x40: {  	[sflag:s22] =	ssyncset.done $0x0  }
0x41: {  	s28 =	sadd.s32 $0x14180, s28;
	[sflag:s22] =	ssyncadd.s32 $0xFFFFC000  }
0x42: {  	[tilespmem:s18], [sflag:$0x2] =	stream.indirect.gather [hbm4b:s4+s15], $0x80, s28, s15, $0xb8;
	[tilespmem:$0x1E800] =	vst v63  }
0x43: {  	_ =	swait.ge [sflag:s19], $0x4000  }
0x44: {  	[sflag:s19] =	ssyncset.done $0x0  }
0x45: {  	[sflag:s19] =	ssyncadd.s32 $0xFFFFC000  }
0x46: {  	[spmem:s2] =	stream.indirect.scatter.add.f32 [tilespmem:s16], [sflag:$0x3], $0x80, s23, s15, $0xb8;
	[tilespmem:$0x1E800] =	vst v63  }
0x47: {  	_ =	swait.ge [sflag:s20], $0x4000  }
0x48: {  	[sflag:s20] =	ssyncset.done $0x0  }
0x49: {  	[sflag:s20] =	ssyncadd.s32 $0xFFFFC000  }
0x4a: {  	[spmem:s2] =	stream.indirect.scatter.add.f32 [tilespmem:s18], [sflag:$0x4], $0x80, s24, s15, $0xb8;
	[tilespmem:$0x1E800] =	vst v63  }
0x4b: {  	_ =	swait.ge [sflag:s21], $0x4000  }
0x4c: {  	[sflag:s21] =	ssyncset.done $0x0  }
0x4d: {  	[sflag:s21] =	ssyncadd.s32 $0xFFFFC000  }
0x4e: {  	_ =	swait.ge [sflag:s22], $0x4000  }
0x4f: {  	s25 =	sadd.s32 $0x1, s25;
	[sflag:s22] =	ssyncset.done $0x0  }
0x50: {  	p0 =	sne.s32 s25, s9;
	[sflag:s22] =	ssyncadd.s32 $0xFFFFC000  }
.Ltmp1:
0x51: {  	[bflag:$0x0] =	sbarrier.arrive $0xFFFF;
	(pc) =	sbr.rel @p0 .LBB2_1-.Ltmp1, $4  }
0x52: {  	[hbm:s8], [sflag:s13] =	dma.local [spmem:s14], $0x2800  }
0x53: {  	_ =	swait.ge [sflag:s11], $0x2800  }
0x54: {  	[sflag:s11] =	ssyncset.done $0x0  }
0x55: {  	[sflag:s11] =	ssyncadd.s32 $0xFFFFD800  }
0x56: {  	_ =	sfence.sel $0x180000  }
0x57: {  	[bflag:$0x0] =	sbarrier.arrive $0xFFFF  }
0x58: {  	p0 =	sne.s32 s0, $0x0;
	_ =	strace $0x9000004D  }
0x59: {  	s0 =	sadd.s32 @!p0 $0x100000, s1;
	[bflag:$0x2] =	sbarrier.arrive $0xFFFF  }
0x5a: {  	[sflag:s0] =	ssyncadd.tile.s32 @!p0 $0x1;
	_ =	shalt  }
.Lfunc_end2:
_tile_overlayer_lowered:
.L_overlay_start_2:
0x5b: {  	(tag) =	ssettag $0x2  }
0x5c: {  	s0 =	rddreg [dreg:$0x0];
	s2 =	stileid.u32  }
0x5d: {  	s1 =	rddreg [dreg:$0x1];
	p0 =	sne.s32 s2, $0x0  }
0x5e: {  	s3 =	rddreg [dreg:$0x2];
	[bflag:$0x3] =	sbarrier.arrive $0xFFFF;
	s2 =	simm.s32 @!p0 $0x1C05  }
0x5f: {  	[timem:s3], [sflag:s2] =	dma.local @!p0 [hbm:s0], s1  }
0x60: {  	s0 =	simm.s32 @!p0 $0x5  }
0x61: {  	_ =	swait.ge @!p0 [sflag:s0], s1  }
0x62: {  	s1 =	ssub.s32 @!p0 $0x0, s1;
	[sflag:s0] =	ssyncset.done @!p0 $0x0  }
0x63: {  	[sflag:s0] =	ssyncadd.s32 @!p0 s1  }
0x64: {  	[bflag:$0x3] =	sbarrier.arrive $0xFFFF  }
0x65: {  	_ =	shalt  }

// kernel: kernel.19.cloned.1.call-start
scs
__scs_entry_jumppad:
0x0: {  	(pc) =	sbr.rel $0x88, $3  }
0x1: {  	(tag) =	ssettag $0x0;
	lr =	simm.s32 $0x1  }
0x2: {  	[smem:$0x3F99] =	sst lr;
	_ =	strace $0xD0000000  }
0x3: {  	_ = 	snop  }
0x4: {  	_ = 	snop  }
0x5: {  	_ = 	snop  }
0x6: {  	_ = 	snop  }
0x7: {  	_ = 	snop  }
__scs_overlays_trampoline_lowered:
0x8: {  	[smem:$0x3FA8] =	sst s0  }
0x9: {  	[smem:$0x3FA9] =	sst s1  }
0xa: {  	[smem:$0x3FAA] =	sst s2  }
0xb: {  	[smem:$0x3FAB] =	sst s3  }
0xc: {  	[smem:$0x3FAC] =	sst s4  }
0xd: {  	[smem:$0x3FAD] =	sst s5  }
0xe: {  	[smem:$0x3FAE] =	sst s6  }
0xf: {  	[smem:$0x3FAF] =	sst s7  }
0x10: {  	[smem:$0x3FB0] =	sst s8  }
0x11: {  	[smem:$0x3FB1] =	sst s9;
	s0 =	simm.s32 @!p0 $0x0  }
0x12: {  	s1 =	sld [smem:$0x3F97];
	s0 =	simm.s32 @p0 $0x1  }
0x13: {  	[smem:$0x3FB2] =	sst s0;
	s0 =	simm.s32 @!p1 $0x0  }
0x14: {  	s2 =	sld [smem:$0x3F96];
	s0 =	simm.s32 @p1 $0x1  }
0x15: {  	[smem:$0x3FB3] =	sst s0;
	s0 =	simm.s32 @!p2 $0x0  }
0x16: {  	s3 =	sld [smem:$0x3FDB];
	s0 =	simm.s32 @p2 $0x1  }
0x17: {  	s4 =	simm.s32 $0x1BF5;
	[smem:$0x3FB5] =	sst s0  }
0x18: {  	s0 =	sld [smem:$0x3F98];
	_ =	swait.ge [sflag:s4], $0x0  }
0x19: {  	s7 =	sld [smem:$0x3F99]  }
0x1a: {  	s8 =	sadd.s32 $0xFFFFE003, lr  }
0x1b: {  	s9 =	sadd.s32 $0xFFFFFEF7, lr;
	s5 =	simm.s32 $0xFFFFFFFF;
	p2 =	slt.u32 s8, $0xFFFFF086  }
0x1c: {  	p1 =	slt.u32 s9, $0xF7A;
	s5 =	simm.s32 @!p2 $0x0  }
0x1d: {  	s5 =	simm.s32 @p1 $0x1;
	p0 =	seq.s32 s7, s2  }
0x1e: {  	s7 =	smul.u32 @!p0 $0xF7A, s2;
	p2 =	seq.s32 @!p0 s5, $0x0  }
0x1f: {  	s9 =	smul.u32 $0xF7A, s1;
	s8 =	simm.s32 @!p0 $0x1BF5;
	p2 =	por !p2, p0  }
0x20: {  	[sflag:s8] =	ssyncset.s32 @!p0 $0xFFFFF086;
	s6 =	sadd.s32 @!p0 s3, s7;
	s7 =	simm.s32 @!p0 $0x108  }
0x21: {  	s3 =	sadd.s32 s3, s9;
	s6 =	sadd.s32 @!p0 $0x88, s6;
	s7 =	simm.s32 @p2 $0x1082  }
0x22: {  	[simem:s7], [sflag:s8] =	dma.local @!p0 [hbm:s6], $0xF7A  }
0x23: {  	s9 =	sor.u32 $0xD0000000, s2;
	s6 =	simm.s32 $0x108;
	_ =	swait.ge @!p0 [sflag:s8], $0x0  }
0x24: {  	s3 =	sadd.s32 $0x88, s3;
	s6 =	simm.s32 @!p1 $0x1082;
	[sflag:s4] =	ssyncset.s32 $0xFFFFF086  }
0x25: {  	[simem:s6], [sflag:s4] =	dma.local [hbm:s3], $0xF7A  }
0x26: {  	[smem:$0x3F99] =	sst s1;
	(tag) =	ssettag s2;
	_ =	strace s9  }
0x27: {  	s1 =	sld [smem:$0x3FA9]  }
0x28: {  	s2 =	sld [smem:$0x3FAA]  }
0x29: {  	s4 =	sld [smem:$0x3FAC]  }
0x2a: {  	p0 =	seq.s32 s5, $0x0;
	s5 =	sld [smem:$0x3FAD]  }
0x2b: {  	s6 =	sld [smem:$0x3FAE]  }
0x2c: {  	s7 =	sld [smem:$0x3FAF]  }
0x2d: {  	s3 =	simm.s32 $0x108;
	s8 =	sld [smem:$0x3FB0]  }
0x2e: {  	s3 =	simm.s32 @!p0 $0x1082;
	s9 =	sld [smem:$0x3FB1]  }
0x2f: {  	lr =	sadd.s32 s0, s3;
	s0 =	sld [smem:$0x3FA8]  }
0x30: {  	s3 =	sld [smem:$0x3FAB]  }
0x31: {  	[smem:$0x3FB4] =	sst s10  }
0x32: {  	s10 =	sld [smem:$0x3FB2];
	_ =	sdelay $0x3  }
0x33: {  	p0 =	seq.s32 s10, $0x1;
	s10 =	sld [smem:$0x3FB4];
	_ =	sdelay $0x3  }
0x34: {  	[smem:$0x3FB4] =	sst s10  }
0x35: {  	s10 =	sld [smem:$0x3FB3];
	_ =	sdelay $0x3  }
0x36: {  	p1 =	seq.s32 s10, $0x1;
	s10 =	sld [smem:$0x3FB4];
	_ =	sdelay $0x3  }
0x37: {  	[smem:$0x3FB4] =	sst s10  }
0x38: {  	s10 =	sld [smem:$0x3FB5]  }
0x39: {  	_ = 	snop;
	(pc) =	sbr.ind lr, $3  }
0x3a: {  	_ = 	snop  }
0x3b: {  	_ = 	snop  }
0x3c: {  	p2 =	seq.s32 s10, $0x1;
	s10 =	sld [smem:$0x3FB4]  }
0x3d: {  	_ =	shalt  }
0x3e: {  	_ =	shalt  }
0x3f: {  	_ =	shalt  }
0x40: {  	_ =	shalt  }
0x41: {  	_ =	shalt  }
0x42: {  	_ =	shalt  }
0x43: {  	_ =	shalt  }
0x44: {  	_ =	shalt  }
0x45: {  	_ =	shalt  }
0x46: {  	_ =	shalt  }
0x47: {  	_ =	shalt  }
0x48: {  	_ =	shalt  }
0x49: {  	_ =	shalt  }
0x4a: {  	_ =	shalt  }
0x4b: {  	_ =	shalt  }
0x4c: {  	_ =	shalt  }
0x4d: {  	_ =	shalt  }
0x4e: {  	_ =	shalt  }
0x4f: {  	_ =	shalt  }
0x50: {  	_ =	shalt  }
0x51: {  	_ =	shalt  }
0x52: {  	_ =	shalt  }
0x53: {  	_ =	shalt  }
0x54: {  	_ =	shalt  }
0x55: {  	_ =	shalt  }
0x56: {  	_ =	shalt  }
0x57: {  	_ =	shalt  }
0x58: {  	_ =	shalt  }
0x59: {  	_ =	shalt  }
0x5a: {  	_ =	shalt  }
0x5b: {  	_ =	shalt  }
0x5c: {  	_ =	shalt  }
0x5d: {  	_ =	shalt  }
0x5e: {  	_ =	shalt  }
0x5f: {  	_ =	shalt  }
0x60: {  	_ =	shalt  }
0x61: {  	_ =	shalt  }
0x62: {  	_ =	shalt  }
0x63: {  	_ =	shalt  }
0x64: {  	_ =	shalt  }
0x65: {  	_ =	shalt  }
0x66: {  	_ =	shalt  }
0x67: {  	_ =	shalt  }
0x68: {  	_ =	shalt  }
0x69: {  	_ =	shalt  }
0x6a: {  	_ =	shalt  }
0x6b: {  	_ =	shalt  }
0x6c: {  	_ =	shalt  }
0x6d: {  	_ =	shalt  }
0x6e: {  	_ =	shalt  }
0x6f: {  	_ =	shalt  }
0x70: {  	_ =	shalt  }
0x71: {  	_ =	shalt  }
0x72: {  	_ =	shalt  }
0x73: {  	_ =	shalt  }
0x74: {  	_ =	shalt  }
0x75: {  	_ =	shalt  }
0x76: {  	_ =	shalt  }
0x77: {  	_ =	shalt  }
0x78: {  	_ =	shalt  }
0x79: {  	_ =	shalt  }
0x7a: {  	_ =	shalt  }
0x7b: {  	_ =	shalt  }
0x7c: {  	_ =	shalt  }
0x7d: {  	_ =	shalt  }
0x7e: {  	_ =	shalt  }
0x7f: {  	_ =	shalt  }
0x80: {  	_ =	shalt  }
0x81: {  	_ =	shalt  }
0x82: {  	_ =	shalt  }
0x83: {  	_ =	shalt  }
0x84: {  	_ =	shalt  }
0x85: {  	_ =	shalt  }
0x86: {  	_ =	shalt  }
0x87: {  	_ =	shalt  }
.Lfunc_end0:
.L_simem_size_0:
called_computation.3_lowered:
.L_overlay_start_0:
0x88: {  	s2 =	sld [smem:$0x3FD9]  }
0x89: {  	s3 =	sld [smem:$0x3FFE];
	_ =	sdelay $0x1  }
0x8a: {  	s1 =	srdreg.scid  }
0x8b: {  	s0 =	sand.u32 $0x1, s1  }
0x8c: {  	s17 =	sshll.u32 s0, $0xA;
	s2 =	sadd.s32 s3, s2  }
0x8d: {  	s2 =	sadd.s32 s2, s17  }
0x8e: {  	[smem:$0x3FC0] =	sst s2  }
0x8f: {  	_ = 	snop  }
0x90: {  	s2 =	sld [smem:$0x3FD0];
	(tm) =	ssettm $0x1  }
0x91: {  	s18 =	sld [smem:$0x3FFB];
	_ =	sdelay $0x3  }
0x92: {  	_ =	strace s18  }
0x93: {  	s3 =	sld [smem:$0x3FFC];
	_ =	sdelay $0x3  }
0x94: {  	_ =	strace s3  }
0x95: {  	s3 =	sld [smem:$0x3FFD];
	_ =	sdelay $0x3  }
0x96: {  	_ =	strace s3  }
0x97: {  	_ =	strace $0x8FFFFFFF  }
0x98: {  	s19 =	sld [smem:$0x3FDB];
	_ =	sdelay $0x1  }
0x99: {  	s4 =	simm.s32 $_scs_section_size  }
0x9a: {  	s5 =	simm.s32 $_size__tile_overlayer_lowered;
	s6 =	simm.s32 $_tile_overlayer_lowered  }
0x9b: {  	s22 =	simm.s32 $0x1BFF;
	s21 =	sshll.u32 s6, $0x1;
	s3 =	sadd.s32 s4, s19  }
0x9c: {  	s7 =	simm.s32 $0x0;
	s20 =	sshll.u32 s5, $0x1;
	s5 =	sadd.s32 s21, s3  }
0x9d: {  	[timem:s7], [sflag:s22] =	dma.local [hbm:s5], s20  }
0x9e: {  	_ =	swait.ge [sflag:s22], s20  }
0x9f: {  	s4 =	ssub.s32 $0x0, s20;
	[sflag:s22] =	ssyncset.done $0x0  }
0xa0: {  	[sflag:s22] =	ssyncadd.s32 s4;
	_ =	sdelay $0x1  }
0xa1: {  	s23 =	simm.s32 $0x1B8B  }
0xa2: {  	_ =	swait.ge [sflag:s23], $0x1  }
0xa3: {  	[sflag:s23] =	ssyncset.done $0x0  }
0xa4: {  	s25 =	simm.s32 $0x1B8E;
	s24 =	sld [smem:$0x3FFE];
	[sflag:s23] =	ssyncadd.s32 $0xFFFFFFFF  }
0xa5: {  	s26 =	simm.s32 $execute0_lowered;
	[smem:$0x3FD2] =	sst s25  }
0xa6: {  	s5 =	sshll.u32 s26, $0x1;
	_ =	strace $0x8000004F;
	[dreg:$0x1] =	wrdreg $0xFFFFFFFF  }
0xa7: {  	s28 =	simm.s32 $_size_execute0_lowered;
	s3 =	sadd.s32 s3, s5;
	[dreg:$0x0] =	wrdreg $0x0  }
0xa8: {  	s5 =	sshll.u32 s28, $0x1;
	[dreg:$0x2] =	wrdreg s3  }
0xa9: {  	[dreg:$0x3] =	wrdreg s5  }
0xaa: {  	[dreg:$0x4] =	wrdreg $0xC0  }
0xab: {  	_ =	task [dreg:s7], $0x5FFFF  }
0xac: {  	[dreg:$0x1] =	wrdreg $0xFFFFFFFF  }
0xad: {  	[dreg:$0x0] =	wrdreg $0x60  }
0xae: {  	[dreg:$0x2] =	wrdreg s24  }
0xaf: {  	[dreg:$0x3] =	wrdreg s2  }
0xb0: {  	[dreg:$0x4] =	wrdreg $0x0  }
0xb1: {  	[dreg:$0x5] =	wrdreg $0x9  }
0xb2: {  	_ =	task.clear_ibuf [dreg:s7], $0x6FFFF;
	_ =	strace $0x9000004F  }
0xb3: {  	s29 =	simm.s32 $0x9;
	_ =	strace $0x80000051  }
0xb4: {  	_ =	swait.ge [sflag:s29], $0x1  }
0xb5: {  	[sflag:s29] =	ssyncadd.s32 $0xFFFFFFFF  }
0xb6: {  	_ =	strace $0x90000051  }
0xb7: {  	_ =	sfence  }
0xb8: {  	s30 =	sld [smem:$0x0];
	_ =	sdelay $0x2  }
0xb9: {  	s31 =	sshll.u32 s1, $0xD;
	s1 =	sshrl.u32 s1, $0x2  }
0xba: {  	s3 =	sand.u32 $0x4000, s31;
	s1 =	sadd.s32 s1, s30  }
0xbb: {  	s0 =	sor.u32 s3, s0;
	s1 =	sshll.u32 s1, $0x11  }
0xbc: {  	s0 =	sor.u32 s1, s0  }
0xbd: {  	s0 =	sadd.s32 $0x8F2B, s0  }
0xbe: {  	[sflag:s0] =	ssyncadd.remote.s32 $0x1  }
0xbf: {  	_ =	sfence.sel $0xFFFF  }
0xc0: {  	[dreg:$0x0] =	wrdreg $0xFFFFFFFF;
	(pc) =	sbr.abs _section_cstart, $3  }
0xc1: {  	[dreg:$0x1] =	wrdreg $0xFFFFFFFF  }
0xc2: {  	_ =	task.clear_ibuf [dreg:s7], $0x2FFFF;
	_ =	strace $0x9FFFFFFF  }
0xc3: {  	(tm) =	ssettm $0x7FFFFFFF  }
tec
execute0_lowered:
.L_overlay_start_1:
0x0: {  	(tag) =	ssettag $0x1  }
0x1: {  	s6 =	rddreg [dreg:$0x0]  }
0x2: {  	s0 =	srdreg.scid;
	s7 =	rddreg [dreg:$0x1]  }
0x3: {  	s2 =	rddreg [dreg:$0x2];
	s3 =	simm.s32 $0x0;
	s15 =	simm.s32 $0x80  }
0x4: {  	s16 =	simm.s32 $0x16800;
	s17 =	simm.s32 $0x14080;
	s18 =	simm.s32 $0x1A800  }
0x5: {  	s19 =	simm.s32 $0x1;
	s20 =	simm.s32 $0x2;
	s21 =	simm.s32 $0x3  }
0x6: {  	s22 =	simm.s32 $0x4;
	s23 =	simm.s32 $0x16700;
	s24 =	simm.s32 $0x16780  }
0x7: {  	s25 =	simm.s32 $0x0;
	s5 =	sand.u32 $0x1, s0;
	s0 =	stileid.u32  }
0x8: {  	[smem:$0x7FF] =	sst s3;
	s4 =	sadd.s32 $0x7C00, s6;
	s9 =	smul.u32 $0x140000, s5  }
0x9: {  	s1 =	sshll.u32 s5, $0x4;
	s10 =	smul.u32 $0x14000, s0;
	s29 =	ssub.s32 $0x2, s5  }
0xa: {  	s12 =	smul.u32 $0x50000, s0;
	s5 =	sadd.s32 $0x2FC00, s6;
	s13 =	sshll.u32 s0, $0x6  }
0xb: {  	s1 =	sor.u32 s0, s1;
	s30 =	sshrl.u32 s29, $0x1;
	s13 =	sor.u32 $0x1C05, s13  }
0xc: {  	s8 =	smul.u32 $0x280, s1;
	s1 =	rddreg [dreg:$0x3];
	_ =	strace $0x80000050  }
0xd: {  	s9 =	sadd.s32 s10, s9;
	s10 =	ssub.s32 s29, s30;
	s31 =	sshrl.u32 s12, $0x2  }
0xe: {  	s12 =	simm.s32 $0x15400;
	s9 =	sshrl.u32 s9, $0x3;
	s14 =	sadd.s32 s31, s2  }
0xf: {  	s11 =	sadd.s32 s8, s6;
	s9 =	sadd.s32 s9, s6;
	s7 =	sadd.s32 s7, s8  }
0x10: {  	s14 =	sshrl.u32 s14, $0x3;
	s6 =	sadd.s32 $0x2C00, s11;
	s8 =	sadd.s32 $0x32400, s9  }
0x11: {  	s9 =	smax.u32 s10, $0x1;
	s10 =	simm.s32 $0x14000;
	s11 =	simm.s32 $0x5  }
.LBB2_1:
0x12: {  	[tilespmem:s10], [sflag:$0x5] =	stream.linear.gather [hbm4b:s6+s3], $0x1400, $0x38;
	[tilespmem:$0x1E800] =	vst v63  }
0x13: {  	_ =	swait.ge [sflag:s11], $0x1400  }
0x14: {  	[sflag:s11] =	ssyncset.done $0x0  }
0x15: {  	[sflag:s11] =	ssyncadd.s32 $0xFFFFEC00  }
0x16: {  	[tilespmem:s12], [sflag:$0x5] =	stream.linear.gather [hbm4b:s7+s3], $0x1400, $0x38;
	[tilespmem:$0x1E800] =	vst v63  }
0x17: {  	_ =	swait.ge [sflag:s11], $0x1400  }
0x18: {  	[sflag:s11] =	ssyncset.done $0x0  }
0x19: {  	[sflag:s11] =	ssyncadd.s32 $0xFFFFEC00  }
0x1a: {  	[spmem:s14], [sflag:s13] =	dma.local [hbm:s5], $0x2800  }
0x1b: {  	_ =	swait.ge [sflag:s11], $0x2800  }
0x1c: {  	[sflag:s11] =	ssyncset.done $0x0  }
0x1d: {  	[sflag:s11] =	ssyncadd.s32 $0xFFFFD800  }
0x1e: {  	[bflag:$0x0] =	sbarrier.arrive $0xFFFF  }
0x1f: {  	[tilespmem:s16], [sflag:$0x1] =	stream.indirect.gather [hbm4b:s4+s15], $0x80, s10, s15, $0xb8;
	[tilespmem:$0x1E800] =	vst v63  }
0x20: {  	_ = 	snop  }
0x21: {  	[tilespmem:s18], [sflag:$0x2] =	stream.indirect.gather [hbm4b:s4+s15], $0x80, s17, s15, $0xb8;
	[tilespmem:$0x1E800] =	vst v63  }
0x22: {  	_ =	swait.ge [sflag:s19], $0x4000  }
0x23: {  	[sflag:s19] =	ssyncset.done $0x0  }
0x24: {  	s26 =	simm.s32 $0x15400;
	[sflag:s19] =	ssyncadd.s32 $0xFFFFC000  }
0x25: {  	[spmem:s2] =	stream.indirect.scatter.add.f32 [tilespmem:s16], [sflag:$0x3], $0x80, s26, s15, $0xb8;
	[tilespmem:$0x1E800] =	vst v63  }
0x26: {  	_ =	swait.ge [sflag:s20], $0x4000  }
0x27: {  	[sflag:s20] =	ssyncset.done $0x0  }
0x28: {  	s30 =	simm.s32 $0x15480;
	[sflag:s20] =	ssyncadd.s32 $0xFFFFC000  }
0x29: {  	[spmem:s2] =	stream.indirect.scatter.add.f32 [tilespmem:s18], [sflag:$0x4], $0x80, s30, s15, $0xb8;
	[tilespmem:$0x1E800] =	vst v63  }
0x2a: {  	_ =	swait.ge [sflag:s21], $0x4000  }
0x2b: {  	[sflag:s21] =	ssyncset.done $0x0  }
0x2c: {  	s31 =	simm.s32 $0x14100;
	[sflag:s21] =	ssyncadd.s32 $0xFFFFC000  }
0x2d: {  	[tilespmem:s16], [sflag:$0x1] =	stream.indirect.gather [hbm4b:s4+s15], $0x80, s31, s15, $0xb8;
	[tilespmem:$0x1E800] =	vst v63  }
0x2e: {  	_ =	swait.ge [sflag:s22], $0x4000  }
0x2f: {  	[sflag:s22] =	ssyncset.done $0x0  }
0x30: {  	s28 =	simm.s32 $0x14180;
	s26 =	simm.s32 $0x400;
	[sflag:s22] =	ssyncadd.s32 $0xFFFFC000  }
.LBB2_2:
0x31: {  	[tilespmem:s18], [sflag:$0x2] =	stream.indirect.gather [hbm4b:s4+s15], $0x80, s28, s15, $0xb8;
	[tilespmem:$0x1E800] =	vst v63  }
0x32: {  	s28 =	smov.u32 s26  }
0x33: {  	p0 =	sne.s32 s26, $0x4800;
	s26 =	sadd.s32 $0x400, s26;
	_ =	swait.ge [sflag:s19], $0x4000  }
0x34: {  	s28 =	sshra.s32 s28, $0x2;
	[sflag:s19] =	ssyncset.done $0x0  }
0x35: {  	s29 =	sadd.s32 $0x15400, s28;
	[sflag:s19] =	ssyncadd.s32 $0xFFFFC000  }
0x36: {  	[spmem:s2] =	stream.indirect.scatter.add.f32 [tilespmem:s16], [sflag:$0x3], $0x80, s29, s15, $0xb8;
	[tilespmem:$0x1E800] =	vst v63  }
0x37: {  	_ =	swait.ge [sflag:s20], $0x4000  }
0x38: {  	[sflag:s20] =	ssyncset.done $0x0  }
0x39: {  	s29 =	sadd.s32 $0x15480, s28;
	[sflag:s20] =	ssyncadd.s32 $0xFFFFC000  }
0x3a: {  	[spmem:s2] =	stream.indirect.scatter.add.f32 [tilespmem:s18], [sflag:$0x4], $0x80, s29, s15, $0xb8;
	[tilespmem:$0x1E800] =	vst v63  }
0x3b: {  	_ =	swait.ge [sflag:s21], $0x4000  }
0x3c: {  	[sflag:s21] =	ssyncset.done $0x0  }
.Ltmp0:
0x3d: {  	s29 =	sadd.s32 $0x14100, s28;
	[sflag:s21] =	ssyncadd.s32 $0xFFFFC000;
	(pc) =	sbr.rel @p0 .LBB2_2-.Ltmp0, $4  }
0x3e: {  	[tilespmem:s16], [sflag:$0x1] =	stream.indirect.gather [hbm4b:s4+s15], $0x80, s29, s15, $0xb8;
	[tilespmem:$0x1E800] =	vst v63  }
0x3f: {  	_ =	swait.ge [sflag:s22], $0x4000  }
0x40: {  	[sflag:s22] =	ssyncset.done $0x0  }
0x41: {  	s28 =	sadd.s32 $0x14180, s28;
	[sflag:s22] =	ssyncadd.s32 $0xFFFFC000  }
0x42: {  	[tilespmem:s18], [sflag:$0x2] =	stream.indirect.gather [hbm4b:s4+s15], $0x80, s28, s15, $0xb8;
	[tilespmem:$0x1E800] =	vst v63  }
0x43: {  	_ =	swait.ge [sflag:s19], $0x4000  }
0x44: {  	[sflag:s19] =	ssyncset.done $0x0  }
0x45: {  	[sflag:s19] =	ssyncadd.s32 $0xFFFFC000  }
0x46: {  	[spmem:s2] =	stream.indirect.scatter.add.f32 [tilespmem:s16], [sflag:$0x3], $0x80, s23, s15, $0xb8;
	[tilespmem:$0x1E800] =	vst v63  }
0x47: {  	_ =	swait.ge [sflag:s20], $0x4000  }
0x48: {  	[sflag:s20] =	ssyncset.done $0x0  }
0x49: {  	[sflag:s20] =	ssyncadd.s32 $0xFFFFC000  }
0x4a: {  	[spmem:s2] =	stream.indirect.scatter.add.f32 [tilespmem:s18], [sflag:$0x4], $0x80, s24, s15, $0xb8;
	[tilespmem:$0x1E800] =	vst v63  }
0x4b: {  	_ =	swait.ge [sflag:s21], $0x4000  }
0x4c: {  	[sflag:s21] =	ssyncset.done $0x0  }
0x4d: {  	[sflag:s21] =	ssyncadd.s32 $0xFFFFC000  }
0x4e: {  	_ =	swait.ge [sflag:s22], $0x4000  }
0x4f: {  	s25 =	sadd.s32 $0x1, s25;
	[sflag:s22] =	ssyncset.done $0x0  }
0x50: {  	p0 =	sne.s32 s25, s9;
	[sflag:s22] =	ssyncadd.s32 $0xFFFFC000  }
.Ltmp1:
0x51: {  	[bflag:$0x0] =	sbarrier.arrive $0xFFFF;
	(pc) =	sbr.rel @p0 .LBB2_1-.Ltmp1, $4  }
0x52: {  	[hbm:s8], [sflag:s13] =	dma.local [spmem:s14], $0x2800  }
0x53: {  	_ =	swait.ge [sflag:s11], $0x2800  }
0x54: {  	[sflag:s11] =	ssyncset.done $0x0  }
0x55: {  	[sflag:s11] =	ssyncadd.s32 $0xFFFFD800  }
0x56: {  	_ =	sfence.sel $0x180000  }
0x57: {  	[bflag:$0x0] =	sbarrier.arrive $0xFFFF  }
0x58: {  	p0 =	sne.s32 s0, $0x0;
	_ =	strace $0x90000050  }
0x59: {  	s0 =	sadd.s32 @!p0 $0x100000, s1;
	[bflag:$0x2] =	sbarrier.arrive $0xFFFF  }
0x5a: {  	[sflag:s0] =	ssyncadd.tile.s32 @!p0 $0x1;
	_ =	shalt  }
.Lfunc_end2:
_tile_overlayer_lowered:
.L_overlay_start_2:
0x5b: {  	(tag) =	ssettag $0x2  }
0x5c: {  	s0 =	rddreg [dreg:$0x0];
	s2 =	stileid.u32  }
0x5d: {  	s1 =	rddreg [dreg:$0x1];
	p0 =	sne.s32 s2, $0x0  }
0x5e: {  	s3 =	rddreg [dreg:$0x2];
	[bflag:$0x3] =	sbarrier.arrive $0xFFFF;
	s2 =	simm.s32 @!p0 $0x1C05  }
0x5f: {  	[timem:s3], [sflag:s2] =	dma.local @!p0 [hbm:s0], s1  }
0x60: {  	s0 =	simm.s32 @!p0 $0x5  }
0x61: {  	_ =	swait.ge @!p0 [sflag:s0], s1  }
0x62: {  	s1 =	ssub.s32 @!p0 $0x0, s1;
	[sflag:s0] =	ssyncset.done @!p0 $0x0  }
0x63: {  	[sflag:s0] =	ssyncadd.s32 @!p0 s1  }
0x64: {  	[bflag:$0x3] =	sbarrier.arrive $0xFFFF  }
0x65: {  	_ =	shalt  }

</sc_bundles>
